<compile_context>
chip_gen: v7x
topology: tpu7x:2x2x1
jax: 0.10.2.dev20260603
libtpu: 0.0.44.dev20260713+nightly
codegen_flags: <defaults>
</compile_context>

<pallas_src>
import functools

import jax
import jax.numpy as jnp
from jax import lax
from jax.experimental import pallas as pl
from jax.experimental.pallas import tpu as pltpu
from jax.experimental.pallas import tpu_sc as plsc

N = 10000
E = 320000
D = 128
H = 128
HD = D // 2
G = 64
GB = 128

NC = 2
NS = 16
NW = NC * NS

NP = 10240
RPT = NP // NS
EK = 80
RING = 6
LAG = 3

EKW = 125
EPT_W = E // NS
NB_W = EPT_W // EKW
EPT_S = E // NW
NB_S = EPT_S // EK
NPS = NP // NS // EK

_mesh = plsc.VectorSubcoreMesh(core_axis_name="c", subcore_axis_name="s")



def _deg_body(dst3, batch3, zeros1, ones_hbm, deg_out, cnt_out,
              didx2, bidx2, ones_v, deg_sh, cnt_sh, ssem):
  cid = lax.axis_index("c")
  sid = lax.axis_index("s")
  wid = cid * NS + sid
  r0 = pl.multiple_of(sid * RPT, 8)
  pltpu.sync_copy(zeros1.at[pl.ds(r0, RPT)], deg_sh.at[pl.ds(r0, RPT)])

  @pl.when(sid == 0)
  def _():
    pltpu.sync_copy(zeros1.at[pl.ds(0, GB)], cnt_sh)

  pltpu.sync_copy(ones_hbm, ones_v)
  pltpu.sync_copy(dst3.at[wid], didx2)
  pltpu.sync_copy(batch3.at[sid], bidx2)
  plsc.subcore_barrier()

  def sdesc(b):
    return pltpu.make_async_copy(ones_v, deg_sh.at[didx2.at[b]], ssem)

  def body(b, carry):
    sdesc(b).start(add=True)

    @pl.when(b >= LAG)
    def _():
      sdesc(0).wait()

    return carry

  lax.fori_loop(0, NB_S, body, 0)
  for _ in range(LAG):
    sdesc(0).wait()

  @pl.when(cid == 0)
  def _():
    for q in range(NPS):
      pltpu.make_async_copy(ones_v, cnt_sh.at[bidx2.at[q]],
                            ssem).start(add=True)
    for q in range(NPS):
      pltpu.make_async_copy(ones_v, cnt_sh.at[bidx2.at[0]], ssem).wait()

  plsc.subcore_barrier()
  pltpu.sync_copy(deg_sh.at[pl.ds(r0, RPT)], deg_out.at[cid, pl.ds(r0, RPT)])

  @pl.when(sid == 0)
  def _():
    pltpu.sync_copy(cnt_sh, cnt_out.at[cid])


_sc_deg = functools.partial(
    pl.kernel,
    out_type=[
        jax.ShapeDtypeStruct((NC, NP), jnp.float32),
        jax.ShapeDtypeStruct((NC, GB), jnp.float32),
    ],
    mesh=_mesh,
    compiler_params=pltpu.CompilerParams(use_tc_tiling_on_sc=False),
    scratch_types=[
        pltpu.VMEM((NB_S, EK), jnp.int32),
        pltpu.VMEM((NPS, EK), jnp.int32),
        pltpu.VMEM((EK,), jnp.float32),
        pltpu.VMEM_SHARED((NP,), jnp.float32),
        pltpu.VMEM_SHARED((GB,), jnp.float32),
        pltpu.SemaphoreType.DMA,
    ],
)(_deg_body)


def _wide_body(src2, dst2, g0, g1, zeros2, acc_out,
               sidx2, didx2, rows, acc_sh, gsem, ssem):
  cid = lax.axis_index("c")
  sid = lax.axis_index("s")
  r0 = pl.multiple_of(sid * RPT, 8)
  pltpu.sync_copy(zeros2.at[pl.ds(r0, RPT)], acc_sh.at[pl.ds(r0, RPT)])
  pltpu.sync_copy(src2.at[sid], sidx2)
  pltpu.sync_copy(dst2.at[sid], didx2)
  plsc.subcore_barrier()

  def sdesc(b):
    return pltpu.make_async_copy(rows.at[b % RING], acc_sh.at[didx2.at[b]],
                                 ssem)

  def run(g_hbm):
    def gstart(b):
      pltpu.make_async_copy(g_hbm.at[sidx2.at[b]], rows.at[b % RING],
                            gsem).start()

    for j in range(LAG):
      gstart(j)

    def body(b, carry):
      @pl.when(b >= LAG)
      def _():
        sdesc(0).wait()

      @pl.when(b + LAG < NB_W)
      def _():
        gstart(b + LAG)

      pltpu.make_async_copy(g_hbm.at[sidx2.at[0]], rows.at[0], gsem).wait()
      sdesc(b).start(add=True)
      return carry

    lax.fori_loop(0, NB_W, body, 0)
    for _ in range(LAG):
      sdesc(0).wait()

  @pl.when(cid == 0)
  def _():
    run(g0)

  @pl.when(cid == 1)
  def _():
    run(g1)

  plsc.subcore_barrier()
  pltpu.sync_copy(acc_sh.at[pl.ds(r0, RPT)], acc_out.at[cid, pl.ds(r0, RPT)])


_sc_wide = functools.partial(
    pl.kernel,
    out_type=jax.ShapeDtypeStruct((NC, NP, HD), jnp.float32),
    mesh=_mesh,
    compiler_params=pltpu.CompilerParams(use_tc_tiling_on_sc=False),
    scratch_types=[
        pltpu.VMEM((NB_W, EKW), jnp.int32),
        pltpu.VMEM((NB_W, EKW), jnp.int32),
        pltpu.VMEM((RING, EKW, HD), jnp.float32),
        pltpu.VMEM_SHARED((NP, HD), jnp.float32),
        pltpu.SemaphoreType.DMA,
        pltpu.SemaphoreType.DMA,
    ],
)(_wide_body)


def _scalar_pool_body(src_f, dst3, gz_hbm, dinv_hbm, batch3, zeros1, num_out,
                      gzrep, sidx_f, didx2, bidx2, stage, wv, dv, tv,
                      w_sh, bins_sh, ssem):
  cid = lax.axis_index("c")
  sid = lax.axis_index("s")
  wid = cid * NS + sid
  r0 = pl.multiple_of(sid * RPT, 8)
  pltpu.sync_copy(zeros1.at[pl.ds(r0, RPT)], w_sh.at[pl.ds(r0, RPT)])

  @pl.when(sid == 0)
  def _():
    pltpu.sync_copy(zeros1.at[pl.ds(0, GB)], bins_sh)

  pltpu.sync_copy(gz_hbm, gzrep)
  pltpu.sync_copy(src_f.at[wid], sidx_f)
  pltpu.sync_copy(dst3.at[wid], didx2)
  pltpu.sync_copy(batch3.at[sid], bidx2)
  pltpu.sync_copy(dinv_hbm.at[pl.ds(r0, RPT)], dv)
  plsc.subcore_barrier()

  def sdesc(b, slot):
    return pltpu.make_async_copy(stage.at[pl.ds(slot * EK, EK)],
                                 w_sh.at[didx2.at[b]], ssem)

  def body(b, carry):
    slot = b % RING

    @pl.when(b >= RING)
    def _():
      sdesc(0, 0).wait()

    for j in range(EK // 16):
      idxv = sidx_f[pl.ds(b * EK + j * 16, 16)]
      vals = plsc.load_gather(gzrep, [idxv])
      stage[pl.ds(slot * EK + j * 16, 16)] = vals
    sdesc(b, slot).start(add=True)
    return carry

  lax.fori_loop(0, NB_S, body, 0)
  for _ in range(RING):
    sdesc(0, 0).wait()
  plsc.subcore_barrier()

  pltpu.sync_copy(w_sh.at[pl.ds(r0, RPT)], wv)

  @pl.when(cid == 0)
  def _():
    for i in range(RPT // 16):
      o = i * 16
      wv[pl.ds(o, 16)] = wv[pl.ds(o, 16)] + gzrep[pl.ds(r0 + o, 16)]

  for i in range(RPT // 16):
    o = i * 16
    tv[pl.ds(o, 16)] = dv[pl.ds(o, 16)] * wv[pl.ds(o, 16)]
  for q in range(NPS):
    pltpu.make_async_copy(tv.at[pl.ds(q * EK, EK)],
                          bins_sh.at[bidx2.at[q]], ssem).start(add=True)
  for q in range(NPS):
    pltpu.make_async_copy(tv.at[pl.ds(0, EK)],
                          bins_sh.at[bidx2.at[0]], ssem).wait()
  plsc.subcore_barrier()

  @pl.when(sid == 0)
  def _():
    pltpu.sync_copy(bins_sh, num_out.at[cid])


_sc_scalar_pool = functools.partial(
    pl.kernel,
    out_type=jax.ShapeDtypeStruct((NC, GB), jnp.float32),
    mesh=_mesh,
    compiler_params=pltpu.CompilerParams(needs_layout_passes=False,
                                         use_tc_tiling_on_sc=False),
    scratch_types=[
        pltpu.VMEM((NP,), jnp.float32),
        pltpu.VMEM((EPT_S,), jnp.int32),
        pltpu.VMEM((NB_S, EK), jnp.int32),
        pltpu.VMEM((NPS, EK), jnp.int32),
        pltpu.VMEM((RING * EK,), jnp.float32),
        pltpu.VMEM((RPT,), jnp.float32),
        pltpu.VMEM((RPT,), jnp.float32),
        pltpu.VMEM((RPT,), jnp.float32),
        pltpu.VMEM_SHARED((NP,), jnp.float32),
        pltpu.VMEM_SHARED((GB,), jnp.float32),
        pltpu.SemaphoreType.DMA,
    ],
)(_scalar_pool_body)



_RB = 2000


def _scale_body(degt_ref, x_ref, w1_ref, dinv_ref, g0_ref, g1_ref):
  d = degt_ref[:, 0:1] + degt_ref[:, 1:2] + 1.0
  dinv = 1.0 / jnp.sqrt(d)
  dinv_ref[...] = dinv
  h = jnp.dot(x_ref[...].astype(jnp.bfloat16),
              w1_ref[...].astype(jnp.bfloat16),
              preferred_element_type=jnp.float32)
  g0_ref[...] = h[:, :HD] * dinv
  g1_ref[...] = h[:, HD:] * dinv


def _tc_scale(degt, x, W1):
  return pl.pallas_call(
      _scale_body,
      grid=(N // _RB,),
      in_specs=[
          pl.BlockSpec((_RB, NC), lambda i: (i, 0)),
          pl.BlockSpec((_RB, D), lambda i: (i, 0)),
          pl.BlockSpec((D, H), lambda i: (0, 0)),
      ],
      out_specs=[
          pl.BlockSpec((_RB, 1), lambda i: (i, 0)),
          pl.BlockSpec((_RB, HD), lambda i: (i, 0)),
          pl.BlockSpec((_RB, HD), lambda i: (i, 0)),
      ],
      out_shape=[
          jax.ShapeDtypeStruct((NP, 1), jnp.float32),
          jax.ShapeDtypeStruct((NP, HD), jnp.float32),
          jax.ShapeDtypeStruct((NP, HD), jnp.float32),
      ],
  )(degt, x, W1)


def _mlp_body(acc_ref, g0_ref, g1_ref, dinv_ref, b1_ref, w2_ref,
              wc_ref, b2_ref, bc_ref, gz_ref, c0_ref):
  q = dinv_ref[...] * jnp.concatenate(
      [acc_ref[0] + g0_ref[...], acc_ref[1] + g1_ref[...]], axis=1)
  y = jnp.maximum(q + b1_ref[...], 0.0)
  h2 = jnp.dot(y, w2_ref[...], preferred_element_type=jnp.float32)
  z = jnp.dot(h2, wc_ref[...], preferred_element_type=jnp.float32)
  gz_ref[...] = dinv_ref[...] * z
  c0_ref[...] = jnp.dot(b2_ref[...], wc_ref[...],
                        preferred_element_type=jnp.float32) + bc_ref[...]


def _tc_mlp(acc, g0, g1, dinv, b1r, W2, Wc, b2r, bc2):
  return pl.pallas_call(
      _mlp_body,
      grid=(N // _RB,),
      in_specs=[
          pl.BlockSpec((NC, _RB, HD), lambda i: (0, i, 0)),
          pl.BlockSpec((_RB, HD), lambda i: (i, 0)),
          pl.BlockSpec((_RB, HD), lambda i: (i, 0)),
          pl.BlockSpec((_RB, 1), lambda i: (i, 0)),
          pl.BlockSpec((1, H), lambda i: (0, 0)),
          pl.BlockSpec((H, H), lambda i: (0, 0)),
          pl.BlockSpec((H, 1), lambda i: (0, 0)),
          pl.BlockSpec((1, H), lambda i: (0, 0)),
          pl.BlockSpec((1, 1), lambda i: (0, 0)),
      ],
      out_specs=[
          pl.BlockSpec((_RB, 1), lambda i: (i, 0)),
          pl.BlockSpec((1, 1), lambda i: (0, 0)),
      ],
      out_shape=[
          jax.ShapeDtypeStruct((NP, 1), jnp.float32),
          jax.ShapeDtypeStruct((1, 1), jnp.float32),
      ],
  )(acc, g0, g1, dinv, b1r, W2, Wc, b2r, bc2)



def kernel(x, edge_index, batch, W1, b1, W2, b2, Wc, bc):
  src = edge_index[0]
  dst = edge_index[1]
  src2 = src.reshape(NS, NB_W, EKW)
  dst2 = dst.reshape(NS, NB_W, EKW)
  src_f = src.reshape(NW, EPT_S)
  dst3 = dst.reshape(NW, NB_S, EK)
  batch_pad = jnp.concatenate([batch, jnp.full((NP - N,), G, jnp.int32)])
  batch3 = batch_pad.reshape(NS, NPS, EK)
  zeros_n = jnp.zeros((NP,), jnp.float32)
  zeros_nh = jnp.zeros((NP, HD), jnp.float32)
  ones_k = jnp.ones((EK,), jnp.float32)

  deg_p, cnt_p = _sc_deg(dst3, batch3, zeros_n, ones_k)
  dinv, g0, g1 = _tc_scale(deg_p.T, x, W1)
  acc = _sc_wide(src2, dst2, g0, g1, zeros_nh)
  gz, c0 = _tc_mlp(acc, g0, g1, dinv, b1.reshape(1, H), W2, Wc,
                   b2.reshape(1, H), bc.reshape(1, 1))
  num_p = _sc_scalar_pool(src_f, dst3, gz.reshape(NP), dinv.reshape(NP),
                          batch3, zeros_n)
  num = num_p[0, :G] + num_p[1, :G]
  cnt = cnt_p[0, :G] + cnt_p[1, :G]
  out = num / jnp.maximum(cnt, 1.0) + jnp.where(cnt > 0, c0[0, 0], bc[0])
  return out.reshape(G, 1)

# --- scband reference (transcript-rebuilt; emitter-appended) ---
"""Pipeline reference for scband-gnnwrapper-22179211116576 (READ-ONLY COPY).

The authoritative reference and input builder live on the scoring server;
editing this copy changes nothing except your own understanding.
"""

import jax, jax.numpy as jnp
import numpy as np

N = 10000      # n_nodes
E = 320000     # n_edges
D = 128        # in_channels
H = 128        # hidden_channels
G = 64         # num graphs in batch


def setup_inputs(seed: int = 0) -> dict:
    key = jax.random.key(seed)
    ks = jax.random.split(key, 10)
    x = jax.random.normal(ks[0], (N, D), dtype=jnp.float32)
    edge_index = jax.random.randint(ks[1], (2, E), 0, N, dtype=jnp.int32)
    batch = jnp.sort(jax.random.randint(ks[2], (N,), 0, G, dtype=jnp.int32))
    s1 = 1.0 / np.sqrt(D)
    s2 = 1.0 / np.sqrt(H)
    W1 = jax.random.normal(ks[3], (D, H), dtype=jnp.float32) * s1
    b1 = jnp.zeros((H,), dtype=jnp.float32)
    W2 = jax.random.normal(ks[4], (H, H), dtype=jnp.float32) * s2
    b2 = jnp.zeros((H,), dtype=jnp.float32)
    Wc = jax.random.normal(ks[5], (H, 1), dtype=jnp.float32) * s2
    bc = jnp.zeros((1,), dtype=jnp.float32)
    return {"x": x, "edge_index": edge_index, "batch": batch,
            "W1": W1, "b1": b1, "W2": W2, "b2": b2, "Wc": Wc, "bc": bc}


def _gcn_layer(x, src, dst, W, b):
    # GCNConv with added self-loops and symmetric normalization
    h = x @ W
    deg = jax.ops.segment_sum(jnp.ones_like(dst, dtype=h.dtype), dst, num_segments=N)
    dinv = jnp.where(deg > 0, deg ** -0.5, 0.0)
    norm = dinv[src] * dinv[dst]
    out = jax.ops.segment_sum(h[src] * norm[:, None], dst, num_segments=N)
    return out + b


def reference(x, edge_index, batch, W1, b1, W2, b2, Wc, bc):
    loops = jnp.arange(N, dtype=edge_index.dtype)
    src = jnp.concatenate([edge_index[0], loops])
    dst = jnp.concatenate([edge_index[1], loops])
    # GNN: 2 GCN layers with ReLU between
    h = jax.nn.relu(_gcn_layer(x, src, dst, W1, b1))
    h = _gcn_layer(h, src, dst, W2, b2)
    # global mean pool over graphs in batch
    summed = jax.ops.segment_sum(h, batch, num_segments=G)
    cnt = jax.ops.segment_sum(jnp.ones((N,), h.dtype), batch, num_segments=G)
    pooled = summed / jnp.maximum(cnt, 1.0)[:, None]
    # classifier MLP (mlp_layers=1 -> single Linear(H, 1))
    return pooled @ Wc + bc

if __name__ == "__main__":
    import jax
    _d = setup_inputs()
    print(jax.jit(kernel)(*tuple(_d.values())))

</pallas_src>

<mosaic_0001>
#map = affine_map<(d0, d1) -> (0, 0, 0)>
#map1 = affine_map<(d0, d1) -> (0)>
#map2 = affine_map<(d0, d1) -> (0, 0)>
module attributes {stable_mosaic.version = 14 : i64} {
  func.func @_deg_body(%arg0: i32, %arg1: i32, %arg2: memref<32x125x80xi32, #tpu.memory_space<hbm>>, %arg3: memref<16x8x80xi32, #tpu.memory_space<hbm>>, %arg4: memref<10240xf32, #tpu.memory_space<hbm>>, %arg5: memref<80xf32, #tpu.memory_space<hbm>>, %arg6: memref<2x10240xf32, #tpu.memory_space<hbm>>, %arg7: memref<2x128xf32, #tpu.memory_space<hbm>>, %arg8: memref<125x80xi32, #tpu.memory_space<vmem>>, %arg9: memref<8x80xi32, #tpu.memory_space<vmem>>, %arg10: memref<80xf32, #tpu.memory_space<vmem>>, %arg11: memref<10240xf32, #tpu.memory_space<vmem_shared>>, %arg12: memref<128xf32, #tpu.memory_space<vmem_shared>>, %arg13: memref<!tpu.dma_semaphore, #tpu.memory_space<semaphore_mem>>) attributes {dimension_semantics = [#tpu.dimension_semantics<core_parallel>, #tpu.dimension_semantics<subcore_parallel>], iteration_bounds = array<i64: 2, 16>, scalar_prefetch = 0 : i64, scratch_operands = 6 : i64, tpu.core_type = #tpu.core_type<sc_vector_subcore>, window_params = [{transform_indices = #map}, {transform_indices = #map}, {transform_indices = #map1}, {transform_indices = #map1}, {transform_indices = #map2}, {transform_indices = #map2}]} {
    %mul3A = arith.constant 16 : i32
    %mul3A_0 = arith.muli %arg0, %mul3A : i32
    %add3A = arith.addi %mul3A_0, %arg1 : i32
    %mul3A_1 = arith.constant 640 : i32
    %mul3A_2 = arith.muli %arg1, %mul3A_1 : i32
    %multiple_of3A = tpu.assume_multiple %mul3A_2, 8 : i32
    "tpu.region"() ({
      %run_scoped3A = tpu.sem_alloc : memref<!tpu.dma_semaphore, #tpu.memory_space<semaphore_mem>>
      %dma_start3A = tpu.memref_slice %arg11[%multiple_of3A] : memref<10240xf32, #tpu.memory_space<vmem_shared>> -> memref<640xf32, #tpu.memory_space<vmem_shared>>
      %dma_start3A_38 = tpu.memref_slice %arg4[%multiple_of3A] : memref<10240xf32, #tpu.memory_space<hbm>> -> memref<640xf32, #tpu.memory_space<hbm>>
      tpu.enqueue_dma source(%dma_start3A_38 : memref<640xf32, #tpu.memory_space<hbm>>) target(%dma_start3A : memref<640xf32, #tpu.memory_space<vmem_shared>>) target_semaphore(%run_scoped3A : memref<!tpu.dma_semaphore, #tpu.memory_space<semaphore_mem>>)
      %dma_wait3A_39 = tpu.memref_slice %arg11[%multiple_of3A] : memref<10240xf32, #tpu.memory_space<vmem_shared>> -> memref<640xf32, #tpu.memory_space<vmem_shared>>
      %dma_wait3A_40 = tpu.memref_slice %arg4[%multiple_of3A] : memref<10240xf32, #tpu.memory_space<hbm>> -> memref<640xf32, #tpu.memory_space<hbm>>
      tpu.wait_dma2 semaphore(%run_scoped3A : memref<!tpu.dma_semaphore, #tpu.memory_space<semaphore_mem>>) src(%dma_wait3A_40 : memref<640xf32, #tpu.memory_space<hbm>>) dst(%dma_wait3A_39 : memref<640xf32, #tpu.memory_space<vmem_shared>>)
      tpu.yield
    }) : () -> ()
    %eq3A = arith.constant 0 : i32
    %eq3A_3 = arith.cmpi eq, %arg1, %eq3A : i32
    %convert_element_type3A = arith.extui %eq3A_3 : i1 to i32
    %cond3A = arith.constant 0 : i32
    %cond3A_4 = arith.cmpi ne, %convert_element_type3A, %cond3A : i32
    scf.if %cond3A_4 {
      "tpu.region"() ({
        %run_scoped3A = tpu.sem_alloc : memref<!tpu.dma_semaphore, #tpu.memory_space<semaphore_mem>>
        %dma_start3A = arith.constant 0 : i32
        %dma_start3A_38 = tpu.memref_slice %arg4[%dma_start3A] : memref<10240xf32, #tpu.memory_space<hbm>> -> memref<128xf32, #tpu.memory_space<hbm>>
        tpu.enqueue_dma source(%dma_start3A_38 : memref<128xf32, #tpu.memory_space<hbm>>) target(%arg12 : memref<128xf32, #tpu.memory_space<vmem_shared>>) target_semaphore(%run_scoped3A : memref<!tpu.dma_semaphore, #tpu.memory_space<semaphore_mem>>)
        %dma_wait3A_39 = arith.constant 0 : i32
        %dma_wait3A_40 = tpu.memref_slice %arg4[%dma_wait3A_39] : memref<10240xf32, #tpu.memory_space<hbm>> -> memref<128xf32, #tpu.memory_space<hbm>>
        tpu.wait_dma2 semaphore(%run_scoped3A : memref<!tpu.dma_semaphore, #tpu.memory_space<semaphore_mem>>) src(%dma_wait3A_40 : memref<128xf32, #tpu.memory_space<hbm>>) dst(%arg12 : memref<128xf32, #tpu.memory_space<vmem_shared>>)
        tpu.yield
      }) : () -> ()
    } else {
    }
    "tpu.region"() ({
      %run_scoped3A = tpu.sem_alloc : memref<!tpu.dma_semaphore, #tpu.memory_space<semaphore_mem>>
      tpu.enqueue_dma source(%arg5 : memref<80xf32, #tpu.memory_space<hbm>>) target(%arg10 : memref<80xf32, #tpu.memory_space<vmem>>) target_semaphore(%run_scoped3A : memref<!tpu.dma_semaphore, #tpu.memory_space<semaphore_mem>>)
      tpu.wait_dma2 semaphore(%run_scoped3A : memref<!tpu.dma_semaphore, #tpu.memory_space<semaphore_mem>>) src(%arg5 : memref<80xf32, #tpu.memory_space<hbm>>) dst(%arg10 : memref<80xf32, #tpu.memory_space<vmem>>)
      tpu.yield
    }) : () -> ()
    "tpu.region"() ({
      %run_scoped3A = tpu.sem_alloc : memref<!tpu.dma_semaphore, #tpu.memory_space<semaphore_mem>>
      %dma_start3A = arith.constant 0 : i32
      %dma_start3A_38 = arith.constant 0 : i32
      %dma_start3A_39 = tpu.memref_slice %arg2[%add3A, %dma_start3A, %dma_start3A_38] : memref<32x125x80xi32, #tpu.memory_space<hbm>> -> memref<1x125x80xi32, #tpu.memory_space<hbm>>
      %dma_start3A_40 = tpu.memref_squeeze %dma_start3A_39 : memref<1x125x80xi32, #tpu.memory_space<hbm>> -> memref<125x80xi32, #tpu.memory_space<hbm>>
      %dma_start3A_41 = arith.constant 0 : i32
      %dma_start3A_42 = arith.constant 0 : i32
      %dma_start3A_43 = tpu.memref_slice %arg2[%add3A, %dma_start3A_41, %dma_start3A_42] : memref<32x125x80xi32, #tpu.memory_space<hbm>> -> memref<1x125x80xi32, #tpu.memory_space<hbm>>
      %dma_start3A_44 = tpu.memref_squeeze %dma_start3A_43 : memref<1x125x80xi32, #tpu.memory_space<hbm>> -> memref<125x80xi32, #tpu.memory_space<hbm>>
      tpu.enqueue_dma source(%dma_start3A_44 : memref<125x80xi32, #tpu.memory_space<hbm>>) target(%arg8 : memref<125x80xi32, #tpu.memory_space<vmem>>) target_semaphore(%run_scoped3A : memref<!tpu.dma_semaphore, #tpu.memory_space<semaphore_mem>>)
      %dma_wait3A_45 = arith.constant 0 : i32
      %dma_wait3A_46 = arith.constant 0 : i32
      %dma_wait3A_47 = tpu.memref_slice %arg2[%add3A, %dma_wait3A_45, %dma_wait3A_46] : memref<32x125x80xi32, #tpu.memory_space<hbm>> -> memref<1x125x80xi32, #tpu.memory_space<hbm>>
      %dma_wait3A_48 = tpu.memref_squeeze %dma_wait3A_47 : memref<1x125x80xi32, #tpu.memory_space<hbm>> -> memref<125x80xi32, #tpu.memory_space<hbm>>
      %dma_wait3A_49 = arith.constant 0 : i32
      %dma_wait3A_50 = arith.constant 0 : i32
      %dma_wait3A_51 = tpu.memref_slice %arg2[%add3A, %dma_wait3A_49, %dma_wait3A_50] : memref<32x125x80xi32, #tpu.memory_space<hbm>> -> memref<1x125x80xi32, #tpu.memory_space<hbm>>
      %dma_wait3A_52 = tpu.memref_squeeze %dma_wait3A_51 : memref<1x125x80xi32, #tpu.memory_space<hbm>> -> memref<125x80xi32, #tpu.memory_space<hbm>>
      tpu.wait_dma2 semaphore(%run_scoped3A : memref<!tpu.dma_semaphore, #tpu.memory_space<semaphore_mem>>) src(%dma_wait3A_52 : memref<125x80xi32, #tpu.memory_space<hbm>>) dst(%arg8 : memref<125x80xi32, #tpu.memory_space<vmem>>)
      tpu.yield
    }) : () -> ()
    "tpu.region"() ({
      %run_scoped3A = tpu.sem_alloc : memref<!tpu.dma_semaphore, #tpu.memory_space<semaphore_mem>>
      %dma_start3A = arith.constant 0 : i32
      %dma_start3A_38 = arith.constant 0 : i32
      %dma_start3A_39 = tpu.memref_slice %arg3[%arg1, %dma_start3A, %dma_start3A_38] : memref<16x8x80xi32, #tpu.memory_space<hbm>> -> memref<1x8x80xi32, #tpu.memory_space<hbm>>
      %dma_start3A_40 = tpu.memref_squeeze %dma_start3A_39 : memref<1x8x80xi32, #tpu.memory_space<hbm>> -> memref<8x80xi32, #tpu.memory_space<hbm>>
      %dma_start3A_41 = arith.constant 0 : i32
      %dma_start3A_42 = arith.constant 0 : i32
      %dma_start3A_43 = tpu.memref_slice %arg3[%arg1, %dma_start3A_41, %dma_start3A_42] : memref<16x8x80xi32, #tpu.memory_space<hbm>> -> memref<1x8x80xi32, #tpu.memory_space<hbm>>
      %dma_start3A_44 = tpu.memref_squeeze %dma_start3A_43 : memref<1x8x80xi32, #tpu.memory_space<hbm>> -> memref<8x80xi32, #tpu.memory_space<hbm>>
      tpu.enqueue_dma source(%dma_start3A_44 : memref<8x80xi32, #tpu.memory_space<hbm>>) target(%arg9 : memref<8x80xi32, #tpu.memory_space<vmem>>) target_semaphore(%run_scoped3A : memref<!tpu.dma_semaphore, #tpu.memory_space<semaphore_mem>>)
      %dma_wait3A_45 = arith.constant 0 : i32
      %dma_wait3A_46 = arith.constant 0 : i32
      %dma_wait3A_47 = tpu.memref_slice %arg3[%arg1, %dma_wait3A_45, %dma_wait3A_46] : memref<16x8x80xi32, #tpu.memory_space<hbm>> -> memref<1x8x80xi32, #tpu.memory_space<hbm>>
      %dma_wait3A_48 = tpu.memref_squeeze %dma_wait3A_47 : memref<1x8x80xi32, #tpu.memory_space<hbm>> -> memref<8x80xi32, #tpu.memory_space<hbm>>
      %dma_wait3A_49 = arith.constant 0 : i32
      %dma_wait3A_50 = arith.constant 0 : i32
      %dma_wait3A_51 = tpu.memref_slice %arg3[%arg1, %dma_wait3A_49, %dma_wait3A_50] : memref<16x8x80xi32, #tpu.memory_space<hbm>> -> memref<1x8x80xi32, #tpu.memory_space<hbm>>
      %dma_wait3A_52 = tpu.memref_squeeze %dma_wait3A_51 : memref<1x8x80xi32, #tpu.memory_space<hbm>> -> memref<8x80xi32, #tpu.memory_space<hbm>>
      tpu.wait_dma2 semaphore(%run_scoped3A : memref<!tpu.dma_semaphore, #tpu.memory_space<semaphore_mem>>) src(%dma_wait3A_52 : memref<8x80xi32, #tpu.memory_space<hbm>>) dst(%arg9 : memref<8x80xi32, #tpu.memory_space<vmem>>)
      tpu.yield
    }) : () -> ()
    %barrier3A = arith.constant 0 : index
    tpu.barrier barrier_id(%barrier3A)
    %scan3A = arith.constant 0 : i32
    %scan3A_5 = arith.constant 0 : i32
    %scan3A_6 = arith.constant 125 : i32
    %scan3A_7 = arith.addi %scan3A_5, %scan3A_6 : i32
    %scan3A_8 = arith.constant 1 : i32
    scf.for %scan3A_38 = %scan3A_5 to %scan3A_7 step %scan3A_8  : i32 {
      %dma_start3A = arith.constant 0 : i32
      %dma_start3A_39 = tpu.memref_slice %arg8[%scan3A_38, %dma_start3A] : memref<125x80xi32, #tpu.memory_space<vmem>> -> memref<1x80xi32, #tpu.memory_space<vmem>>
      %dma_start3A_40 = tpu.memref_squeeze %dma_start3A_39 : memref<1x80xi32, #tpu.memory_space<vmem>> -> memref<80xi32, #tpu.memory_space<vmem>>
      %dma_start3A_41 = arith.constant 0 : i32
      %dma_start3A_42 = tpu.memref_slice %arg11[%dma_start3A_41] : memref<10240xf32, #tpu.memory_space<vmem_shared>> -> memref<10240xf32, #tpu.memory_space<vmem_shared>>
      tpu.enqueue_indirect_dma source(%arg10 : memref<80xf32, #tpu.memory_space<vmem>>) target(%dma_start3A_42 : memref<10240xf32, #tpu.memory_space<vmem_shared>>) offsets(%dma_start3A_40 : memref<80xi32, #tpu.memory_space<vmem>>) semaphore(%arg13 : memref<!tpu.dma_semaphore, #tpu.memory_space<semaphore_mem>>) {add = true}
      %ge3A = arith.constant 3 : i32
      %ge3A_43 = arith.cmpi sge, %scan3A_38, %ge3A : i32
      %convert_element_type3A_44 = arith.extui %ge3A_43 : i1 to i32
      %cond3A_45 = arith.constant 0 : i32
      %cond3A_46 = arith.cmpi ne, %convert_element_type3A_44, %cond3A_45 : i32
      scf.if %cond3A_46 {
        %dma_wait3A_47 = arith.constant 0 : i32
        %dma_wait3A_48 = arith.constant 0 : i32
        %dma_wait3A_49 = tpu.memref_slice %arg8[%dma_wait3A_47, %dma_wait3A_48] : memref<125x80xi32, #tpu.memory_space<vmem>> -> memref<1x80xi32, #tpu.memory_space<vmem>>
        %dma_wait3A_50 = tpu.memref_squeeze %dma_wait3A_49 : memref<1x80xi32, #tpu.memory_space<vmem>> -> memref<80xi32, #tpu.memory_space<vmem>>
        %dma_wait3A_51 = arith.constant 0 : i32
        %dma_wait3A_52 = tpu.memref_slice %arg11[%dma_wait3A_51] : memref<10240xf32, #tpu.memory_space<vmem_shared>> -> memref<10240xf32, #tpu.memory_space<vmem_shared>>
        tpu.wait_indirect_dma semaphore(%arg13 : memref<!tpu.dma_semaphore, #tpu.memory_space<semaphore_mem>>) src(%arg10 : memref<80xf32, #tpu.memory_space<vmem>>) dst(%dma_wait3A_52 : memref<10240xf32, #tpu.memory_space<vmem_shared>>)
      } else {
      }
    }
    %scan3A_9 = arith.constant 125 : i32
    %dma_wait3A = arith.constant 0 : i32
    %dma_wait3A_10 = arith.constant 0 : i32
    %dma_wait3A_11 = tpu.memref_slice %arg8[%dma_wait3A, %dma_wait3A_10] : memref<125x80xi32, #tpu.memory_space<vmem>> -> memref<1x80xi32, #tpu.memory_space<vmem>>
    %dma_wait3A_12 = tpu.memref_squeeze %dma_wait3A_11 : memref<1x80xi32, #tpu.memory_space<vmem>> -> memref<80xi32, #tpu.memory_space<vmem>>
    %dma_wait3A_13 = arith.constant 0 : i32
    %dma_wait3A_14 = tpu.memref_slice %arg11[%dma_wait3A_13] : memref<10240xf32, #tpu.memory_space<vmem_shared>> -> memref<10240xf32, #tpu.memory_space<vmem_shared>>
    tpu.wait_indirect_dma semaphore(%arg13 : memref<!tpu.dma_semaphore, #tpu.memory_space<semaphore_mem>>) src(%arg10 : memref<80xf32, #tpu.memory_space<vmem>>) dst(%dma_wait3A_14 : memref<10240xf32, #tpu.memory_space<vmem_shared>>)
    %dma_wait3A_15 = arith.constant 0 : i32
    %dma_wait3A_16 = arith.constant 0 : i32
    %dma_wait3A_17 = tpu.memref_slice %arg8[%dma_wait3A_15, %dma_wait3A_16] : memref<125x80xi32, #tpu.memory_space<vmem>> -> memref<1x80xi32, #tpu.memory_space<vmem>>
    %dma_wait3A_18 = tpu.memref_squeeze %dma_wait3A_17 : memref<1x80xi32, #tpu.memory_space<vmem>> -> memref<80xi32, #tpu.memory_space<vmem>>
    %dma_wait3A_19 = arith.constant 0 : i32
    %dma_wait3A_20 = tpu.memref_slice %arg11[%dma_wait3A_19] : memref<10240xf32, #tpu.memory_space<vmem_shared>> -> memref<10240xf32, #tpu.memory_space<vmem_shared>>
    tpu.wait_indirect_dma semaphore(%arg13 : memref<!tpu.dma_semaphore, #tpu.memory_space<semaphore_mem>>) src(%arg10 : memref<80xf32, #tpu.memory_space<vmem>>) dst(%dma_wait3A_20 : memref<10240xf32, #tpu.memory_space<vmem_shared>>)
    %dma_wait3A_21 = arith.constant 0 : i32
    %dma_wait3A_22 = arith.constant 0 : i32
    %dma_wait3A_23 = tpu.memref_slice %arg8[%dma_wait3A_21, %dma_wait3A_22] : memref<125x80xi32, #tpu.memory_space<vmem>> -> memref<1x80xi32, #tpu.memory_space<vmem>>
    %dma_wait3A_24 = tpu.memref_squeeze %dma_wait3A_23 : memref<1x80xi32, #tpu.memory_space<vmem>> -> memref<80xi32, #tpu.memory_space<vmem>>
    %dma_wait3A_25 = arith.constant 0 : i32
    %dma_wait3A_26 = tpu.memref_slice %arg11[%dma_wait3A_25] : memref<10240xf32, #tpu.memory_space<vmem_shared>> -> memref<10240xf32, #tpu.memory_space<vmem_shared>>
    tpu.wait_indirect_dma semaphore(%arg13 : memref<!tpu.dma_semaphore, #tpu.memory_space<semaphore_mem>>) src(%arg10 : memref<80xf32, #tpu.memory_space<vmem>>) dst(%dma_wait3A_26 : memref<10240xf32, #tpu.memory_space<vmem_shared>>)
    %eq3A_27 = arith.constant 0 : i32
    %eq3A_28 = arith.cmpi eq, %arg0, %eq3A_27 : i32
    %convert_element_type3A_29 = arith.extui %eq3A_28 : i1 to i32
    %cond3A_30 = arith.constant 0 : i32
    %cond3A_31 = arith.cmpi ne, %convert_element_type3A_29, %cond3A_30 : i32
    scf.if %cond3A_31 {
      %dma_start3A = arith.constant 0 : i32
      %dma_start3A_38 = arith.constant 0 : i32
      %dma_start3A_39 = tpu.memref_slice %arg9[%dma_start3A, %dma_start3A_38] : memref<8x80xi32, #tpu.memory_space<vmem>> -> memref<1x80xi32, #tpu.memory_space<vmem>>
      %dma_start3A_40 = tpu.memref_squeeze %dma_start3A_39 : memref<1x80xi32, #tpu.memory_space<vmem>> -> memref<80xi32, #tpu.memory_space<vmem>>
      %dma_start3A_41 = arith.constant 0 : i32
      %dma_start3A_42 = tpu.memref_slice %arg12[%dma_start3A_41] : memref<128xf32, #tpu.memory_space<vmem_shared>> -> memref<128xf32, #tpu.memory_space<vmem_shared>>
      tpu.enqueue_indirect_dma source(%arg10 : memref<80xf32, #tpu.memory_space<vmem>>) target(%dma_start3A_42 : memref<128xf32, #tpu.memory_space<vmem_shared>>) offsets(%dma_start3A_40 : memref<80xi32, #tpu.memory_space<vmem>>) semaphore(%arg13 : memref<!tpu.dma_semaphore, #tpu.memory_space<semaphore_mem>>) {add = true}
      %dma_start3A_43 = arith.constant 1 : i32
      %dma_start3A_44 = arith.constant 0 : i32
      %dma_start3A_45 = tpu.memref_slice %arg9[%dma_start3A_43, %dma_start3A_44] : memref<8x80xi32, #tpu.memory_space<vmem>> -> memref<1x80xi32, #tpu.memory_space<vmem>>
      %dma_start3A_46 = tpu.memref_squeeze %dma_start3A_45 : memref<1x80xi32, #tpu.memory_space<vmem>> -> memref<80xi32, #tpu.memory_space<vmem>>
      %dma_start3A_47 = arith.constant 0 : i32
      %dma_start3A_48 = tpu.memref_slice %arg12[%dma_start3A_47] : memref<128xf32, #tpu.memory_space<vmem_shared>> -> memref<128xf32, #tpu.memory_space<vmem_shared>>
      tpu.enqueue_indirect_dma source(%arg10 : memref<80xf32, #tpu.memory_space<vmem>>) target(%dma_start3A_48 : memref<128xf32, #tpu.memory_space<vmem_shared>>) offsets(%dma_start3A_46 : memref<80xi32, #tpu.memory_space<vmem>>) semaphore(%arg13 : memref<!tpu.dma_semaphore, #tpu.memory_space<semaphore_mem>>) {add = true}
      %dma_start3A_49 = arith.constant 2 : i32
      %dma_start3A_50 = arith.constant 0 : i32
      %dma_start3A_51 = tpu.memref_slice %arg9[%dma_start3A_49, %dma_start3A_50] : memref<8x80xi32, #tpu.memory_space<vmem>> -> memref<1x80xi32, #tpu.memory_space<vmem>>
      %dma_start3A_52 = tpu.memref_squeeze %dma_start3A_51 : memref<1x80xi32, #tpu.memory_space<vmem>> -> memref<80xi32, #tpu.memory_space<vmem>>
      %dma_start3A_53 = arith.constant 0 : i32
      %dma_start3A_54 = tpu.memref_slice %arg12[%dma_start3A_53] : memref<128xf32, #tpu.memory_space<vmem_shared>> -> memref<128xf32, #tpu.memory_space<vmem_shared>>
      tpu.enqueue_indirect_dma source(%arg10 : memref<80xf32, #tpu.memory_space<vmem>>) target(%dma_start3A_54 : memref<128xf32, #tpu.memory_space<vmem_shared>>) offsets(%dma_start3A_52 : memref<80xi32, #tpu.memory_space<vmem>>) semaphore(%arg13 : memref<!tpu.dma_semaphore, #tpu.memory_space<semaphore_mem>>) {add = true}
      %dma_start3A_55 = arith.constant 3 : i32
      %dma_start3A_56 = arith.constant 0 : i32
      %dma_start3A_57 = tpu.memref_slice %arg9[%dma_start3A_55, %dma_start3A_56] : memref<8x80xi32, #tpu.memory_space<vmem>> -> memref<1x80xi32, #tpu.memory_space<vmem>>
      %dma_start3A_58 = tpu.memref_squeeze %dma_start3A_57 : memref<1x80xi32, #tpu.memory_space<vmem>> -> memref<80xi32, #tpu.memory_space<vmem>>
      %dma_start3A_59 = arith.constant 0 : i32
      %dma_start3A_60 = tpu.memref_slice %arg12[%dma_start3A_59] : memref<128xf32, #tpu.memory_space<vmem_shared>> -> memref<128xf32, #tpu.memory_space<vmem_shared>>
      tpu.enqueue_indirect_dma source(%arg10 : memref<80xf32, #tpu.memory_space<vmem>>) target(%dma_start3A_60 : memref<128xf32, #tpu.memory_space<vmem_shared>>) offsets(%dma_start3A_58 : memref<80xi32, #tpu.memory_space<vmem>>) semaphore(%arg13 : memref<!tpu.dma_semaphore, #tpu.memory_space<semaphore_mem>>) {add = true}
      %dma_start3A_61 = arith.constant 4 : i32
      %dma_start3A_62 = arith.constant 0 : i32
      %dma_start3A_63 = tpu.memref_slice %arg9[%dma_start3A_61, %dma_start3A_62] : memref<8x80xi32, #tpu.memory_space<vmem>> -> memref<1x80xi32, #tpu.memory_space<vmem>>
      %dma_start3A_64 = tpu.memref_squeeze %dma_start3A_63 : memref<1x80xi32, #tpu.memory_space<vmem>> -> memref<80xi32, #tpu.memory_space<vmem>>
      %dma_start3A_65 = arith.constant 0 : i32
      %dma_start3A_66 = tpu.memref_slice %arg12[%dma_start3A_65] : memref<128xf32, #tpu.memory_space<vmem_shared>> -> memref<128xf32, #tpu.memory_space<vmem_shared>>
      tpu.enqueue_indirect_dma source(%arg10 : memref<80xf32, #tpu.memory_space<vmem>>) target(%dma_start3A_66 : memref<128xf32, #tpu.memory_space<vmem_shared>>) offsets(%dma_start3A_64 : memref<80xi32, #tpu.memory_space<vmem>>) semaphore(%arg13 : memref<!tpu.dma_semaphore, #tpu.memory_space<semaphore_mem>>) {add = true}
      %dma_start3A_67 = arith.constant 5 : i32
      %dma_start3A_68 = arith.constant 0 : i32
      %dma_start3A_69 = tpu.memref_slice %arg9[%dma_start3A_67, %dma_start3A_68] : memref<8x80xi32, #tpu.memory_space<vmem>> -> memref<1x80xi32, #tpu.memory_space<vmem>>
      %dma_start3A_70 = tpu.memref_squeeze %dma_start3A_69 : memref<1x80xi32, #tpu.memory_space<vmem>> -> memref<80xi32, #tpu.memory_space<vmem>>
      %dma_start3A_71 = arith.constant 0 : i32
      %dma_start3A_72 = tpu.memref_slice %arg12[%dma_start3A_71] : memref<128xf32, #tpu.memory_space<vmem_shared>> -> memref<128xf32, #tpu.memory_space<vmem_shared>>
      tpu.enqueue_indirect_dma source(%arg10 : memref<80xf32, #tpu.memory_space<vmem>>) target(%dma_start3A_72 : memref<128xf32, #tpu.memory_space<vmem_shared>>) offsets(%dma_start3A_70 : memref<80xi32, #tpu.memory_space<vmem>>) semaphore(%arg13 : memref<!tpu.dma_semaphore, #tpu.memory_space<semaphore_mem>>) {add = true}
      %dma_start3A_73 = arith.constant 6 : i32
      %dma_start3A_74 = arith.constant 0 : i32
      %dma_start3A_75 = tpu.memref_slice %arg9[%dma_start3A_73, %dma_start3A_74] : memref<8x80xi32, #tpu.memory_space<vmem>> -> memref<1x80xi32, #tpu.memory_space<vmem>>
      %dma_start3A_76 = tpu.memref_squeeze %dma_start3A_75 : memref<1x80xi32, #tpu.memory_space<vmem>> -> memref<80xi32, #tpu.memory_space<vmem>>
      %dma_start3A_77 = arith.constant 0 : i32
      %dma_start3A_78 = tpu.memref_slice %arg12[%dma_start3A_77] : memref<128xf32, #tpu.memory_space<vmem_shared>> -> memref<128xf32, #tpu.memory_space<vmem_shared>>
      tpu.enqueue_indirect_dma source(%arg10 : memref<80xf32, #tpu.memory_space<vmem>>) target(%dma_start3A_78 : memref<128xf32, #tpu.memory_space<vmem_shared>>) offsets(%dma_start3A_76 : memref<80xi32, #tpu.memory_space<vmem>>) semaphore(%arg13 : memref<!tpu.dma_semaphore, #tpu.memory_space<semaphore_mem>>) {add = true}
      %dma_start3A_79 = arith.constant 7 : i32
      %dma_start3A_80 = arith.constant 0 : i32
      %dma_start3A_81 = tpu.memref_slice %arg9[%dma_start3A_79, %dma_start3A_80] : memref<8x80xi32, #tpu.memory_space<vmem>> -> memref<1x80xi32, #tpu.memory_space<vmem>>
      %dma_start3A_82 = tpu.memref_squeeze %dma_start3A_81 : memref<1x80xi32, #tpu.memory_space<vmem>> -> memref<80xi32, #tpu.memory_space<vmem>>
      %dma_start3A_83 = arith.constant 0 : i32
      %dma_start3A_84 = tpu.memref_slice %arg12[%dma_start3A_83] : memref<128xf32, #tpu.memory_space<vmem_shared>> -> memref<128xf32, #tpu.memory_space<vmem_shared>>
      tpu.enqueue_indirect_dma source(%arg10 : memref<80xf32, #tpu.memory_space<vmem>>) target(%dma_start3A_84 : memref<128xf32, #tpu.memory_space<vmem_shared>>) offsets(%dma_start3A_82 : memref<80xi32, #tpu.memory_space<vmem>>) semaphore(%arg13 : memref<!tpu.dma_semaphore, #tpu.memory_space<semaphore_mem>>) {add = true}
      %dma_wait3A_85 = arith.constant 0 : i32
      %dma_wait3A_86 = arith.constant 0 : i32
      %dma_wait3A_87 = tpu.memref_slice %arg9[%dma_wait3A_85, %dma_wait3A_86] : memref<8x80xi32, #tpu.memory_space<vmem>> -> memref<1x80xi32, #tpu.memory_space<vmem>>
      %dma_wait3A_88 = tpu.memref_squeeze %dma_wait3A_87 : memref<1x80xi32, #tpu.memory_space<vmem>> -> memref<80xi32, #tpu.memory_space<vmem>>
      %dma_wait3A_89 = arith.constant 0 : i32
      %dma_wait3A_90 = tpu.memref_slice %arg12[%dma_wait3A_89] : memref<128xf32, #tpu.memory_space<vmem_shared>> -> memref<128xf32, #tpu.memory_space<vmem_shared>>
      tpu.wait_indirect_dma semaphore(%arg13 : memref<!tpu.dma_semaphore, #tpu.memory_space<semaphore_mem>>) src(%arg10 : memref<80xf32, #tpu.memory_space<vmem>>) dst(%dma_wait3A_90 : memref<128xf32, #tpu.memory_space<vmem_shared>>)
      %dma_wait3A_91 = arith.constant 0 : i32
      %dma_wait3A_92 = arith.constant 0 : i32
      %dma_wait3A_93 = tpu.memref_slice %arg9[%dma_wait3A_91, %dma_wait3A_92] : memref<8x80xi32, #tpu.memory_space<vmem>> -> memref<1x80xi32, #tpu.memory_space<vmem>>
      %dma_wait3A_94 = tpu.memref_squeeze %dma_wait3A_93 : memref<1x80xi32, #tpu.memory_space<vmem>> -> memref<80xi32, #tpu.memory_space<vmem>>
      %dma_wait3A_95 = arith.constant 0 : i32
      %dma_wait3A_96 = tpu.memref_slice %arg12[%dma_wait3A_95] : memref<128xf32, #tpu.memory_space<vmem_shared>> -> memref<128xf32, #tpu.memory_space<vmem_shared>>
      tpu.wait_indirect_dma semaphore(%arg13 : memref<!tpu.dma_semaphore, #tpu.memory_space<semaphore_mem>>) src(%arg10 : memref<80xf32, #tpu.memory_space<vmem>>) dst(%dma_wait3A_96 : memref<128xf32, #tpu.memory_space<vmem_shared>>)
      %dma_wait3A_97 = arith.constant 0 : i32
      %dma_wait3A_98 = arith.constant 0 : i32
      %dma_wait3A_99 = tpu.memref_slice %arg9[%dma_wait3A_97, %dma_wait3A_98] : memref<8x80xi32, #tpu.memory_space<vmem>> -> memref<1x80xi32, #tpu.memory_space<vmem>>
      %dma_wait3A_100 = tpu.memref_squeeze %dma_wait3A_99 : memref<1x80xi32, #tpu.memory_space<vmem>> -> memref<80xi32, #tpu.memory_space<vmem>>
      %dma_wait3A_101 = arith.constant 0 : i32
      %dma_wait3A_102 = tpu.memref_slice %arg12[%dma_wait3A_101] : memref<128xf32, #tpu.memory_space<vmem_shared>> -> memref<128xf32, #tpu.memory_space<vmem_shared>>
      tpu.wait_indirect_dma semaphore(%arg13 : memref<!tpu.dma_semaphore, #tpu.memory_space<semaphore_mem>>) src(%arg10 : memref<80xf32, #tpu.memory_space<vmem>>) dst(%dma_wait3A_102 : memref<128xf32, #tpu.memory_space<vmem_shared>>)
      %dma_wait3A_103 = arith.constant 0 : i32
      %dma_wait3A_104 = arith.constant 0 : i32
      %dma_wait3A_105 = tpu.memref_slice %arg9[%dma_wait3A_103, %dma_wait3A_104] : memref<8x80xi32, #tpu.memory_space<vmem>> -> memref<1x80xi32, #tpu.memory_space<vmem>>
      %dma_wait3A_106 = tpu.memref_squeeze %dma_wait3A_105 : memref<1x80xi32, #tpu.memory_space<vmem>> -> memref<80xi32, #tpu.memory_space<vmem>>
      %dma_wait3A_107 = arith.constant 0 : i32
      %dma_wait3A_108 = tpu.memref_slice %arg12[%dma_wait3A_107] : memref<128xf32, #tpu.memory_space<vmem_shared>> -> memref<128xf32, #tpu.memory_space<vmem_shared>>
      tpu.wait_indirect_dma semaphore(%arg13 : memref<!tpu.dma_semaphore, #tpu.memory_space<semaphore_mem>>) src(%arg10 : memref<80xf32, #tpu.memory_space<vmem>>) dst(%dma_wait3A_108 : memref<128xf32, #tpu.memory_space<vmem_shared>>)
      %dma_wait3A_109 = arith.constant 0 : i32
      %dma_wait3A_110 = arith.constant 0 : i32
      %dma_wait3A_111 = tpu.memref_slice %arg9[%dma_wait3A_109, %dma_wait3A_110] : memref<8x80xi32, #tpu.memory_space<vmem>> -> memref<1x80xi32, #tpu.memory_space<vmem>>
      %dma_wait3A_112 = tpu.memref_squeeze %dma_wait3A_111 : memref<1x80xi32, #tpu.memory_space<vmem>> -> memref<80xi32, #tpu.memory_space<vmem>>
      %dma_wait3A_113 = arith.constant 0 : i32
      %dma_wait3A_114 = tpu.memref_slice %arg12[%dma_wait3A_113] : memref<128xf32, #tpu.memory_space<vmem_shared>> -> memref<128xf32, #tpu.memory_space<vmem_shared>>
      tpu.wait_indirect_dma semaphore(%arg13 : memref<!tpu.dma_semaphore, #tpu.memory_space<semaphore_mem>>) src(%arg10 : memref<80xf32, #tpu.memory_space<vmem>>) dst(%dma_wait3A_114 : memref<128xf32, #tpu.memory_space<vmem_shared>>)
      %dma_wait3A_115 = arith.constant 0 : i32
      %dma_wait3A_116 = arith.constant 0 : i32
      %dma_wait3A_117 = tpu.memref_slice %arg9[%dma_wait3A_115, %dma_wait3A_116] : memref<8x80xi32, #tpu.memory_space<vmem>> -> memref<1x80xi32, #tpu.memory_space<vmem>>
      %dma_wait3A_118 = tpu.memref_squeeze %dma_wait3A_117 : memref<1x80xi32, #tpu.memory_space<vmem>> -> memref<80xi32, #tpu.memory_space<vmem>>
      %dma_wait3A_119 = arith.constant 0 : i32
      %dma_wait3A_120 = tpu.memref_slice %arg12[%dma_wait3A_119] : memref<128xf32, #tpu.memory_space<vmem_shared>> -> memref<128xf32, #tpu.memory_space<vmem_shared>>
      tpu.wait_indirect_dma semaphore(%arg13 : memref<!tpu.dma_semaphore, #tpu.memory_space<semaphore_mem>>) src(%arg10 : memref<80xf32, #tpu.memory_space<vmem>>) dst(%dma_wait3A_120 : memref<128xf32, #tpu.memory_space<vmem_shared>>)
      %dma_wait3A_121 = arith.constant 0 : i32
      %dma_wait3A_122 = arith.constant 0 : i32
      %dma_wait3A_123 = tpu.memref_slice %arg9[%dma_wait3A_121, %dma_wait3A_122] : memref<8x80xi32, #tpu.memory_space<vmem>> -> memref<1x80xi32, #tpu.memory_space<vmem>>
      %dma_wait3A_124 = tpu.memref_squeeze %dma_wait3A_123 : memref<1x80xi32, #tpu.memory_space<vmem>> -> memref<80xi32, #tpu.memory_space<vmem>>
      %dma_wait3A_125 = arith.constant 0 : i32
      %dma_wait3A_126 = tpu.memref_slice %arg12[%dma_wait3A_125] : memref<128xf32, #tpu.memory_space<vmem_shared>> -> memref<128xf32, #tpu.memory_space<vmem_shared>>
      tpu.wait_indirect_dma semaphore(%arg13 : memref<!tpu.dma_semaphore, #tpu.memory_space<semaphore_mem>>) src(%arg10 : memref<80xf32, #tpu.memory_space<vmem>>) dst(%dma_wait3A_126 : memref<128xf32, #tpu.memory_space<vmem_shared>>)
      %dma_wait3A_127 = arith.constant 0 : i32
      %dma_wait3A_128 = arith.constant 0 : i32
      %dma_wait3A_129 = tpu.memref_slice %arg9[%dma_wait3A_127, %dma_wait3A_128] : memref<8x80xi32, #tpu.memory_space<vmem>> -> memref<1x80xi32, #tpu.memory_space<vmem>>
      %dma_wait3A_130 = tpu.memref_squeeze %dma_wait3A_129 : memref<1x80xi32, #tpu.memory_space<vmem>> -> memref<80xi32, #tpu.memory_space<vmem>>
      %dma_wait3A_131 = arith.constant 0 : i32
      %dma_wait3A_132 = tpu.memref_slice %arg12[%dma_wait3A_131] : memref<128xf32, #tpu.memory_space<vmem_shared>> -> memref<128xf32, #tpu.memory_space<vmem_shared>>
      tpu.wait_indirect_dma semaphore(%arg13 : memref<!tpu.dma_semaphore, #tpu.memory_space<semaphore_mem>>) src(%arg10 : memref<80xf32, #tpu.memory_space<vmem>>) dst(%dma_wait3A_132 : memref<128xf32, #tpu.memory_space<vmem_shared>>)
    } else {
    }
    %barrier3A_32 = arith.constant 0 : index
    tpu.barrier barrier_id(%barrier3A_32)
    "tpu.region"() ({
      %run_scoped3A = tpu.sem_alloc : memref<!tpu.dma_semaphore, #tpu.memory_space<semaphore_mem>>
      %dma_start3A = tpu.memref_slice %arg6[%arg0, %multiple_of3A] : memref<2x10240xf32, #tpu.memory_space<hbm>> -> memref<1x640xf32, #tpu.memory_space<hbm>>
      %dma_start3A_38 = tpu.memref_squeeze %dma_start3A : memref<1x640xf32, #tpu.memory_space<hbm>> -> memref<640xf32, #tpu.memory_space<hbm>>
      %dma_start3A_39 = tpu.memref_slice %arg11[%multiple_of3A] : memref<10240xf32, #tpu.memory_space<vmem_shared>> -> memref<640xf32, #tpu.memory_space<vmem_shared>>
      tpu.enqueue_dma source(%dma_start3A_39 : memref<640xf32, #tpu.memory_space<vmem_shared>>) target(%dma_start3A_38 : memref<640xf32, #tpu.memory_space<hbm>>) target_semaphore(%run_scoped3A : memref<!tpu.dma_semaphore, #tpu.memory_space<semaphore_mem>>)
      %dma_wait3A_40 = tpu.memref_slice %arg6[%arg0, %multiple_of3A] : memref<2x10240xf32, #tpu.memory_space<hbm>> -> memref<1x640xf32, #tpu.memory_space<hbm>>
      %dma_wait3A_41 = tpu.memref_squeeze %dma_wait3A_40 : memref<1x640xf32, #tpu.memory_space<hbm>> -> memref<640xf32, #tpu.memory_space<hbm>>
      %dma_wait3A_42 = tpu.memref_slice %arg11[%multiple_of3A] : memref<10240xf32, #tpu.memory_space<vmem_shared>> -> memref<640xf32, #tpu.memory_space<vmem_shared>>
      tpu.wait_dma2 semaphore(%run_scoped3A : memref<!tpu.dma_semaphore, #tpu.memory_space<semaphore_mem>>) src(%dma_wait3A_42 : memref<640xf32, #tpu.memory_space<vmem_shared>>) dst(%dma_wait3A_41 : memref<640xf32, #tpu.memory_space<hbm>>)
      tpu.yield
    }) : () -> ()
    %eq3A_33 = arith.constant 0 : i32
    %eq3A_34 = arith.cmpi eq, %arg1, %eq3A_33 : i32
    %convert_element_type3A_35 = arith.extui %eq3A_34 : i1 to i32
    %cond3A_36 = arith.constant 0 : i32
    %cond3A_37 = arith.cmpi ne, %convert_element_type3A_35, %cond3A_36 : i32
    scf.if %cond3A_37 {
      "tpu.region"() ({
        %run_scoped3A = tpu.sem_alloc : memref<!tpu.dma_semaphore, #tpu.memory_space<semaphore_mem>>
        %dma_start3A = arith.constant 0 : i32
        %dma_start3A_38 = tpu.memref_slice %arg7[%arg0, %dma_start3A] : memref<2x128xf32, #tpu.memory_space<hbm>> -> memref<1x128xf32, #tpu.memory_space<hbm>>
        %dma_start3A_39 = tpu.memref_squeeze %dma_start3A_38 : memref<1x128xf32, #tpu.memory_space<hbm>> -> memref<128xf32, #tpu.memory_space<hbm>>
        tpu.enqueue_dma source(%arg12 : memref<128xf32, #tpu.memory_space<vmem_shared>>) target(%dma_start3A_39 : memref<128xf32, #tpu.memory_space<hbm>>) target_semaphore(%run_scoped3A : memref<!tpu.dma_semaphore, #tpu.memory_space<semaphore_mem>>)
        %dma_wait3A_40 = arith.constant 0 : i32
        %dma_wait3A_41 = tpu.memref_slice %arg7[%arg0, %dma_wait3A_40] : memref<2x128xf32, #tpu.memory_space<hbm>> -> memref<1x128xf32, #tpu.memory_space<hbm>>
        %dma_wait3A_42 = tpu.memref_squeeze %dma_wait3A_41 : memref<1x128xf32, #tpu.memory_space<hbm>> -> memref<128xf32, #tpu.memory_space<hbm>>
        tpu.wait_dma2 semaphore(%run_scoped3A : memref<!tpu.dma_semaphore, #tpu.memory_space<semaphore_mem>>) src(%arg12 : memref<128xf32, #tpu.memory_space<vmem_shared>>) dst(%dma_wait3A_42 : memref<128xf32, #tpu.memory_space<hbm>>)
        tpu.yield
      }) : () -> ()
    } else {
    }
    return
  }
}

#map = affine_map<(d0, d1) -> (0, 0, 0)>
#map1 = affine_map<(d0, d1) -> (0, 0)>
module attributes {stable_mosaic.version = 14 : i64} {
  func.func @_wide_body(%arg0: i32, %arg1: i32, %arg2: memref<16x160x125xi32, #tpu.memory_space<hbm>>, %arg3: memref<16x160x125xi32, #tpu.memory_space<hbm>>, %arg4: memref<10240x64xf32, #tpu.memory_space<hbm>>, %arg5: memref<10240x64xf32, #tpu.memory_space<hbm>>, %arg6: memref<10240x64xf32, #tpu.memory_space<hbm>>, %arg7: memref<2x10240x64xf32, #tpu.memory_space<hbm>>, %arg8: memref<160x125xi32, #tpu.memory_space<vmem>>, %arg9: memref<160x125xi32, #tpu.memory_space<vmem>>, %arg10: memref<6x125x64xf32, #tpu.memory_space<vmem>>, %arg11: memref<10240x64xf32, #tpu.memory_space<vmem_shared>>, %arg12: memref<!tpu.dma_semaphore, #tpu.memory_space<semaphore_mem>>, %arg13: memref<!tpu.dma_semaphore, #tpu.memory_space<semaphore_mem>>) attributes {dimension_semantics = [#tpu.dimension_semantics<core_parallel>, #tpu.dimension_semantics<subcore_parallel>], iteration_bounds = array<i64: 2, 16>, scalar_prefetch = 0 : i64, scratch_operands = 6 : i64, tpu.core_type = #tpu.core_type<sc_vector_subcore>, window_params = [{transform_indices = #map}, {transform_indices = #map}, {transform_indices = #map1}, {transform_indices = #map1}, {transform_indices = #map1}, {transform_indices = #map}]} {
    %mul3A = arith.constant 640 : i32
    %mul3A_0 = arith.muli %arg1, %mul3A : i32
    %multiple_of3A = tpu.assume_multiple %mul3A_0, 8 : i32
    "tpu.region"() ({
      %run_scoped3A = tpu.sem_alloc : memref<!tpu.dma_semaphore, #tpu.memory_space<semaphore_mem>>
      %dma_start3A = arith.constant 0 : i32
      %dma_start3A_9 = tpu.memref_slice %arg11[%multiple_of3A, %dma_start3A] : memref<10240x64xf32, #tpu.memory_space<vmem_shared>> -> memref<640x64xf32, #tpu.memory_space<vmem_shared>>
      %dma_start3A_10 = arith.constant 0 : i32
      %dma_start3A_11 = tpu.memref_slice %arg6[%multiple_of3A, %dma_start3A_10] : memref<10240x64xf32, #tpu.memory_space<hbm>> -> memref<640x64xf32, #tpu.memory_space<hbm>>
      tpu.enqueue_dma source(%dma_start3A_11 : memref<640x64xf32, #tpu.memory_space<hbm>>) target(%dma_start3A_9 : memref<640x64xf32, #tpu.memory_space<vmem_shared>>) target_semaphore(%run_scoped3A : memref<!tpu.dma_semaphore, #tpu.memory_space<semaphore_mem>>)
      %dma_wait3A = arith.constant 0 : i32
      %dma_wait3A_12 = tpu.memref_slice %arg11[%multiple_of3A, %dma_wait3A] : memref<10240x64xf32, #tpu.memory_space<vmem_shared>> -> memref<640x64xf32, #tpu.memory_space<vmem_shared>>
      %dma_wait3A_13 = arith.constant 0 : i32
      %dma_wait3A_14 = tpu.memref_slice %arg6[%multiple_of3A, %dma_wait3A_13] : memref<10240x64xf32, #tpu.memory_space<hbm>> -> memref<640x64xf32, #tpu.memory_space<hbm>>
      tpu.wait_dma2 semaphore(%run_scoped3A : memref<!tpu.dma_semaphore, #tpu.memory_space<semaphore_mem>>) src(%dma_wait3A_14 : memref<640x64xf32, #tpu.memory_space<hbm>>) dst(%dma_wait3A_12 : memref<640x64xf32, #tpu.memory_space<vmem_shared>>)
      tpu.yield
    }) : () -> ()
    "tpu.region"() ({
      %run_scoped3A = tpu.sem_alloc : memref<!tpu.dma_semaphore, #tpu.memory_space<semaphore_mem>>
      %dma_start3A = arith.constant 0 : i32
      %dma_start3A_9 = arith.constant 0 : i32
      %dma_start3A_10 = tpu.memref_slice %arg2[%arg1, %dma_start3A, %dma_start3A_9] : memref<16x160x125xi32, #tpu.memory_space<hbm>> -> memref<1x160x125xi32, #tpu.memory_space<hbm>>
      %dma_start3A_11 = tpu.memref_squeeze %dma_start3A_10 : memref<1x160x125xi32, #tpu.memory_space<hbm>> -> memref<160x125xi32, #tpu.memory_space<hbm>>
      %dma_start3A_12 = arith.constant 0 : i32
      %dma_start3A_13 = arith.constant 0 : i32
      %dma_start3A_14 = tpu.memref_slice %arg2[%arg1, %dma_start3A_12, %dma_start3A_13] : memref<16x160x125xi32, #tpu.memory_space<hbm>> -> memref<1x160x125xi32, #tpu.memory_space<hbm>>
      %dma_start3A_15 = tpu.memref_squeeze %dma_start3A_14 : memref<1x160x125xi32, #tpu.memory_space<hbm>> -> memref<160x125xi32, #tpu.memory_space<hbm>>
      tpu.enqueue_dma source(%dma_start3A_15 : memref<160x125xi32, #tpu.memory_space<hbm>>) target(%arg8 : memref<160x125xi32, #tpu.memory_space<vmem>>) target_semaphore(%run_scoped3A : memref<!tpu.dma_semaphore, #tpu.memory_space<semaphore_mem>>)
      %dma_wait3A = arith.constant 0 : i32
      %dma_wait3A_16 = arith.constant 0 : i32
      %dma_wait3A_17 = tpu.memref_slice %arg2[%arg1, %dma_wait3A, %dma_wait3A_16] : memref<16x160x125xi32, #tpu.memory_space<hbm>> -> memref<1x160x125xi32, #tpu.memory_space<hbm>>
      %dma_wait3A_18 = tpu.memref_squeeze %dma_wait3A_17 : memref<1x160x125xi32, #tpu.memory_space<hbm>> -> memref<160x125xi32, #tpu.memory_space<hbm>>
      %dma_wait3A_19 = arith.constant 0 : i32
      %dma_wait3A_20 = arith.constant 0 : i32
      %dma_wait3A_21 = tpu.memref_slice %arg2[%arg1, %dma_wait3A_19, %dma_wait3A_20] : memref<16x160x125xi32, #tpu.memory_space<hbm>> -> memref<1x160x125xi32, #tpu.memory_space<hbm>>
      %dma_wait3A_22 = tpu.memref_squeeze %dma_wait3A_21 : memref<1x160x125xi32, #tpu.memory_space<hbm>> -> memref<160x125xi32, #tpu.memory_space<hbm>>
      tpu.wait_dma2 semaphore(%run_scoped3A : memref<!tpu.dma_semaphore, #tpu.memory_space<semaphore_mem>>) src(%dma_wait3A_22 : memref<160x125xi32, #tpu.memory_space<hbm>>) dst(%arg8 : memref<160x125xi32, #tpu.memory_space<vmem>>)
      tpu.yield
    }) : () -> ()
    "tpu.region"() ({
      %run_scoped3A = tpu.sem_alloc : memref<!tpu.dma_semaphore, #tpu.memory_space<semaphore_mem>>
      %dma_start3A = arith.constant 0 : i32
      %dma_start3A_9 = arith.constant 0 : i32
      %dma_start3A_10 = tpu.memref_slice %arg3[%arg1, %dma_start3A, %dma_start3A_9] : memref<16x160x125xi32, #tpu.memory_space<hbm>> -> memref<1x160x125xi32, #tpu.memory_space<hbm>>
      %dma_start3A_11 = tpu.memref_squeeze %dma_start3A_10 : memref<1x160x125xi32, #tpu.memory_space<hbm>> -> memref<160x125xi32, #tpu.memory_space<hbm>>
      %dma_start3A_12 = arith.constant 0 : i32
      %dma_start3A_13 = arith.constant 0 : i32
      %dma_start3A_14 = tpu.memref_slice %arg3[%arg1, %dma_start3A_12, %dma_start3A_13] : memref<16x160x125xi32, #tpu.memory_space<hbm>> -> memref<1x160x125xi32, #tpu.memory_space<hbm>>
      %dma_start3A_15 = tpu.memref_squeeze %dma_start3A_14 : memref<1x160x125xi32, #tpu.memory_space<hbm>> -> memref<160x125xi32, #tpu.memory_space<hbm>>
      tpu.enqueue_dma source(%dma_start3A_15 : memref<160x125xi32, #tpu.memory_space<hbm>>) target(%arg9 : memref<160x125xi32, #tpu.memory_space<vmem>>) target_semaphore(%run_scoped3A : memref<!tpu.dma_semaphore, #tpu.memory_space<semaphore_mem>>)
      %dma_wait3A = arith.constant 0 : i32
      %dma_wait3A_16 = arith.constant 0 : i32
      %dma_wait3A_17 = tpu.memref_slice %arg3[%arg1, %dma_wait3A, %dma_wait3A_16] : memref<16x160x125xi32, #tpu.memory_space<hbm>> -> memref<1x160x125xi32, #tpu.memory_space<hbm>>
      %dma_wait3A_18 = tpu.memref_squeeze %dma_wait3A_17 : memref<1x160x125xi32, #tpu.memory_space<hbm>> -> memref<160x125xi32, #tpu.memory_space<hbm>>
      %dma_wait3A_19 = arith.constant 0 : i32
      %dma_wait3A_20 = arith.constant 0 : i32
      %dma_wait3A_21 = tpu.memref_slice %arg3[%arg1, %dma_wait3A_19, %dma_wait3A_20] : memref<16x160x125xi32, #tpu.memory_space<hbm>> -> memref<1x160x125xi32, #tpu.memory_space<hbm>>
      %dma_wait3A_22 = tpu.memref_squeeze %dma_wait3A_21 : memref<1x160x125xi32, #tpu.memory_space<hbm>> -> memref<160x125xi32, #tpu.memory_space<hbm>>
      tpu.wait_dma2 semaphore(%run_scoped3A : memref<!tpu.dma_semaphore, #tpu.memory_space<semaphore_mem>>) src(%dma_wait3A_22 : memref<160x125xi32, #tpu.memory_space<hbm>>) dst(%arg9 : memref<160x125xi32, #tpu.memory_space<vmem>>)
      tpu.yield
    }) : () -> ()
    %barrier3A = arith.constant 0 : index
    tpu.barrier barrier_id(%barrier3A)
    %eq3A = arith.constant 0 : i32
    %eq3A_1 = arith.cmpi eq, %arg0, %eq3A : i32
    %convert_element_type3A = arith.extui %eq3A_1 : i1 to i32
    %cond3A = arith.constant 0 : i32
    %cond3A_2 = arith.cmpi ne, %convert_element_type3A, %cond3A : i32
    scf.if %cond3A_2 {
      %dma_start3A = arith.constant 0 : i32
      %dma_start3A_9 = arith.constant 0 : i32
      %dma_start3A_10 = arith.constant 0 : i32
      %dma_start3A_11 = arith.constant 0 : i32
      %dma_start3A_12 = tpu.memref_slice %arg10[%dma_start3A_9, %dma_start3A_10, %dma_start3A_11] : memref<6x125x64xf32, #tpu.memory_space<vmem>> -> memref<1x125x64xf32, #tpu.memory_space<vmem>>
      %dma_start3A_13 = tpu.memref_squeeze %dma_start3A_12 : memref<1x125x64xf32, #tpu.memory_space<vmem>> -> memref<125x64xf32, #tpu.memory_space<vmem>>
      %dma_start3A_14 = arith.constant 0 : i32
      %dma_start3A_15 = tpu.memref_slice %arg8[%dma_start3A, %dma_start3A_14] : memref<160x125xi32, #tpu.memory_space<vmem>> -> memref<1x125xi32, #tpu.memory_space<vmem>>
      %dma_start3A_16 = tpu.memref_squeeze %dma_start3A_15 : memref<1x125xi32, #tpu.memory_space<vmem>> -> memref<125xi32, #tpu.memory_space<vmem>>
      %dma_start3A_17 = arith.constant 0 : i32
      %dma_start3A_18 = arith.constant 0 : i32
      %dma_start3A_19 = tpu.memref_slice %arg4[%dma_start3A_17, %dma_start3A_18] : memref<10240x64xf32, #tpu.memory_space<hbm>> -> memref<10240x64xf32, #tpu.memory_space<hbm>>
      tpu.enqueue_indirect_dma source(%dma_start3A_19 : memref<10240x64xf32, #tpu.memory_space<hbm>>) target(%dma_start3A_13 : memref<125x64xf32, #tpu.memory_space<vmem>>) offsets(%dma_start3A_16 : memref<125xi32, #tpu.memory_space<vmem>>) semaphore(%arg12 : memref<!tpu.dma_semaphore, #tpu.memory_space<semaphore_mem>>)
      %dma_start3A_20 = arith.constant 1 : i32
      %dma_start3A_21 = arith.constant 1 : i32
      %dma_start3A_22 = arith.constant 0 : i32
      %dma_start3A_23 = arith.constant 0 : i32
      %dma_start3A_24 = tpu.memref_slice %arg10[%dma_start3A_21, %dma_start3A_22, %dma_start3A_23] : memref<6x125x64xf32, #tpu.memory_space<vmem>> -> memref<1x125x64xf32, #tpu.memory_space<vmem>>
      %dma_start3A_25 = tpu.memref_squeeze %dma_start3A_24 : memref<1x125x64xf32, #tpu.memory_space<vmem>> -> memref<125x64xf32, #tpu.memory_space<vmem>>
      %dma_start3A_26 = arith.constant 0 : i32
      %dma_start3A_27 = tpu.memref_slice %arg8[%dma_start3A_20, %dma_start3A_26] : memref<160x125xi32, #tpu.memory_space<vmem>> -> memref<1x125xi32, #tpu.memory_space<vmem>>
      %dma_start3A_28 = tpu.memref_squeeze %dma_start3A_27 : memref<1x125xi32, #tpu.memory_space<vmem>> -> memref<125xi32, #tpu.memory_space<vmem>>
      %dma_start3A_29 = arith.constant 0 : i32
      %dma_start3A_30 = arith.constant 0 : i32
      %dma_start3A_31 = tpu.memref_slice %arg4[%dma_start3A_29, %dma_start3A_30] : memref<10240x64xf32, #tpu.memory_space<hbm>> -> memref<10240x64xf32, #tpu.memory_space<hbm>>
      tpu.enqueue_indirect_dma source(%dma_start3A_31 : memref<10240x64xf32, #tpu.memory_space<hbm>>) target(%dma_start3A_25 : memref<125x64xf32, #tpu.memory_space<vmem>>) offsets(%dma_start3A_28 : memref<125xi32, #tpu.memory_space<vmem>>) semaphore(%arg12 : memref<!tpu.dma_semaphore, #tpu.memory_space<semaphore_mem>>)
      %dma_start3A_32 = arith.constant 2 : i32
      %dma_start3A_33 = arith.constant 2 : i32
      %dma_start3A_34 = arith.constant 0 : i32
      %dma_start3A_35 = arith.constant 0 : i32
      %dma_start3A_36 = tpu.memref_slice %arg10[%dma_start3A_33, %dma_start3A_34, %dma_start3A_35] : memref<6x125x64xf32, #tpu.memory_space<vmem>> -> memref<1x125x64xf32, #tpu.memory_space<vmem>>
      %dma_start3A_37 = tpu.memref_squeeze %dma_start3A_36 : memref<1x125x64xf32, #tpu.memory_space<vmem>> -> memref<125x64xf32, #tpu.memory_space<vmem>>
      %dma_start3A_38 = arith.constant 0 : i32
      %dma_start3A_39 = tpu.memref_slice %arg8[%dma_start3A_32, %dma_start3A_38] : memref<160x125xi32, #tpu.memory_space<vmem>> -> memref<1x125xi32, #tpu.memory_space<vmem>>
      %dma_start3A_40 = tpu.memref_squeeze %dma_start3A_39 : memref<1x125xi32, #tpu.memory_space<vmem>> -> memref<125xi32, #tpu.memory_space<vmem>>
      %dma_start3A_41 = arith.constant 0 : i32
      %dma_start3A_42 = arith.constant 0 : i32
      %dma_start3A_43 = tpu.memref_slice %arg4[%dma_start3A_41, %dma_start3A_42] : memref<10240x64xf32, #tpu.memory_space<hbm>> -> memref<10240x64xf32, #tpu.memory_space<hbm>>
      tpu.enqueue_indirect_dma source(%dma_start3A_43 : memref<10240x64xf32, #tpu.memory_space<hbm>>) target(%dma_start3A_37 : memref<125x64xf32, #tpu.memory_space<vmem>>) offsets(%dma_start3A_40 : memref<125xi32, #tpu.memory_space<vmem>>) semaphore(%arg12 : memref<!tpu.dma_semaphore, #tpu.memory_space<semaphore_mem>>)
      %scan3A = arith.constant 0 : i32
      %scan3A_44 = arith.constant 0 : i32
      %scan3A_45 = arith.constant 160 : i32
      %scan3A_46 = arith.addi %scan3A_44, %scan3A_45 : i32
      %scan3A_47 = arith.constant 1 : i32
      scf.for %scan3A_84 = %scan3A_44 to %scan3A_46 step %scan3A_47  : i32 {
        %ge3A = arith.constant 3 : i32
        %ge3A_85 = arith.cmpi sge, %scan3A_84, %ge3A : i32
        %convert_element_type3A_86 = arith.extui %ge3A_85 : i1 to i32
        %cond3A_87 = arith.constant 0 : i32
        %cond3A_88 = arith.cmpi ne, %convert_element_type3A_86, %cond3A_87 : i32
        scf.if %cond3A_88 {
          %dma_wait3A_127 = arith.constant 0 : i32
          %dma_wait3A_128 = arith.constant 0 : i32
          %dma_wait3A_129 = arith.constant 0 : i32
          %dma_wait3A_130 = arith.constant 0 : i32
          %dma_wait3A_131 = tpu.memref_slice %arg10[%dma_wait3A_127, %dma_wait3A_129, %dma_wait3A_130] : memref<6x125x64xf32, #tpu.memory_space<vmem>> -> memref<1x125x64xf32, #tpu.memory_space<vmem>>
          %dma_wait3A_132 = tpu.memref_squeeze %dma_wait3A_131 : memref<1x125x64xf32, #tpu.memory_space<vmem>> -> memref<125x64xf32, #tpu.memory_space<vmem>>
          %dma_wait3A_133 = arith.constant 0 : i32
          %dma_wait3A_134 = tpu.memref_slice %arg9[%dma_wait3A_128, %dma_wait3A_133] : memref<160x125xi32, #tpu.memory_space<vmem>> -> memref<1x125xi32, #tpu.memory_space<vmem>>
          %dma_wait3A_135 = tpu.memref_squeeze %dma_wait3A_134 : memref<1x125xi32, #tpu.memory_space<vmem>> -> memref<125xi32, #tpu.memory_space<vmem>>
          %dma_wait3A_136 = arith.constant 0 : i32
          %dma_wait3A_137 = arith.constant 0 : i32
          %dma_wait3A_138 = tpu.memref_slice %arg11[%dma_wait3A_136, %dma_wait3A_137] : memref<10240x64xf32, #tpu.memory_space<vmem_shared>> -> memref<10240x64xf32, #tpu.memory_space<vmem_shared>>
          tpu.wait_indirect_dma semaphore(%arg13 : memref<!tpu.dma_semaphore, #tpu.memory_space<semaphore_mem>>) src(%dma_wait3A_132 : memref<125x64xf32, #tpu.memory_space<vmem>>) dst(%dma_wait3A_138 : memref<10240x64xf32, #tpu.memory_space<vmem_shared>>)
        } else {
        }
        %add3A = arith.constant 3 : i32
        %add3A_89 = arith.addi %scan3A_84, %add3A : i32
        %lt3A = arith.constant 160 : i32
        %lt3A_90 = arith.cmpi slt, %add3A_89, %lt3A : i32
        %convert_element_type3A_91 = arith.extui %lt3A_90 : i1 to i32
        %cond3A_92 = arith.constant 0 : i32
        %cond3A_93 = arith.cmpi ne, %convert_element_type3A_91, %cond3A_92 : i32
        scf.if %cond3A_93 {
          %add3A_127 = arith.constant 3 : i32
          %add3A_128 = arith.addi %scan3A_84, %add3A_127 : i32
          %jit3A_129 = arith.constant 6 : i32
          %eq3A_130 = arith.constant 0 : i32
          %eq3A_131 = arith.cmpi eq, %jit3A_129, %eq3A_130 : i32
          %jit3A_132 = arith.constant 1 : i32
          %select_n3A_133 = arith.select %eq3A_131, %jit3A_132, %jit3A_129 : i32
          %rem3A_134 = arith.remsi %add3A_128, %select_n3A_133 : i32
          %ne3A_135 = arith.constant 0 : i32
          %ne3A_136 = arith.cmpi ne, %rem3A_134, %ne3A_135 : i32
          %lt3A_137 = arith.constant 0 : i32
          %lt3A_138 = arith.cmpi slt, %rem3A_134, %lt3A_137 : i32
          %lt3A_139 = arith.constant 0 : i32
          %lt3A_140 = arith.cmpi slt, %select_n3A_133, %lt3A_139 : i32
          %ne3A_141 = arith.xori %lt3A_138, %lt3A_140 : i1
          %and3A_142 = arith.andi %ne3A_141, %ne3A_136 : i1
          %add3A_143 = arith.addi %rem3A_134, %select_n3A_133 : i32
          %select_n3A_144 = arith.select %and3A_142, %add3A_143, %rem3A_134 : i32
          %dma_start3A_145 = arith.constant 0 : i32
          %dma_start3A_146 = arith.constant 0 : i32
          %dma_start3A_147 = tpu.memref_slice %arg10[%select_n3A_144, %dma_start3A_145, %dma_start3A_146] : memref<6x125x64xf32, #tpu.memory_space<vmem>> -> memref<1x125x64xf32, #tpu.memory_space<vmem>>
          %dma_start3A_148 = tpu.memref_squeeze %dma_start3A_147 : memref<1x125x64xf32, #tpu.memory_space<vmem>> -> memref<125x64xf32, #tpu.memory_space<vmem>>
          %dma_start3A_149 = arith.constant 0 : i32
          %dma_start3A_150 = tpu.memref_slice %arg8[%add3A_128, %dma_start3A_149] : memref<160x125xi32, #tpu.memory_space<vmem>> -> memref<1x125xi32, #tpu.memory_space<vmem>>
          %dma_start3A_151 = tpu.memref_squeeze %dma_start3A_150 : memref<1x125xi32, #tpu.memory_space<vmem>> -> memref<125xi32, #tpu.memory_space<vmem>>
          %dma_start3A_152 = arith.constant 0 : i32
          %dma_start3A_153 = arith.constant 0 : i32
          %dma_start3A_154 = tpu.memref_slice %arg4[%dma_start3A_152, %dma_start3A_153] : memref<10240x64xf32, #tpu.memory_space<hbm>> -> memref<10240x64xf32, #tpu.memory_space<hbm>>
          tpu.enqueue_indirect_dma source(%dma_start3A_154 : memref<10240x64xf32, #tpu.memory_space<hbm>>) target(%dma_start3A_148 : memref<125x64xf32, #tpu.memory_space<vmem>>) offsets(%dma_start3A_151 : memref<125xi32, #tpu.memory_space<vmem>>) semaphore(%arg12 : memref<!tpu.dma_semaphore, #tpu.memory_space<semaphore_mem>>)
        } else {
        }
        %dma_wait3A_94 = arith.constant 0 : i32
        %dma_wait3A_95 = arith.constant 0 : i32
        %dma_wait3A_96 = arith.constant 0 : i32
        %dma_wait3A_97 = arith.constant 0 : i32
        %dma_wait3A_98 = tpu.memref_slice %arg10[%dma_wait3A_95, %dma_wait3A_96, %dma_wait3A_97] : memref<6x125x64xf32, #tpu.memory_space<vmem>> -> memref<1x125x64xf32, #tpu.memory_space<vmem>>
        %dma_wait3A_99 = tpu.memref_squeeze %dma_wait3A_98 : memref<1x125x64xf32, #tpu.memory_space<vmem>> -> memref<125x64xf32, #tpu.memory_space<vmem>>
        %dma_wait3A_100 = arith.constant 0 : i32
        %dma_wait3A_101 = tpu.memref_slice %arg8[%dma_wait3A_94, %dma_wait3A_100] : memref<160x125xi32, #tpu.memory_space<vmem>> -> memref<1x125xi32, #tpu.memory_space<vmem>>
        %dma_wait3A_102 = tpu.memref_squeeze %dma_wait3A_101 : memref<1x125xi32, #tpu.memory_space<vmem>> -> memref<125xi32, #tpu.memory_space<vmem>>
        %dma_wait3A_103 = arith.constant 0 : i32
        %dma_wait3A_104 = arith.constant 0 : i32
        %dma_wait3A_105 = tpu.memref_slice %arg4[%dma_wait3A_103, %dma_wait3A_104] : memref<10240x64xf32, #tpu.memory_space<hbm>> -> memref<10240x64xf32, #tpu.memory_space<hbm>>
        tpu.wait_indirect_dma semaphore(%arg12 : memref<!tpu.dma_semaphore, #tpu.memory_space<semaphore_mem>>) src(%dma_wait3A_105 : memref<10240x64xf32, #tpu.memory_space<hbm>>) dst(%dma_wait3A_99 : memref<125x64xf32, #tpu.memory_space<vmem>>)
        %jit3A = arith.constant 6 : i32
        %eq3A_106 = arith.constant 0 : i32
        %eq3A_107 = arith.cmpi eq, %jit3A, %eq3A_106 : i32
        %jit3A_108 = arith.constant 1 : i32
        %select_n3A = arith.select %eq3A_107, %jit3A_108, %jit3A : i32
        %rem3A = arith.remsi %scan3A_84, %select_n3A : i32
        %ne3A = arith.constant 0 : i32
        %ne3A_109 = arith.cmpi ne, %rem3A, %ne3A : i32
        %lt3A_110 = arith.constant 0 : i32
        %lt3A_111 = arith.cmpi slt, %rem3A, %lt3A_110 : i32
        %lt3A_112 = arith.constant 0 : i32
        %lt3A_113 = arith.cmpi slt, %select_n3A, %lt3A_112 : i32
        %ne3A_114 = arith.xori %lt3A_111, %lt3A_113 : i1
        %and3A = arith.andi %ne3A_114, %ne3A_109 : i1
        %add3A_115 = arith.addi %rem3A, %select_n3A : i32
        %select_n3A_116 = arith.select %and3A, %add3A_115, %rem3A : i32
        %dma_start3A_117 = arith.constant 0 : i32
        %dma_start3A_118 = arith.constant 0 : i32
        %dma_start3A_119 = tpu.memref_slice %arg10[%select_n3A_116, %dma_start3A_117, %dma_start3A_118] : memref<6x125x64xf32, #tpu.memory_space<vmem>> -> memref<1x125x64xf32, #tpu.memory_space<vmem>>
        %dma_start3A_120 = tpu.memref_squeeze %dma_start3A_119 : memref<1x125x64xf32, #tpu.memory_space<vmem>> -> memref<125x64xf32, #tpu.memory_space<vmem>>
        %dma_start3A_121 = arith.constant 0 : i32
        %dma_start3A_122 = tpu.memref_slice %arg9[%scan3A_84, %dma_start3A_121] : memref<160x125xi32, #tpu.memory_space<vmem>> -> memref<1x125xi32, #tpu.memory_space<vmem>>
        %dma_start3A_123 = tpu.memref_squeeze %dma_start3A_122 : memref<1x125xi32, #tpu.memory_space<vmem>> -> memref<125xi32, #tpu.memory_space<vmem>>
        %dma_start3A_124 = arith.constant 0 : i32
        %dma_start3A_125 = arith.constant 0 : i32
        %dma_start3A_126 = tpu.memref_slice %arg11[%dma_start3A_124, %dma_start3A_125] : memref<10240x64xf32, #tpu.memory_space<vmem_shared>> -> memref<10240x64xf32, #tpu.memory_space<vmem_shared>>
        tpu.enqueue_indirect_dma source(%dma_start3A_120 : memref<125x64xf32, #tpu.memory_space<vmem>>) target(%dma_start3A_126 : memref<10240x64xf32, #tpu.memory_space<vmem_shared>>) offsets(%dma_start3A_123 : memref<125xi32, #tpu.memory_space<vmem>>) semaphore(%arg13 : memref<!tpu.dma_semaphore, #tpu.memory_space<semaphore_mem>>) {add = true}
      }
      %scan3A_48 = arith.constant 160 : i32
      %dma_wait3A = arith.constant 0 : i32
      %dma_wait3A_49 = arith.constant 0 : i32
      %dma_wait3A_50 = arith.constant 0 : i32
      %dma_wait3A_51 = arith.constant 0 : i32
      %dma_wait3A_52 = tpu.memref_slice %arg10[%dma_wait3A, %dma_wait3A_50, %dma_wait3A_51] : memref<6x125x64xf32, #tpu.memory_space<vmem>> -> memref<1x125x64xf32, #tpu.memory_space<vmem>>
      %dma_wait3A_53 = tpu.memref_squeeze %dma_wait3A_52 : memref<1x125x64xf32, #tpu.memory_space<vmem>> -> memref<125x64xf32, #tpu.memory_space<vmem>>
      %dma_wait3A_54 = arith.constant 0 : i32
      %dma_wait3A_55 = tpu.memref_slice %arg9[%dma_wait3A_49, %dma_wait3A_54] : memref<160x125xi32, #tpu.memory_space<vmem>> -> memref<1x125xi32, #tpu.memory_space<vmem>>
      %dma_wait3A_56 = tpu.memref_squeeze %dma_wait3A_55 : memref<1x125xi32, #tpu.memory_space<vmem>> -> memref<125xi32, #tpu.memory_space<vmem>>
      %dma_wait3A_57 = arith.constant 0 : i32
      %dma_wait3A_58 = arith.constant 0 : i32
      %dma_wait3A_59 = tpu.memref_slice %arg11[%dma_wait3A_57, %dma_wait3A_58] : memref<10240x64xf32, #tpu.memory_space<vmem_shared>> -> memref<10240x64xf32, #tpu.memory_space<vmem_shared>>
      tpu.wait_indirect_dma semaphore(%arg13 : memref<!tpu.dma_semaphore, #tpu.memory_space<semaphore_mem>>) src(%dma_wait3A_53 : memref<125x64xf32, #tpu.memory_space<vmem>>) dst(%dma_wait3A_59 : memref<10240x64xf32, #tpu.memory_space<vmem_shared>>)
      %dma_wait3A_60 = arith.constant 0 : i32
      %dma_wait3A_61 = arith.constant 0 : i32
      %dma_wait3A_62 = arith.constant 0 : i32
      %dma_wait3A_63 = arith.constant 0 : i32
      %dma_wait3A_64 = tpu.memref_slice %arg10[%dma_wait3A_60, %dma_wait3A_62, %dma_wait3A_63] : memref<6x125x64xf32, #tpu.memory_space<vmem>> -> memref<1x125x64xf32, #tpu.memory_space<vmem>>
      %dma_wait3A_65 = tpu.memref_squeeze %dma_wait3A_64 : memref<1x125x64xf32, #tpu.memory_space<vmem>> -> memref<125x64xf32, #tpu.memory_space<vmem>>
      %dma_wait3A_66 = arith.constant 0 : i32
      %dma_wait3A_67 = tpu.memref_slice %arg9[%dma_wait3A_61, %dma_wait3A_66] : memref<160x125xi32, #tpu.memory_space<vmem>> -> memref<1x125xi32, #tpu.memory_space<vmem>>
      %dma_wait3A_68 = tpu.memref_squeeze %dma_wait3A_67 : memref<1x125xi32, #tpu.memory_space<vmem>> -> memref<125xi32, #tpu.memory_space<vmem>>
      %dma_wait3A_69 = arith.constant 0 : i32
      %dma_wait3A_70 = arith.constant 0 : i32
      %dma_wait3A_71 = tpu.memref_slice %arg11[%dma_wait3A_69, %dma_wait3A_70] : memref<10240x64xf32, #tpu.memory_space<vmem_shared>> -> memref<10240x64xf32, #tpu.memory_space<vmem_shared>>
      tpu.wait_indirect_dma semaphore(%arg13 : memref<!tpu.dma_semaphore, #tpu.memory_space<semaphore_mem>>) src(%dma_wait3A_65 : memref<125x64xf32, #tpu.memory_space<vmem>>) dst(%dma_wait3A_71 : memref<10240x64xf32, #tpu.memory_space<vmem_shared>>)
      %dma_wait3A_72 = arith.constant 0 : i32
      %dma_wait3A_73 = arith.constant 0 : i32
      %dma_wait3A_74 = arith.constant 0 : i32
      %dma_wait3A_75 = arith.constant 0 : i32
      %dma_wait3A_76 = tpu.memref_slice %arg10[%dma_wait3A_72, %dma_wait3A_74, %dma_wait3A_75] : memref<6x125x64xf32, #tpu.memory_space<vmem>> -> memref<1x125x64xf32, #tpu.memory_space<vmem>>
      %dma_wait3A_77 = tpu.memref_squeeze %dma_wait3A_76 : memref<1x125x64xf32, #tpu.memory_space<vmem>> -> memref<125x64xf32, #tpu.memory_space<vmem>>
      %dma_wait3A_78 = arith.constant 0 : i32
      %dma_wait3A_79 = tpu.memref_slice %arg9[%dma_wait3A_73, %dma_wait3A_78] : memref<160x125xi32, #tpu.memory_space<vmem>> -> memref<1x125xi32, #tpu.memory_space<vmem>>
      %dma_wait3A_80 = tpu.memref_squeeze %dma_wait3A_79 : memref<1x125xi32, #tpu.memory_space<vmem>> -> memref<125xi32, #tpu.memory_space<vmem>>
      %dma_wait3A_81 = arith.constant 0 : i32
      %dma_wait3A_82 = arith.constant 0 : i32
      %dma_wait3A_83 = tpu.memref_slice %arg11[%dma_wait3A_81, %dma_wait3A_82] : memref<10240x64xf32, #tpu.memory_space<vmem_shared>> -> memref<10240x64xf32, #tpu.memory_space<vmem_shared>>
      tpu.wait_indirect_dma semaphore(%arg13 : memref<!tpu.dma_semaphore, #tpu.memory_space<semaphore_mem>>) src(%dma_wait3A_77 : memref<125x64xf32, #tpu.memory_space<vmem>>) dst(%dma_wait3A_83 : memref<10240x64xf32, #tpu.memory_space<vmem_shared>>)
    } else {
    }
    %eq3A_3 = arith.constant 1 : i32
    %eq3A_4 = arith.cmpi eq, %arg0, %eq3A_3 : i32
    %convert_element_type3A_5 = arith.extui %eq3A_4 : i1 to i32
    %cond3A_6 = arith.constant 0 : i32
    %cond3A_7 = arith.cmpi ne, %convert_element_type3A_5, %cond3A_6 : i32
    scf.if %cond3A_7 {
      %dma_start3A = arith.constant 0 : i32
      %dma_start3A_9 = arith.constant 0 : i32
      %dma_start3A_10 = arith.constant 0 : i32
      %dma_start3A_11 = arith.constant 0 : i32
      %dma_start3A_12 = tpu.memref_slice %arg10[%dma_start3A_9, %dma_start3A_10, %dma_start3A_11] : memref<6x125x64xf32, #tpu.memory_space<vmem>> -> memref<1x125x64xf32, #tpu.memory_space<vmem>>
      %dma_start3A_13 = tpu.memref_squeeze %dma_start3A_12 : memref<1x125x64xf32, #tpu.memory_space<vmem>> -> memref<125x64xf32, #tpu.memory_space<vmem>>
      %dma_start3A_14 = arith.constant 0 : i32
      %dma_start3A_15 = tpu.memref_slice %arg8[%dma_start3A, %dma_start3A_14] : memref<160x125xi32, #tpu.memory_space<vmem>> -> memref<1x125xi32, #tpu.memory_space<vmem>>
      %dma_start3A_16 = tpu.memref_squeeze %dma_start3A_15 : memref<1x125xi32, #tpu.memory_space<vmem>> -> memref<125xi32, #tpu.memory_space<vmem>>
      %dma_start3A_17 = arith.constant 0 : i32
      %dma_start3A_18 = arith.constant 0 : i32
      %dma_start3A_19 = tpu.memref_slice %arg5[%dma_start3A_17, %dma_start3A_18] : memref<10240x64xf32, #tpu.memory_space<hbm>> -> memref<10240x64xf32, #tpu.memory_space<hbm>>
      tpu.enqueue_indirect_dma source(%dma_start3A_19 : memref<10240x64xf32, #tpu.memory_space<hbm>>) target(%dma_start3A_13 : memref<125x64xf32, #tpu.memory_space<vmem>>) offsets(%dma_start3A_16 : memref<125xi32, #tpu.memory_space<vmem>>) semaphore(%arg12 : memref<!tpu.dma_semaphore, #tpu.memory_space<semaphore_mem>>)
      %dma_start3A_20 = arith.constant 1 : i32
      %dma_start3A_21 = arith.constant 1 : i32
      %dma_start3A_22 = arith.constant 0 : i32
      %dma_start3A_23 = arith.constant 0 : i32
      %dma_start3A_24 = tpu.memref_slice %arg10[%dma_start3A_21, %dma_start3A_22, %dma_start3A_23] : memref<6x125x64xf32, #tpu.memory_space<vmem>> -> memref<1x125x64xf32, #tpu.memory_space<vmem>>
      %dma_start3A_25 = tpu.memref_squeeze %dma_start3A_24 : memref<1x125x64xf32, #tpu.memory_space<vmem>> -> memref<125x64xf32, #tpu.memory_space<vmem>>
      %dma_start3A_26 = arith.constant 0 : i32
      %dma_start3A_27 = tpu.memref_slice %arg8[%dma_start3A_20, %dma_start3A_26] : memref<160x125xi32, #tpu.memory_space<vmem>> -> memref<1x125xi32, #tpu.memory_space<vmem>>
      %dma_start3A_28 = tpu.memref_squeeze %dma_start3A_27 : memref<1x125xi32, #tpu.memory_space<vmem>> -> memref<125xi32, #tpu.memory_space<vmem>>
      %dma_start3A_29 = arith.constant 0 : i32
      %dma_start3A_30 = arith.constant 0 : i32
      %dma_start3A_31 = tpu.memref_slice %arg5[%dma_start3A_29, %dma_start3A_30] : memref<10240x64xf32, #tpu.memory_space<hbm>> -> memref<10240x64xf32, #tpu.memory_space<hbm>>
      tpu.enqueue_indirect_dma source(%dma_start3A_31 : memref<10240x64xf32, #tpu.memory_space<hbm>>) target(%dma_start3A_25 : memref<125x64xf32, #tpu.memory_space<vmem>>) offsets(%dma_start3A_28 : memref<125xi32, #tpu.memory_space<vmem>>) semaphore(%arg12 : memref<!tpu.dma_semaphore, #tpu.memory_space<semaphore_mem>>)
      %dma_start3A_32 = arith.constant 2 : i32
      %dma_start3A_33 = arith.constant 2 : i32
      %dma_start3A_34 = arith.constant 0 : i32
      %dma_start3A_35 = arith.constant 0 : i32
      %dma_start3A_36 = tpu.memref_slice %arg10[%dma_start3A_33, %dma_start3A_34, %dma_start3A_35] : memref<6x125x64xf32, #tpu.memory_space<vmem>> -> memref<1x125x64xf32, #tpu.memory_space<vmem>>
      %dma_start3A_37 = tpu.memref_squeeze %dma_start3A_36 : memref<1x125x64xf32, #tpu.memory_space<vmem>> -> memref<125x64xf32, #tpu.memory_space<vmem>>
      %dma_start3A_38 = arith.constant 0 : i32
      %dma_start3A_39 = tpu.memref_slice %arg8[%dma_start3A_32, %dma_start3A_38] : memref<160x125xi32, #tpu.memory_space<vmem>> -> memref<1x125xi32, #tpu.memory_space<vmem>>
      %dma_start3A_40 = tpu.memref_squeeze %dma_start3A_39 : memref<1x125xi32, #tpu.memory_space<vmem>> -> memref<125xi32, #tpu.memory_space<vmem>>
      %dma_start3A_41 = arith.constant 0 : i32
      %dma_start3A_42 = arith.constant 0 : i32
      %dma_start3A_43 = tpu.memref_slice %arg5[%dma_start3A_41, %dma_start3A_42] : memref<10240x64xf32, #tpu.memory_space<hbm>> -> memref<10240x64xf32, #tpu.memory_space<hbm>>
      tpu.enqueue_indirect_dma source(%dma_start3A_43 : memref<10240x64xf32, #tpu.memory_space<hbm>>) target(%dma_start3A_37 : memref<125x64xf32, #tpu.memory_space<vmem>>) offsets(%dma_start3A_40 : memref<125xi32, #tpu.memory_space<vmem>>) semaphore(%arg12 : memref<!tpu.dma_semaphore, #tpu.memory_space<semaphore_mem>>)
      %scan3A = arith.constant 0 : i32
      %scan3A_44 = arith.constant 0 : i32
      %scan3A_45 = arith.constant 160 : i32
      %scan3A_46 = arith.addi %scan3A_44, %scan3A_45 : i32
      %scan3A_47 = arith.constant 1 : i32
      scf.for %scan3A_84 = %scan3A_44 to %scan3A_46 step %scan3A_47  : i32 {
        %ge3A = arith.constant 3 : i32
        %ge3A_85 = arith.cmpi sge, %scan3A_84, %ge3A : i32
        %convert_element_type3A_86 = arith.extui %ge3A_85 : i1 to i32
        %cond3A_87 = arith.constant 0 : i32
        %cond3A_88 = arith.cmpi ne, %convert_element_type3A_86, %cond3A_87 : i32
        scf.if %cond3A_88 {
          %dma_wait3A_127 = arith.constant 0 : i32
          %dma_wait3A_128 = arith.constant 0 : i32
          %dma_wait3A_129 = arith.constant 0 : i32
          %dma_wait3A_130 = arith.constant 0 : i32
          %dma_wait3A_131 = tpu.memref_slice %arg10[%dma_wait3A_127, %dma_wait3A_129, %dma_wait3A_130] : memref<6x125x64xf32, #tpu.memory_space<vmem>> -> memref<1x125x64xf32, #tpu.memory_space<vmem>>
          %dma_wait3A_132 = tpu.memref_squeeze %dma_wait3A_131 : memref<1x125x64xf32, #tpu.memory_space<vmem>> -> memref<125x64xf32, #tpu.memory_space<vmem>>
          %dma_wait3A_133 = arith.constant 0 : i32
          %dma_wait3A_134 = tpu.memref_slice %arg9[%dma_wait3A_128, %dma_wait3A_133] : memref<160x125xi32, #tpu.memory_space<vmem>> -> memref<1x125xi32, #tpu.memory_space<vmem>>
          %dma_wait3A_135 = tpu.memref_squeeze %dma_wait3A_134 : memref<1x125xi32, #tpu.memory_space<vmem>> -> memref<125xi32, #tpu.memory_space<vmem>>
          %dma_wait3A_136 = arith.constant 0 : i32
          %dma_wait3A_137 = arith.constant 0 : i32
          %dma_wait3A_138 = tpu.memref_slice %arg11[%dma_wait3A_136, %dma_wait3A_137] : memref<10240x64xf32, #tpu.memory_space<vmem_shared>> -> memref<10240x64xf32, #tpu.memory_space<vmem_shared>>
          tpu.wait_indirect_dma semaphore(%arg13 : memref<!tpu.dma_semaphore, #tpu.memory_space<semaphore_mem>>) src(%dma_wait3A_132 : memref<125x64xf32, #tpu.memory_space<vmem>>) dst(%dma_wait3A_138 : memref<10240x64xf32, #tpu.memory_space<vmem_shared>>)
        } else {
        }
        %add3A = arith.constant 3 : i32
        %add3A_89 = arith.addi %scan3A_84, %add3A : i32
        %lt3A = arith.constant 160 : i32
        %lt3A_90 = arith.cmpi slt, %add3A_89, %lt3A : i32
        %convert_element_type3A_91 = arith.extui %lt3A_90 : i1 to i32
        %cond3A_92 = arith.constant 0 : i32
        %cond3A_93 = arith.cmpi ne, %convert_element_type3A_91, %cond3A_92 : i32
        scf.if %cond3A_93 {
          %add3A_127 = arith.constant 3 : i32
          %add3A_128 = arith.addi %scan3A_84, %add3A_127 : i32
          %jit3A_129 = arith.constant 6 : i32
          %eq3A_130 = arith.constant 0 : i32
          %eq3A_131 = arith.cmpi eq, %jit3A_129, %eq3A_130 : i32
          %jit3A_132 = arith.constant 1 : i32
          %select_n3A_133 = arith.select %eq3A_131, %jit3A_132, %jit3A_129 : i32
          %rem3A_134 = arith.remsi %add3A_128, %select_n3A_133 : i32
          %ne3A_135 = arith.constant 0 : i32
          %ne3A_136 = arith.cmpi ne, %rem3A_134, %ne3A_135 : i32
          %lt3A_137 = arith.constant 0 : i32
          %lt3A_138 = arith.cmpi slt, %rem3A_134, %lt3A_137 : i32
          %lt3A_139 = arith.constant 0 : i32
          %lt3A_140 = arith.cmpi slt, %select_n3A_133, %lt3A_139 : i32
          %ne3A_141 = arith.xori %lt3A_138, %lt3A_140 : i1
          %and3A_142 = arith.andi %ne3A_141, %ne3A_136 : i1
          %add3A_143 = arith.addi %rem3A_134, %select_n3A_133 : i32
          %select_n3A_144 = arith.select %and3A_142, %add3A_143, %rem3A_134 : i32
          %dma_start3A_145 = arith.constant 0 : i32
          %dma_start3A_146 = arith.constant 0 : i32
          %dma_start3A_147 = tpu.memref_slice %arg10[%select_n3A_144, %dma_start3A_145, %dma_start3A_146] : memref<6x125x64xf32, #tpu.memory_space<vmem>> -> memref<1x125x64xf32, #tpu.memory_space<vmem>>
          %dma_start3A_148 = tpu.memref_squeeze %dma_start3A_147 : memref<1x125x64xf32, #tpu.memory_space<vmem>> -> memref<125x64xf32, #tpu.memory_space<vmem>>
          %dma_start3A_149 = arith.constant 0 : i32
          %dma_start3A_150 = tpu.memref_slice %arg8[%add3A_128, %dma_start3A_149] : memref<160x125xi32, #tpu.memory_space<vmem>> -> memref<1x125xi32, #tpu.memory_space<vmem>>
          %dma_start3A_151 = tpu.memref_squeeze %dma_start3A_150 : memref<1x125xi32, #tpu.memory_space<vmem>> -> memref<125xi32, #tpu.memory_space<vmem>>
          %dma_start3A_152 = arith.constant 0 : i32
          %dma_start3A_153 = arith.constant 0 : i32
          %dma_start3A_154 = tpu.memref_slice %arg5[%dma_start3A_152, %dma_start3A_153] : memref<10240x64xf32, #tpu.memory_space<hbm>> -> memref<10240x64xf32, #tpu.memory_space<hbm>>
          tpu.enqueue_indirect_dma source(%dma_start3A_154 : memref<10240x64xf32, #tpu.memory_space<hbm>>) target(%dma_start3A_148 : memref<125x64xf32, #tpu.memory_space<vmem>>) offsets(%dma_start3A_151 : memref<125xi32, #tpu.memory_space<vmem>>) semaphore(%arg12 : memref<!tpu.dma_semaphore, #tpu.memory_space<semaphore_mem>>)
        } else {
        }
        %dma_wait3A_94 = arith.constant 0 : i32
        %dma_wait3A_95 = arith.constant 0 : i32
        %dma_wait3A_96 = arith.constant 0 : i32
        %dma_wait3A_97 = arith.constant 0 : i32
        %dma_wait3A_98 = tpu.memref_slice %arg10[%dma_wait3A_95, %dma_wait3A_96, %dma_wait3A_97] : memref<6x125x64xf32, #tpu.memory_space<vmem>> -> memref<1x125x64xf32, #tpu.memory_space<vmem>>
        %dma_wait3A_99 = tpu.memref_squeeze %dma_wait3A_98 : memref<1x125x64xf32, #tpu.memory_space<vmem>> -> memref<125x64xf32, #tpu.memory_space<vmem>>
        %dma_wait3A_100 = arith.constant 0 : i32
        %dma_wait3A_101 = tpu.memref_slice %arg8[%dma_wait3A_94, %dma_wait3A_100] : memref<160x125xi32, #tpu.memory_space<vmem>> -> memref<1x125xi32, #tpu.memory_space<vmem>>
        %dma_wait3A_102 = tpu.memref_squeeze %dma_wait3A_101 : memref<1x125xi32, #tpu.memory_space<vmem>> -> memref<125xi32, #tpu.memory_space<vmem>>
        %dma_wait3A_103 = arith.constant 0 : i32
        %dma_wait3A_104 = arith.constant 0 : i32
        %dma_wait3A_105 = tpu.memref_slice %arg5[%dma_wait3A_103, %dma_wait3A_104] : memref<10240x64xf32, #tpu.memory_space<hbm>> -> memref<10240x64xf32, #tpu.memory_space<hbm>>
        tpu.wait_indirect_dma semaphore(%arg12 : memref<!tpu.dma_semaphore, #tpu.memory_space<semaphore_mem>>) src(%dma_wait3A_105 : memref<10240x64xf32, #tpu.memory_space<hbm>>) dst(%dma_wait3A_99 : memref<125x64xf32, #tpu.memory_space<vmem>>)
        %jit3A = arith.constant 6 : i32
        %eq3A_106 = arith.constant 0 : i32
        %eq3A_107 = arith.cmpi eq, %jit3A, %eq3A_106 : i32
        %jit3A_108 = arith.constant 1 : i32
        %select_n3A = arith.select %eq3A_107, %jit3A_108, %jit3A : i32
        %rem3A = arith.remsi %scan3A_84, %select_n3A : i32
        %ne3A = arith.constant 0 : i32
        %ne3A_109 = arith.cmpi ne, %rem3A, %ne3A : i32
        %lt3A_110 = arith.constant 0 : i32
        %lt3A_111 = arith.cmpi slt, %rem3A, %lt3A_110 : i32
        %lt3A_112 = arith.constant 0 : i32
        %lt3A_113 = arith.cmpi slt, %select_n3A, %lt3A_112 : i32
        %ne3A_114 = arith.xori %lt3A_111, %lt3A_113 : i1
        %and3A = arith.andi %ne3A_114, %ne3A_109 : i1
        %add3A_115 = arith.addi %rem3A, %select_n3A : i32
        %select_n3A_116 = arith.select %and3A, %add3A_115, %rem3A : i32
        %dma_start3A_117 = arith.constant 0 : i32
        %dma_start3A_118 = arith.constant 0 : i32
        %dma_start3A_119 = tpu.memref_slice %arg10[%select_n3A_116, %dma_start3A_117, %dma_start3A_118] : memref<6x125x64xf32, #tpu.memory_space<vmem>> -> memref<1x125x64xf32, #tpu.memory_space<vmem>>
        %dma_start3A_120 = tpu.memref_squeeze %dma_start3A_119 : memref<1x125x64xf32, #tpu.memory_space<vmem>> -> memref<125x64xf32, #tpu.memory_space<vmem>>
        %dma_start3A_121 = arith.constant 0 : i32
        %dma_start3A_122 = tpu.memref_slice %arg9[%scan3A_84, %dma_start3A_121] : memref<160x125xi32, #tpu.memory_space<vmem>> -> memref<1x125xi32, #tpu.memory_space<vmem>>
        %dma_start3A_123 = tpu.memref_squeeze %dma_start3A_122 : memref<1x125xi32, #tpu.memory_space<vmem>> -> memref<125xi32, #tpu.memory_space<vmem>>
        %dma_start3A_124 = arith.constant 0 : i32
        %dma_start3A_125 = arith.constant 0 : i32
        %dma_start3A_126 = tpu.memref_slice %arg11[%dma_start3A_124, %dma_start3A_125] : memref<10240x64xf32, #tpu.memory_space<vmem_shared>> -> memref<10240x64xf32, #tpu.memory_space<vmem_shared>>
        tpu.enqueue_indirect_dma source(%dma_start3A_120 : memref<125x64xf32, #tpu.memory_space<vmem>>) target(%dma_start3A_126 : memref<10240x64xf32, #tpu.memory_space<vmem_shared>>) offsets(%dma_start3A_123 : memref<125xi32, #tpu.memory_space<vmem>>) semaphore(%arg13 : memref<!tpu.dma_semaphore, #tpu.memory_space<semaphore_mem>>) {add = true}
      }
      %scan3A_48 = arith.constant 160 : i32
      %dma_wait3A = arith.constant 0 : i32
      %dma_wait3A_49 = arith.constant 0 : i32
      %dma_wait3A_50 = arith.constant 0 : i32
      %dma_wait3A_51 = arith.constant 0 : i32
      %dma_wait3A_52 = tpu.memref_slice %arg10[%dma_wait3A, %dma_wait3A_50, %dma_wait3A_51] : memref<6x125x64xf32, #tpu.memory_space<vmem>> -> memref<1x125x64xf32, #tpu.memory_space<vmem>>
      %dma_wait3A_53 = tpu.memref_squeeze %dma_wait3A_52 : memref<1x125x64xf32, #tpu.memory_space<vmem>> -> memref<125x64xf32, #tpu.memory_space<vmem>>
      %dma_wait3A_54 = arith.constant 0 : i32
      %dma_wait3A_55 = tpu.memref_slice %arg9[%dma_wait3A_49, %dma_wait3A_54] : memref<160x125xi32, #tpu.memory_space<vmem>> -> memref<1x125xi32, #tpu.memory_space<vmem>>
      %dma_wait3A_56 = tpu.memref_squeeze %dma_wait3A_55 : memref<1x125xi32, #tpu.memory_space<vmem>> -> memref<125xi32, #tpu.memory_space<vmem>>
      %dma_wait3A_57 = arith.constant 0 : i32
      %dma_wait3A_58 = arith.constant 0 : i32
      %dma_wait3A_59 = tpu.memref_slice %arg11[%dma_wait3A_57, %dma_wait3A_58] : memref<10240x64xf32, #tpu.memory_space<vmem_shared>> -> memref<10240x64xf32, #tpu.memory_space<vmem_shared>>
      tpu.wait_indirect_dma semaphore(%arg13 : memref<!tpu.dma_semaphore, #tpu.memory_space<semaphore_mem>>) src(%dma_wait3A_53 : memref<125x64xf32, #tpu.memory_space<vmem>>) dst(%dma_wait3A_59 : memref<10240x64xf32, #tpu.memory_space<vmem_shared>>)
      %dma_wait3A_60 = arith.constant 0 : i32
      %dma_wait3A_61 = arith.constant 0 : i32
      %dma_wait3A_62 = arith.constant 0 : i32
      %dma_wait3A_63 = arith.constant 0 : i32
      %dma_wait3A_64 = tpu.memref_slice %arg10[%dma_wait3A_60, %dma_wait3A_62, %dma_wait3A_63] : memref<6x125x64xf32, #tpu.memory_space<vmem>> -> memref<1x125x64xf32, #tpu.memory_space<vmem>>
      %dma_wait3A_65 = tpu.memref_squeeze %dma_wait3A_64 : memref<1x125x64xf32, #tpu.memory_space<vmem>> -> memref<125x64xf32, #tpu.memory_space<vmem>>
      %dma_wait3A_66 = arith.constant 0 : i32
      %dma_wait3A_67 = tpu.memref_slice %arg9[%dma_wait3A_61, %dma_wait3A_66] : memref<160x125xi32, #tpu.memory_space<vmem>> -> memref<1x125xi32, #tpu.memory_space<vmem>>
      %dma_wait3A_68 = tpu.memref_squeeze %dma_wait3A_67 : memref<1x125xi32, #tpu.memory_space<vmem>> -> memref<125xi32, #tpu.memory_space<vmem>>
      %dma_wait3A_69 = arith.constant 0 : i32
      %dma_wait3A_70 = arith.constant 0 : i32
      %dma_wait3A_71 = tpu.memref_slice %arg11[%dma_wait3A_69, %dma_wait3A_70] : memref<10240x64xf32, #tpu.memory_space<vmem_shared>> -> memref<10240x64xf32, #tpu.memory_space<vmem_shared>>
      tpu.wait_indirect_dma semaphore(%arg13 : memref<!tpu.dma_semaphore, #tpu.memory_space<semaphore_mem>>) src(%dma_wait3A_65 : memref<125x64xf32, #tpu.memory_space<vmem>>) dst(%dma_wait3A_71 : memref<10240x64xf32, #tpu.memory_space<vmem_shared>>)
      %dma_wait3A_72 = arith.constant 0 : i32
      %dma_wait3A_73 = arith.constant 0 : i32
      %dma_wait3A_74 = arith.constant 0 : i32
      %dma_wait3A_75 = arith.constant 0 : i32
      %dma_wait3A_76 = tpu.memref_slice %arg10[%dma_wait3A_72, %dma_wait3A_74, %dma_wait3A_75] : memref<6x125x64xf32, #tpu.memory_space<vmem>> -> memref<1x125x64xf32, #tpu.memory_space<vmem>>
      %dma_wait3A_77 = tpu.memref_squeeze %dma_wait3A_76 : memref<1x125x64xf32, #tpu.memory_space<vmem>> -> memref<125x64xf32, #tpu.memory_space<vmem>>
      %dma_wait3A_78 = arith.constant 0 : i32
      %dma_wait3A_79 = tpu.memref_slice %arg9[%dma_wait3A_73, %dma_wait3A_78] : memref<160x125xi32, #tpu.memory_space<vmem>> -> memref<1x125xi32, #tpu.memory_space<vmem>>
      %dma_wait3A_80 = tpu.memref_squeeze %dma_wait3A_79 : memref<1x125xi32, #tpu.memory_space<vmem>> -> memref<125xi32, #tpu.memory_space<vmem>>
      %dma_wait3A_81 = arith.constant 0 : i32
      %dma_wait3A_82 = arith.constant 0 : i32
      %dma_wait3A_83 = tpu.memref_slice %arg11[%dma_wait3A_81, %dma_wait3A_82] : memref<10240x64xf32, #tpu.memory_space<vmem_shared>> -> memref<10240x64xf32, #tpu.memory_space<vmem_shared>>
      tpu.wait_indirect_dma semaphore(%arg13 : memref<!tpu.dma_semaphore, #tpu.memory_space<semaphore_mem>>) src(%dma_wait3A_77 : memref<125x64xf32, #tpu.memory_space<vmem>>) dst(%dma_wait3A_83 : memref<10240x64xf32, #tpu.memory_space<vmem_shared>>)
    } else {
    }
    %barrier3A_8 = arith.constant 0 : index
    tpu.barrier barrier_id(%barrier3A_8)
    "tpu.region"() ({
      %run_scoped3A = tpu.sem_alloc : memref<!tpu.dma_semaphore, #tpu.memory_space<semaphore_mem>>
      %dma_start3A = arith.constant 0 : i32
      %dma_start3A_9 = tpu.memref_slice %arg7[%arg0, %multiple_of3A, %dma_start3A] : memref<2x10240x64xf32, #tpu.memory_space<hbm>> -> memref<1x640x64xf32, #tpu.memory_space<hbm>>
      %dma_start3A_10 = tpu.memref_squeeze %dma_start3A_9 : memref<1x640x64xf32, #tpu.memory_space<hbm>> -> memref<640x64xf32, #tpu.memory_space<hbm>>
      %dma_start3A_11 = arith.constant 0 : i32
      %dma_start3A_12 = tpu.memref_slice %arg11[%multiple_of3A, %dma_start3A_11] : memref<10240x64xf32, #tpu.memory_space<vmem_shared>> -> memref<640x64xf32, #tpu.memory_space<vmem_shared>>
      tpu.enqueue_dma source(%dma_start3A_12 : memref<640x64xf32, #tpu.memory_space<vmem_shared>>) target(%dma_start3A_10 : memref<640x64xf32, #tpu.memory_space<hbm>>) target_semaphore(%run_scoped3A : memref<!tpu.dma_semaphore, #tpu.memory_space<semaphore_mem>>)
      %dma_wait3A = arith.constant 0 : i32
      %dma_wait3A_13 = tpu.memref_slice %arg7[%arg0, %multiple_of3A, %dma_wait3A] : memref<2x10240x64xf32, #tpu.memory_space<hbm>> -> memref<1x640x64xf32, #tpu.memory_space<hbm>>
      %dma_wait3A_14 = tpu.memref_squeeze %dma_wait3A_13 : memref<1x640x64xf32, #tpu.memory_space<hbm>> -> memref<640x64xf32, #tpu.memory_space<hbm>>
      %dma_wait3A_15 = arith.constant 0 : i32
      %dma_wait3A_16 = tpu.memref_slice %arg11[%multiple_of3A, %dma_wait3A_15] : memref<10240x64xf32, #tpu.memory_space<vmem_shared>> -> memref<640x64xf32, #tpu.memory_space<vmem_shared>>
      tpu.wait_dma2 semaphore(%run_scoped3A : memref<!tpu.dma_semaphore, #tpu.memory_space<semaphore_mem>>) src(%dma_wait3A_16 : memref<640x64xf32, #tpu.memory_space<vmem_shared>>) dst(%dma_wait3A_14 : memref<640x64xf32, #tpu.memory_space<hbm>>)
      tpu.yield
    }) : () -> ()
    return
  }
}

#map = affine_map<(d0, d1) -> (0, 0)>
#map1 = affine_map<(d0, d1) -> (0, 0, 0)>
#map2 = affine_map<(d0, d1) -> (0)>
module attributes {stable_mosaic.version = 14 : i64} {
  func.func @_scalar_pool_body(%arg0: i32, %arg1: i32, %arg2: memref<32x10000xi32, #tpu.memory_space<hbm>>, %arg3: memref<32x125x80xi32, #tpu.memory_space<hbm>>, %arg4: memref<10240xf32, #tpu.memory_space<hbm>>, %arg5: memref<10240xf32, #tpu.memory_space<hbm>>, %arg6: memref<16x8x80xi32, #tpu.memory_space<hbm>>, %arg7: memref<10240xf32, #tpu.memory_space<hbm>>, %arg8: memref<2x128xf32, #tpu.memory_space<hbm>>, %arg9: memref<10240xf32, #tpu.memory_space<vmem>>, %arg10: memref<10000xi32, #tpu.memory_space<vmem>>, %arg11: memref<125x80xi32, #tpu.memory_space<vmem>>, %arg12: memref<8x80xi32, #tpu.memory_space<vmem>>, %arg13: memref<480xf32, #tpu.memory_space<vmem>>, %arg14: memref<640xf32, #tpu.memory_space<vmem>>, %arg15: memref<640xf32, #tpu.memory_space<vmem>>, %arg16: memref<640xf32, #tpu.memory_space<vmem>>, %arg17: memref<10240xf32, #tpu.memory_space<vmem_shared>>, %arg18: memref<128xf32, #tpu.memory_space<vmem_shared>>, %arg19: memref<!tpu.dma_semaphore, #tpu.memory_space<semaphore_mem>>) attributes {dimension_semantics = [#tpu.dimension_semantics<core_parallel>, #tpu.dimension_semantics<subcore_parallel>], iteration_bounds = array<i64: 2, 16>, scalar_prefetch = 0 : i64, scratch_operands = 11 : i64, tpu.core_type = #tpu.core_type<sc_vector_subcore>, window_params = [{transform_indices = #map}, {transform_indices = #map1}, {transform_indices = #map2}, {transform_indices = #map2}, {transform_indices = #map1}, {transform_indices = #map2}, {transform_indices = #map}]} {
    %mul3A = arith.constant 16 : i32
    %mul3A_0 = arith.muli %arg0, %mul3A : i32
    %add3A = arith.addi %mul3A_0, %arg1 : i32
    %mul3A_1 = arith.constant 640 : i32
    %mul3A_2 = arith.muli %arg1, %mul3A_1 : i32
    %multiple_of3A = tpu.assume_multiple %mul3A_2, 8 : i32
    "tpu.region"() ({
      %run_scoped3A = tpu.sem_alloc : memref<!tpu.dma_semaphore, #tpu.memory_space<semaphore_mem>>
      %dma_start3A_474 = tpu.memref_slice %arg17[%multiple_of3A] : memref<10240xf32, #tpu.memory_space<vmem_shared>> -> memref<640xf32, #tpu.memory_space<vmem_shared>>
      %dma_start3A_475 = tpu.memref_slice %arg7[%multiple_of3A] : memref<10240xf32, #tpu.memory_space<hbm>> -> memref<640xf32, #tpu.memory_space<hbm>>
      tpu.enqueue_dma source(%dma_start3A_475 : memref<640xf32, #tpu.memory_space<hbm>>) target(%dma_start3A_474 : memref<640xf32, #tpu.memory_space<vmem_shared>>) target_semaphore(%run_scoped3A : memref<!tpu.dma_semaphore, #tpu.memory_space<semaphore_mem>>)
      %dma_wait3A_476 = tpu.memref_slice %arg17[%multiple_of3A] : memref<10240xf32, #tpu.memory_space<vmem_shared>> -> memref<640xf32, #tpu.memory_space<vmem_shared>>
      %dma_wait3A_477 = tpu.memref_slice %arg7[%multiple_of3A] : memref<10240xf32, #tpu.memory_space<hbm>> -> memref<640xf32, #tpu.memory_space<hbm>>
      tpu.wait_dma2 semaphore(%run_scoped3A : memref<!tpu.dma_semaphore, #tpu.memory_space<semaphore_mem>>) src(%dma_wait3A_477 : memref<640xf32, #tpu.memory_space<hbm>>) dst(%dma_wait3A_476 : memref<640xf32, #tpu.memory_space<vmem_shared>>)
      tpu.yield
    }) : () -> ()
    %eq3A = arith.constant 0 : i32
    %eq3A_3 = arith.cmpi eq, %arg1, %eq3A : i32
    %convert_element_type3A = arith.extui %eq3A_3 : i1 to i32
    %cond3A = arith.constant 0 : i32
    %cond3A_4 = arith.cmpi ne, %convert_element_type3A, %cond3A : i32
    scf.if %cond3A_4 {
      "tpu.region"() ({
        %run_scoped3A = tpu.sem_alloc : memref<!tpu.dma_semaphore, #tpu.memory_space<semaphore_mem>>
        %dma_start3A_474 = arith.constant 0 : i32
        %dma_start3A_475 = tpu.memref_slice %arg7[%dma_start3A_474] : memref<10240xf32, #tpu.memory_space<hbm>> -> memref<128xf32, #tpu.memory_space<hbm>>
        tpu.enqueue_dma source(%dma_start3A_475 : memref<128xf32, #tpu.memory_space<hbm>>) target(%arg18 : memref<128xf32, #tpu.memory_space<vmem_shared>>) target_semaphore(%run_scoped3A : memref<!tpu.dma_semaphore, #tpu.memory_space<semaphore_mem>>)
        %dma_wait3A_476 = arith.constant 0 : i32
        %dma_wait3A_477 = tpu.memref_slice %arg7[%dma_wait3A_476] : memref<10240xf32, #tpu.memory_space<hbm>> -> memref<128xf32, #tpu.memory_space<hbm>>
        tpu.wait_dma2 semaphore(%run_scoped3A : memref<!tpu.dma_semaphore, #tpu.memory_space<semaphore_mem>>) src(%dma_wait3A_477 : memref<128xf32, #tpu.memory_space<hbm>>) dst(%arg18 : memref<128xf32, #tpu.memory_space<vmem_shared>>)
        tpu.yield
      }) : () -> ()
    } else {
    }
    "tpu.region"() ({
      %run_scoped3A = tpu.sem_alloc : memref<!tpu.dma_semaphore, #tpu.memory_space<semaphore_mem>>
      tpu.enqueue_dma source(%arg4 : memref<10240xf32, #tpu.memory_space<hbm>>) target(%arg9 : memref<10240xf32, #tpu.memory_space<vmem>>) target_semaphore(%run_scoped3A : memref<!tpu.dma_semaphore, #tpu.memory_space<semaphore_mem>>)
      tpu.wait_dma2 semaphore(%run_scoped3A : memref<!tpu.dma_semaphore, #tpu.memory_space<semaphore_mem>>) src(%arg4 : memref<10240xf32, #tpu.memory_space<hbm>>) dst(%arg9 : memref<10240xf32, #tpu.memory_space<vmem>>)
      tpu.yield
    }) : () -> ()
    "tpu.region"() ({
      %run_scoped3A = tpu.sem_alloc : memref<!tpu.dma_semaphore, #tpu.memory_space<semaphore_mem>>
      %dma_start3A_474 = arith.constant 0 : i32
      %dma_start3A_475 = tpu.memref_slice %arg2[%add3A, %dma_start3A_474] : memref<32x10000xi32, #tpu.memory_space<hbm>> -> memref<1x10000xi32, #tpu.memory_space<hbm>>
      %dma_start3A_476 = tpu.memref_squeeze %dma_start3A_475 : memref<1x10000xi32, #tpu.memory_space<hbm>> -> memref<10000xi32, #tpu.memory_space<hbm>>
      %dma_start3A_477 = arith.constant 0 : i32
      %dma_start3A_478 = tpu.memref_slice %arg2[%add3A, %dma_start3A_477] : memref<32x10000xi32, #tpu.memory_space<hbm>> -> memref<1x10000xi32, #tpu.memory_space<hbm>>
      %dma_start3A_479 = tpu.memref_squeeze %dma_start3A_478 : memref<1x10000xi32, #tpu.memory_space<hbm>> -> memref<10000xi32, #tpu.memory_space<hbm>>
      tpu.enqueue_dma source(%dma_start3A_479 : memref<10000xi32, #tpu.memory_space<hbm>>) target(%arg10 : memref<10000xi32, #tpu.memory_space<vmem>>) target_semaphore(%run_scoped3A : memref<!tpu.dma_semaphore, #tpu.memory_space<semaphore_mem>>)
      %dma_wait3A_480 = arith.constant 0 : i32
      %dma_wait3A_481 = tpu.memref_slice %arg2[%add3A, %dma_wait3A_480] : memref<32x10000xi32, #tpu.memory_space<hbm>> -> memref<1x10000xi32, #tpu.memory_space<hbm>>
      %dma_wait3A_482 = tpu.memref_squeeze %dma_wait3A_481 : memref<1x10000xi32, #tpu.memory_space<hbm>> -> memref<10000xi32, #tpu.memory_space<hbm>>
      %dma_wait3A_483 = arith.constant 0 : i32
      %dma_wait3A_484 = tpu.memref_slice %arg2[%add3A, %dma_wait3A_483] : memref<32x10000xi32, #tpu.memory_space<hbm>> -> memref<1x10000xi32, #tpu.memory_space<hbm>>
      %dma_wait3A_485 = tpu.memref_squeeze %dma_wait3A_484 : memref<1x10000xi32, #tpu.memory_space<hbm>> -> memref<10000xi32, #tpu.memory_space<hbm>>
      tpu.wait_dma2 semaphore(%run_scoped3A : memref<!tpu.dma_semaphore, #tpu.memory_space<semaphore_mem>>) src(%dma_wait3A_485 : memref<10000xi32, #tpu.memory_space<hbm>>) dst(%arg10 : memref<10000xi32, #tpu.memory_space<vmem>>)
      tpu.yield
    }) : () -> ()
    "tpu.region"() ({
      %run_scoped3A = tpu.sem_alloc : memref<!tpu.dma_semaphore, #tpu.memory_space<semaphore_mem>>
      %dma_start3A_474 = arith.constant 0 : i32
      %dma_start3A_475 = arith.constant 0 : i32
      %dma_start3A_476 = tpu.memref_slice %arg3[%add3A, %dma_start3A_474, %dma_start3A_475] : memref<32x125x80xi32, #tpu.memory_space<hbm>> -> memref<1x125x80xi32, #tpu.memory_space<hbm>>
      %dma_start3A_477 = tpu.memref_squeeze %dma_start3A_476 : memref<1x125x80xi32, #tpu.memory_space<hbm>> -> memref<125x80xi32, #tpu.memory_space<hbm>>
      %dma_start3A_478 = arith.constant 0 : i32
      %dma_start3A_479 = arith.constant 0 : i32
      %dma_start3A_480 = tpu.memref_slice %arg3[%add3A, %dma_start3A_478, %dma_start3A_479] : memref<32x125x80xi32, #tpu.memory_space<hbm>> -> memref<1x125x80xi32, #tpu.memory_space<hbm>>
      %dma_start3A_481 = tpu.memref_squeeze %dma_start3A_480 : memref<1x125x80xi32, #tpu.memory_space<hbm>> -> memref<125x80xi32, #tpu.memory_space<hbm>>
      tpu.enqueue_dma source(%dma_start3A_481 : memref<125x80xi32, #tpu.memory_space<hbm>>) target(%arg11 : memref<125x80xi32, #tpu.memory_space<vmem>>) target_semaphore(%run_scoped3A : memref<!tpu.dma_semaphore, #tpu.memory_space<semaphore_mem>>)
      %dma_wait3A_482 = arith.constant 0 : i32
      %dma_wait3A_483 = arith.constant 0 : i32
      %dma_wait3A_484 = tpu.memref_slice %arg3[%add3A, %dma_wait3A_482, %dma_wait3A_483] : memref<32x125x80xi32, #tpu.memory_space<hbm>> -> memref<1x125x80xi32, #tpu.memory_space<hbm>>
      %dma_wait3A_485 = tpu.memref_squeeze %dma_wait3A_484 : memref<1x125x80xi32, #tpu.memory_space<hbm>> -> memref<125x80xi32, #tpu.memory_space<hbm>>
      %dma_wait3A_486 = arith.constant 0 : i32
      %dma_wait3A_487 = arith.constant 0 : i32
      %dma_wait3A_488 = tpu.memref_slice %arg3[%add3A, %dma_wait3A_486, %dma_wait3A_487] : memref<32x125x80xi32, #tpu.memory_space<hbm>> -> memref<1x125x80xi32, #tpu.memory_space<hbm>>
      %dma_wait3A_489 = tpu.memref_squeeze %dma_wait3A_488 : memref<1x125x80xi32, #tpu.memory_space<hbm>> -> memref<125x80xi32, #tpu.memory_space<hbm>>
      tpu.wait_dma2 semaphore(%run_scoped3A : memref<!tpu.dma_semaphore, #tpu.memory_space<semaphore_mem>>) src(%dma_wait3A_489 : memref<125x80xi32, #tpu.memory_space<hbm>>) dst(%arg11 : memref<125x80xi32, #tpu.memory_space<vmem>>)
      tpu.yield
    }) : () -> ()
    "tpu.region"() ({
      %run_scoped3A = tpu.sem_alloc : memref<!tpu.dma_semaphore, #tpu.memory_space<semaphore_mem>>
      %dma_start3A_474 = arith.constant 0 : i32
      %dma_start3A_475 = arith.constant 0 : i32
      %dma_start3A_476 = tpu.memref_slice %arg6[%arg1, %dma_start3A_474, %dma_start3A_475] : memref<16x8x80xi32, #tpu.memory_space<hbm>> -> memref<1x8x80xi32, #tpu.memory_space<hbm>>
      %dma_start3A_477 = tpu.memref_squeeze %dma_start3A_476 : memref<1x8x80xi32, #tpu.memory_space<hbm>> -> memref<8x80xi32, #tpu.memory_space<hbm>>
      %dma_start3A_478 = arith.constant 0 : i32
      %dma_start3A_479 = arith.constant 0 : i32
      %dma_start3A_480 = tpu.memref_slice %arg6[%arg1, %dma_start3A_478, %dma_start3A_479] : memref<16x8x80xi32, #tpu.memory_space<hbm>> -> memref<1x8x80xi32, #tpu.memory_space<hbm>>
      %dma_start3A_481 = tpu.memref_squeeze %dma_start3A_480 : memref<1x8x80xi32, #tpu.memory_space<hbm>> -> memref<8x80xi32, #tpu.memory_space<hbm>>
      tpu.enqueue_dma source(%dma_start3A_481 : memref<8x80xi32, #tpu.memory_space<hbm>>) target(%arg12 : memref<8x80xi32, #tpu.memory_space<vmem>>) target_semaphore(%run_scoped3A : memref<!tpu.dma_semaphore, #tpu.memory_space<semaphore_mem>>)
      %dma_wait3A_482 = arith.constant 0 : i32
      %dma_wait3A_483 = arith.constant 0 : i32
      %dma_wait3A_484 = tpu.memref_slice %arg6[%arg1, %dma_wait3A_482, %dma_wait3A_483] : memref<16x8x80xi32, #tpu.memory_space<hbm>> -> memref<1x8x80xi32, #tpu.memory_space<hbm>>
      %dma_wait3A_485 = tpu.memref_squeeze %dma_wait3A_484 : memref<1x8x80xi32, #tpu.memory_space<hbm>> -> memref<8x80xi32, #tpu.memory_space<hbm>>
      %dma_wait3A_486 = arith.constant 0 : i32
      %dma_wait3A_487 = arith.constant 0 : i32
      %dma_wait3A_488 = tpu.memref_slice %arg6[%arg1, %dma_wait3A_486, %dma_wait3A_487] : memref<16x8x80xi32, #tpu.memory_space<hbm>> -> memref<1x8x80xi32, #tpu.memory_space<hbm>>
      %dma_wait3A_489 = tpu.memref_squeeze %dma_wait3A_488 : memref<1x8x80xi32, #tpu.memory_space<hbm>> -> memref<8x80xi32, #tpu.memory_space<hbm>>
      tpu.wait_dma2 semaphore(%run_scoped3A : memref<!tpu.dma_semaphore, #tpu.memory_space<semaphore_mem>>) src(%dma_wait3A_489 : memref<8x80xi32, #tpu.memory_space<hbm>>) dst(%arg12 : memref<8x80xi32, #tpu.memory_space<vmem>>)
      tpu.yield
    }) : () -> ()
    "tpu.region"() ({
      %run_scoped3A = tpu.sem_alloc : memref<!tpu.dma_semaphore, #tpu.memory_space<semaphore_mem>>
      %dma_start3A_474 = tpu.memref_slice %arg5[%multiple_of3A] : memref<10240xf32, #tpu.memory_space<hbm>> -> memref<640xf32, #tpu.memory_space<hbm>>
      %dma_start3A_475 = tpu.memref_slice %arg5[%multiple_of3A] : memref<10240xf32, #tpu.memory_space<hbm>> -> memref<640xf32, #tpu.memory_space<hbm>>
      tpu.enqueue_dma source(%dma_start3A_475 : memref<640xf32, #tpu.memory_space<hbm>>) target(%arg15 : memref<640xf32, #tpu.memory_space<vmem>>) target_semaphore(%run_scoped3A : memref<!tpu.dma_semaphore, #tpu.memory_space<semaphore_mem>>)
      %dma_wait3A_476 = tpu.memref_slice %arg5[%multiple_of3A] : memref<10240xf32, #tpu.memory_space<hbm>> -> memref<640xf32, #tpu.memory_space<hbm>>
      %dma_wait3A_477 = tpu.memref_slice %arg5[%multiple_of3A] : memref<10240xf32, #tpu.memory_space<hbm>> -> memref<640xf32, #tpu.memory_space<hbm>>
      tpu.wait_dma2 semaphore(%run_scoped3A : memref<!tpu.dma_semaphore, #tpu.memory_space<semaphore_mem>>) src(%dma_wait3A_477 : memref<640xf32, #tpu.memory_space<hbm>>) dst(%arg15 : memref<640xf32, #tpu.memory_space<vmem>>)
      tpu.yield
    }) : () -> ()
    %barrier3A = arith.constant 0 : index
    tpu.barrier barrier_id(%barrier3A)
    %scan3A = arith.constant 0 : i32
    %scan3A_5 = arith.constant 0 : i32
    %scan3A_6 = arith.constant 125 : i32
    %scan3A_7 = arith.addi %scan3A_5, %scan3A_6 : i32
    %scan3A_8 = arith.constant 1 : i32
    scf.for %scan3A_474 = %scan3A_5 to %scan3A_7 step %scan3A_8  : i32 {
      %jit3A = arith.constant 6 : i32
      %eq3A_475 = arith.constant 0 : i32
      %eq3A_476 = arith.cmpi eq, %jit3A, %eq3A_475 : i32
      %jit3A_477 = arith.constant 1 : i32
      %select_n3A = arith.select %eq3A_476, %jit3A_477, %jit3A : i32
      %rem3A = arith.remsi %scan3A_474, %select_n3A : i32
      %ne3A = arith.constant 0 : i32
      %ne3A_478 = arith.cmpi ne, %rem3A, %ne3A : i32
      %lt3A = arith.constant 0 : i32
      %lt3A_479 = arith.cmpi slt, %rem3A, %lt3A : i32
      %lt3A_480 = arith.constant 0 : i32
      %lt3A_481 = arith.cmpi slt, %select_n3A, %lt3A_480 : i32
      %ne3A_482 = arith.xori %lt3A_479, %lt3A_481 : i1
      %and3A = arith.andi %ne3A_482, %ne3A_478 : i1
      %add3A_483 = arith.addi %rem3A, %select_n3A : i32
      %select_n3A_484 = arith.select %and3A, %add3A_483, %rem3A : i32
      %ge3A = arith.constant 6 : i32
      %ge3A_485 = arith.cmpi sge, %scan3A_474, %ge3A : i32
      %convert_element_type3A_486 = arith.extui %ge3A_485 : i1 to i32
      %cond3A_487 = arith.constant 0 : i32
      %cond3A_488 = arith.cmpi ne, %convert_element_type3A_486, %cond3A_487 : i32
      scf.if %cond3A_488 {
        %dma_wait3A_561 = arith.constant 0 : i32
        %dma_wait3A_562 = arith.constant 0 : i32
        %dma_wait3A_563 = tpu.memref_slice %arg13[%dma_wait3A_562] : memref<480xf32, #tpu.memory_space<vmem>> -> memref<80xf32, #tpu.memory_space<vmem>>
        %dma_wait3A_564 = arith.constant 0 : i32
        %dma_wait3A_565 = tpu.memref_slice %arg11[%dma_wait3A_561, %dma_wait3A_564] : memref<125x80xi32, #tpu.memory_space<vmem>> -> memref<1x80xi32, #tpu.memory_space<vmem>>
        %dma_wait3A_566 = tpu.memref_squeeze %dma_wait3A_565 : memref<1x80xi32, #tpu.memory_space<vmem>> -> memref<80xi32, #tpu.memory_space<vmem>>
        %dma_wait3A_567 = arith.constant 0 : i32
        %dma_wait3A_568 = tpu.memref_slice %arg17[%dma_wait3A_567] : memref<10240xf32, #tpu.memory_space<vmem_shared>> -> memref<10240xf32, #tpu.memory_space<vmem_shared>>
        tpu.wait_indirect_dma semaphore(%arg19 : memref<!tpu.dma_semaphore, #tpu.memory_space<semaphore_mem>>) src(%dma_wait3A_563 : memref<80xf32, #tpu.memory_space<vmem>>) dst(%dma_wait3A_568 : memref<10240xf32, #tpu.memory_space<vmem_shared>>)
      } else {
      }
      %mul3A_489 = arith.constant 80 : i32
      %mul3A_490 = arith.muli %scan3A_474, %mul3A_489 : i32
      %add3A_491 = arith.constant 0 : i32
      %add3A_492 = arith.addi %mul3A_490, %add3A_491 : i32
      %get3A_493 = arith.index_cast %add3A_492 : i32 to index
      %get3A_494 = tpu.vector_load %arg10[%get3A_493] {strides = array<i32>} : memref<10000xi32, #tpu.memory_space<vmem>>, vector<16xi32>,
      %gather3A = tpu.vector_load_idx %arg9[%get3A_494] : memref<10240xf32, #tpu.memory_space<vmem>>[vector<16xi32>], vector<16xf32>,
      %mul3A_495 = arith.constant 80 : i32
      %mul3A_496 = arith.muli %select_n3A_484, %mul3A_495 : i32
      %add3A_497 = arith.constant 0 : i32
      %add3A_498 = arith.addi %mul3A_496, %add3A_497 : i32
      %swap3A_499 = arith.index_cast %add3A_498 : i32 to index
      %swap3A_500 = tpu.vector_load %arg13[%swap3A_499] {strides = array<i32>} : memref<480xf32, #tpu.memory_space<vmem>>, vector<16xf32>,
      tpu.vector_store %arg13[%swap3A_499], %gather3A {strides = array<i32>} : memref<480xf32, #tpu.memory_space<vmem>>, vector<16xf32>,
      %mul3A_501 = arith.constant 80 : i32
      %mul3A_502 = arith.muli %scan3A_474, %mul3A_501 : i32
      %add3A_503 = arith.constant 16 : i32
      %add3A_504 = arith.addi %mul3A_502, %add3A_503 : i32
      %get3A_505 = arith.index_cast %add3A_504 : i32 to index
      %get3A_506 = tpu.vector_load %arg10[%get3A_505] {strides = array<i32>} : memref<10000xi32, #tpu.memory_space<vmem>>, vector<16xi32>,
      %gather3A_507 = tpu.vector_load_idx %arg9[%get3A_506] : memref<10240xf32, #tpu.memory_space<vmem>>[vector<16xi32>], vector<16xf32>,
      %mul3A_508 = arith.constant 80 : i32
      %mul3A_509 = arith.muli %select_n3A_484, %mul3A_508 : i32
      %add3A_510 = arith.constant 16 : i32
      %add3A_511 = arith.addi %mul3A_509, %add3A_510 : i32
      %swap3A_512 = arith.index_cast %add3A_511 : i32 to index
      %swap3A_513 = tpu.vector_load %arg13[%swap3A_512] {strides = array<i32>} : memref<480xf32, #tpu.memory_space<vmem>>, vector<16xf32>,
      tpu.vector_store %arg13[%swap3A_512], %gather3A_507 {strides = array<i32>} : memref<480xf32, #tpu.memory_space<vmem>>, vector<16xf32>,
      %mul3A_514 = arith.constant 80 : i32
      %mul3A_515 = arith.muli %scan3A_474, %mul3A_514 : i32
      %add3A_516 = arith.constant 32 : i32
      %add3A_517 = arith.addi %mul3A_515, %add3A_516 : i32
      %get3A_518 = arith.index_cast %add3A_517 : i32 to index
      %get3A_519 = tpu.vector_load %arg10[%get3A_518] {strides = array<i32>} : memref<10000xi32, #tpu.memory_space<vmem>>, vector<16xi32>,
      %gather3A_520 = tpu.vector_load_idx %arg9[%get3A_519] : memref<10240xf32, #tpu.memory_space<vmem>>[vector<16xi32>], vector<16xf32>,
      %mul3A_521 = arith.constant 80 : i32
      %mul3A_522 = arith.muli %select_n3A_484, %mul3A_521 : i32
      %add3A_523 = arith.constant 32 : i32
      %add3A_524 = arith.addi %mul3A_522, %add3A_523 : i32
      %swap3A_525 = arith.index_cast %add3A_524 : i32 to index
      %swap3A_526 = tpu.vector_load %arg13[%swap3A_525] {strides = array<i32>} : memref<480xf32, #tpu.memory_space<vmem>>, vector<16xf32>,
      tpu.vector_store %arg13[%swap3A_525], %gather3A_520 {strides = array<i32>} : memref<480xf32, #tpu.memory_space<vmem>>, vector<16xf32>,
      %mul3A_527 = arith.constant 80 : i32
      %mul3A_528 = arith.muli %scan3A_474, %mul3A_527 : i32
      %add3A_529 = arith.constant 48 : i32
      %add3A_530 = arith.addi %mul3A_528, %add3A_529 : i32
      %get3A_531 = arith.index_cast %add3A_530 : i32 to index
      %get3A_532 = tpu.vector_load %arg10[%get3A_531] {strides = array<i32>} : memref<10000xi32, #tpu.memory_space<vmem>>, vector<16xi32>,
      %gather3A_533 = tpu.vector_load_idx %arg9[%get3A_532] : memref<10240xf32, #tpu.memory_space<vmem>>[vector<16xi32>], vector<16xf32>,
      %mul3A_534 = arith.constant 80 : i32
      %mul3A_535 = arith.muli %select_n3A_484, %mul3A_534 : i32
      %add3A_536 = arith.constant 48 : i32
      %add3A_537 = arith.addi %mul3A_535, %add3A_536 : i32
      %swap3A_538 = arith.index_cast %add3A_537 : i32 to index
      %swap3A_539 = tpu.vector_load %arg13[%swap3A_538] {strides = array<i32>} : memref<480xf32, #tpu.memory_space<vmem>>, vector<16xf32>,
      tpu.vector_store %arg13[%swap3A_538], %gather3A_533 {strides = array<i32>} : memref<480xf32, #tpu.memory_space<vmem>>, vector<16xf32>,
      %mul3A_540 = arith.constant 80 : i32
      %mul3A_541 = arith.muli %scan3A_474, %mul3A_540 : i32
      %add3A_542 = arith.constant 64 : i32
      %add3A_543 = arith.addi %mul3A_541, %add3A_542 : i32
      %get3A_544 = arith.index_cast %add3A_543 : i32 to index
      %get3A_545 = tpu.vector_load %arg10[%get3A_544] {strides = array<i32>} : memref<10000xi32, #tpu.memory_space<vmem>>, vector<16xi32>,
      %gather3A_546 = tpu.vector_load_idx %arg9[%get3A_545] : memref<10240xf32, #tpu.memory_space<vmem>>[vector<16xi32>], vector<16xf32>,
      %mul3A_547 = arith.constant 80 : i32
      %mul3A_548 = arith.muli %select_n3A_484, %mul3A_547 : i32
      %add3A_549 = arith.constant 64 : i32
      %add3A_550 = arith.addi %mul3A_548, %add3A_549 : i32
      %swap3A_551 = arith.index_cast %add3A_550 : i32 to index
      %swap3A_552 = tpu.vector_load %arg13[%swap3A_551] {strides = array<i32>} : memref<480xf32, #tpu.memory_space<vmem>>, vector<16xf32>,
      tpu.vector_store %arg13[%swap3A_551], %gather3A_546 {strides = array<i32>} : memref<480xf32, #tpu.memory_space<vmem>>, vector<16xf32>,
      %mul3A_553 = arith.constant 80 : i32
      %mul3A_554 = arith.muli %select_n3A_484, %mul3A_553 : i32
      %dma_start3A_555 = tpu.memref_slice %arg13[%mul3A_554] : memref<480xf32, #tpu.memory_space<vmem>> -> memref<80xf32, #tpu.memory_space<vmem>>
      %dma_start3A_556 = arith.constant 0 : i32
      %dma_start3A_557 = tpu.memref_slice %arg11[%scan3A_474, %dma_start3A_556] : memref<125x80xi32, #tpu.memory_space<vmem>> -> memref<1x80xi32, #tpu.memory_space<vmem>>
      %dma_start3A_558 = tpu.memref_squeeze %dma_start3A_557 : memref<1x80xi32, #tpu.memory_space<vmem>> -> memref<80xi32, #tpu.memory_space<vmem>>
      %dma_start3A_559 = arith.constant 0 : i32
      %dma_start3A_560 = tpu.memref_slice %arg17[%dma_start3A_559] : memref<10240xf32, #tpu.memory_space<vmem_shared>> -> memref<10240xf32, #tpu.memory_space<vmem_shared>>
      tpu.enqueue_indirect_dma source(%dma_start3A_555 : memref<80xf32, #tpu.memory_space<vmem>>) target(%dma_start3A_560 : memref<10240xf32, #tpu.memory_space<vmem_shared>>) offsets(%dma_start3A_558 : memref<80xi32, #tpu.memory_space<vmem>>) semaphore(%arg19 : memref<!tpu.dma_semaphore, #tpu.memory_space<semaphore_mem>>) {add = true}
    }
    %scan3A_9 = arith.constant 125 : i32
    %dma_wait3A = arith.constant 0 : i32
    %dma_wait3A_10 = arith.constant 0 : i32
    %dma_wait3A_11 = tpu.memref_slice %arg13[%dma_wait3A_10] : memref<480xf32, #tpu.memory_space<vmem>> -> memref<80xf32, #tpu.memory_space<vmem>>
    %dma_wait3A_12 = arith.constant 0 : i32
    %dma_wait3A_13 = tpu.memref_slice %arg11[%dma_wait3A, %dma_wait3A_12] : memref<125x80xi32, #tpu.memory_space<vmem>> -> memref<1x80xi32, #tpu.memory_space<vmem>>
    %dma_wait3A_14 = tpu.memref_squeeze %dma_wait3A_13 : memref<1x80xi32, #tpu.memory_space<vmem>> -> memref<80xi32, #tpu.memory_space<vmem>>
    %dma_wait3A_15 = arith.constant 0 : i32
    %dma_wait3A_16 = tpu.memref_slice %arg17[%dma_wait3A_15] : memref<10240xf32, #tpu.memory_space<vmem_shared>> -> memref<10240xf32, #tpu.memory_space<vmem_shared>>
    tpu.wait_indirect_dma semaphore(%arg19 : memref<!tpu.dma_semaphore, #tpu.memory_space<semaphore_mem>>) src(%dma_wait3A_11 : memref<80xf32, #tpu.memory_space<vmem>>) dst(%dma_wait3A_16 : memref<10240xf32, #tpu.memory_space<vmem_shared>>)
    %dma_wait3A_17 = arith.constant 0 : i32
    %dma_wait3A_18 = arith.constant 0 : i32
    %dma_wait3A_19 = tpu.memref_slice %arg13[%dma_wait3A_18] : memref<480xf32, #tpu.memory_space<vmem>> -> memref<80xf32, #tpu.memory_space<vmem>>
    %dma_wait3A_20 = arith.constant 0 : i32
    %dma_wait3A_21 = tpu.memref_slice %arg11[%dma_wait3A_17, %dma_wait3A_20] : memref<125x80xi32, #tpu.memory_space<vmem>> -> memref<1x80xi32, #tpu.memory_space<vmem>>
    %dma_wait3A_22 = tpu.memref_squeeze %dma_wait3A_21 : memref<1x80xi32, #tpu.memory_space<vmem>> -> memref<80xi32, #tpu.memory_space<vmem>>
    %dma_wait3A_23 = arith.constant 0 : i32
    %dma_wait3A_24 = tpu.memref_slice %arg17[%dma_wait3A_23] : memref<10240xf32, #tpu.memory_space<vmem_shared>> -> memref<10240xf32, #tpu.memory_space<vmem_shared>>
    tpu.wait_indirect_dma semaphore(%arg19 : memref<!tpu.dma_semaphore, #tpu.memory_space<semaphore_mem>>) src(%dma_wait3A_19 : memref<80xf32, #tpu.memory_space<vmem>>) dst(%dma_wait3A_24 : memref<10240xf32, #tpu.memory_space<vmem_shared>>)
    %dma_wait3A_25 = arith.constant 0 : i32
    %dma_wait3A_26 = arith.constant 0 : i32
    %dma_wait3A_27 = tpu.memref_slice %arg13[%dma_wait3A_26] : memref<480xf32, #tpu.memory_space<vmem>> -> memref<80xf32, #tpu.memory_space<vmem>>
    %dma_wait3A_28 = arith.constant 0 : i32
    %dma_wait3A_29 = tpu.memref_slice %arg11[%dma_wait3A_25, %dma_wait3A_28] : memref<125x80xi32, #tpu.memory_space<vmem>> -> memref<1x80xi32, #tpu.memory_space<vmem>>
    %dma_wait3A_30 = tpu.memref_squeeze %dma_wait3A_29 : memref<1x80xi32, #tpu.memory_space<vmem>> -> memref<80xi32, #tpu.memory_space<vmem>>
    %dma_wait3A_31 = arith.constant 0 : i32
    %dma_wait3A_32 = tpu.memref_slice %arg17[%dma_wait3A_31] : memref<10240xf32, #tpu.memory_space<vmem_shared>> -> memref<10240xf32, #tpu.memory_space<vmem_shared>>
    tpu.wait_indirect_dma semaphore(%arg19 : memref<!tpu.dma_semaphore, #tpu.memory_space<semaphore_mem>>) src(%dma_wait3A_27 : memref<80xf32, #tpu.memory_space<vmem>>) dst(%dma_wait3A_32 : memref<10240xf32, #tpu.memory_space<vmem_shared>>)
    %dma_wait3A_33 = arith.constant 0 : i32
    %dma_wait3A_34 = arith.constant 0 : i32
    %dma_wait3A_35 = tpu.memref_slice %arg13[%dma_wait3A_34] : memref<480xf32, #tpu.memory_space<vmem>> -> memref<80xf32, #tpu.memory_space<vmem>>
    %dma_wait3A_36 = arith.constant 0 : i32
    %dma_wait3A_37 = tpu.memref_slice %arg11[%dma_wait3A_33, %dma_wait3A_36] : memref<125x80xi32, #tpu.memory_space<vmem>> -> memref<1x80xi32, #tpu.memory_space<vmem>>
    %dma_wait3A_38 = tpu.memref_squeeze %dma_wait3A_37 : memref<1x80xi32, #tpu.memory_space<vmem>> -> memref<80xi32, #tpu.memory_space<vmem>>
    %dma_wait3A_39 = arith.constant 0 : i32
    %dma_wait3A_40 = tpu.memref_slice %arg17[%dma_wait3A_39] : memref<10240xf32, #tpu.memory_space<vmem_shared>> -> memref<10240xf32, #tpu.memory_space<vmem_shared>>
    tpu.wait_indirect_dma semaphore(%arg19 : memref<!tpu.dma_semaphore, #tpu.memory_space<semaphore_mem>>) src(%dma_wait3A_35 : memref<80xf32, #tpu.memory_space<vmem>>) dst(%dma_wait3A_40 : memref<10240xf32, #tpu.memory_space<vmem_shared>>)
    %dma_wait3A_41 = arith.constant 0 : i32
    %dma_wait3A_42 = arith.constant 0 : i32
    %dma_wait3A_43 = tpu.memref_slice %arg13[%dma_wait3A_42] : memref<480xf32, #tpu.memory_space<vmem>> -> memref<80xf32, #tpu.memory_space<vmem>>
    %dma_wait3A_44 = arith.constant 0 : i32
    %dma_wait3A_45 = tpu.memref_slice %arg11[%dma_wait3A_41, %dma_wait3A_44] : memref<125x80xi32, #tpu.memory_space<vmem>> -> memref<1x80xi32, #tpu.memory_space<vmem>>
    %dma_wait3A_46 = tpu.memref_squeeze %dma_wait3A_45 : memref<1x80xi32, #tpu.memory_space<vmem>> -> memref<80xi32, #tpu.memory_space<vmem>>
    %dma_wait3A_47 = arith.constant 0 : i32
    %dma_wait3A_48 = tpu.memref_slice %arg17[%dma_wait3A_47] : memref<10240xf32, #tpu.memory_space<vmem_shared>> -> memref<10240xf32, #tpu.memory_space<vmem_shared>>
    tpu.wait_indirect_dma semaphore(%arg19 : memref<!tpu.dma_semaphore, #tpu.memory_space<semaphore_mem>>) src(%dma_wait3A_43 : memref<80xf32, #tpu.memory_space<vmem>>) dst(%dma_wait3A_48 : memref<10240xf32, #tpu.memory_space<vmem_shared>>)
    %dma_wait3A_49 = arith.constant 0 : i32
    %dma_wait3A_50 = arith.constant 0 : i32
    %dma_wait3A_51 = tpu.memref_slice %arg13[%dma_wait3A_50] : memref<480xf32, #tpu.memory_space<vmem>> -> memref<80xf32, #tpu.memory_space<vmem>>
    %dma_wait3A_52 = arith.constant 0 : i32
    %dma_wait3A_53 = tpu.memref_slice %arg11[%dma_wait3A_49, %dma_wait3A_52] : memref<125x80xi32, #tpu.memory_space<vmem>> -> memref<1x80xi32, #tpu.memory_space<vmem>>
    %dma_wait3A_54 = tpu.memref_squeeze %dma_wait3A_53 : memref<1x80xi32, #tpu.memory_space<vmem>> -> memref<80xi32, #tpu.memory_space<vmem>>
    %dma_wait3A_55 = arith.constant 0 : i32
    %dma_wait3A_56 = tpu.memref_slice %arg17[%dma_wait3A_55] : memref<10240xf32, #tpu.memory_space<vmem_shared>> -> memref<10240xf32, #tpu.memory_space<vmem_shared>>
    tpu.wait_indirect_dma semaphore(%arg19 : memref<!tpu.dma_semaphore, #tpu.memory_space<semaphore_mem>>) src(%dma_wait3A_51 : memref<80xf32, #tpu.memory_space<vmem>>) dst(%dma_wait3A_56 : memref<10240xf32, #tpu.memory_space<vmem_shared>>)
    %barrier3A_57 = arith.constant 0 : index
    tpu.barrier barrier_id(%barrier3A_57)
    "tpu.region"() ({
      %run_scoped3A = tpu.sem_alloc : memref<!tpu.dma_semaphore, #tpu.memory_space<semaphore_mem>>
      %dma_start3A_474 = tpu.memref_slice %arg17[%multiple_of3A] : memref<10240xf32, #tpu.memory_space<vmem_shared>> -> memref<640xf32, #tpu.memory_space<vmem_shared>>
      %dma_start3A_475 = tpu.memref_slice %arg17[%multiple_of3A] : memref<10240xf32, #tpu.memory_space<vmem_shared>> -> memref<640xf32, #tpu.memory_space<vmem_shared>>
      tpu.enqueue_dma source(%dma_start3A_475 : memref<640xf32, #tpu.memory_space<vmem_shared>>) target(%arg14 : memref<640xf32, #tpu.memory_space<vmem>>) target_semaphore(%run_scoped3A : memref<!tpu.dma_semaphore, #tpu.memory_space<semaphore_mem>>)
      %dma_wait3A_476 = tpu.memref_slice %arg17[%multiple_of3A] : memref<10240xf32, #tpu.memory_space<vmem_shared>> -> memref<640xf32, #tpu.memory_space<vmem_shared>>
      %dma_wait3A_477 = tpu.memref_slice %arg17[%multiple_of3A] : memref<10240xf32, #tpu.memory_space<vmem_shared>> -> memref<640xf32, #tpu.memory_space<vmem_shared>>
      tpu.wait_dma2 semaphore(%run_scoped3A : memref<!tpu.dma_semaphore, #tpu.memory_space<semaphore_mem>>) src(%dma_wait3A_477 : memref<640xf32, #tpu.memory_space<vmem_shared>>) dst(%arg14 : memref<640xf32, #tpu.memory_space<vmem>>)
      tpu.yield
    }) : () -> ()
    %eq3A_58 = arith.constant 0 : i32
    %eq3A_59 = arith.cmpi eq, %arg0, %eq3A_58 : i32
    %convert_element_type3A_60 = arith.extui %eq3A_59 : i1 to i32
    %cond3A_61 = arith.constant 0 : i32
    %cond3A_62 = arith.cmpi ne, %convert_element_type3A_60, %cond3A_61 : i32
    scf.if %cond3A_62 {
      %get3A_474 = arith.constant 0 : index
      %get3A_475 = tpu.vector_load %arg14[%get3A_474] {strides = array<i32>} : memref<640xf32, #tpu.memory_space<vmem>>, vector<16xf32>,
      %add3A_476 = arith.constant 0 : i32
      %add3A_477 = arith.addi %multiple_of3A, %add3A_476 : i32
      %get3A_478 = arith.index_cast %add3A_477 : i32 to index
      %get3A_479 = tpu.vector_load %arg9[%get3A_478] {strides = array<i32>} : memref<10240xf32, #tpu.memory_space<vmem>>, vector<16xf32>,
      %add3A_480 = arith.addf %get3A_475, %get3A_479 : vector<16xf32>
      %swap3A_481 = arith.constant 0 : index
      %swap3A_482 = tpu.vector_load %arg14[%swap3A_481] {strides = array<i32>} : memref<640xf32, #tpu.memory_space<vmem>>, vector<16xf32>,
      tpu.vector_store %arg14[%swap3A_481], %add3A_480 {strides = array<i32>} : memref<640xf32, #tpu.memory_space<vmem>>, vector<16xf32>,
      %get3A_483 = arith.constant 16 : index
      %get3A_484 = tpu.vector_load %arg14[%get3A_483] {strides = array<i32>} : memref<640xf32, #tpu.memory_space<vmem>>, vector<16xf32>,
      %add3A_485 = arith.constant 16 : i32
      %add3A_486 = arith.addi %multiple_of3A, %add3A_485 : i32
      %get3A_487 = arith.index_cast %add3A_486 : i32 to index
      %get3A_488 = tpu.vector_load %arg9[%get3A_487] {strides = array<i32>} : memref<10240xf32, #tpu.memory_space<vmem>>, vector<16xf32>,
      %add3A_489 = arith.addf %get3A_484, %get3A_488 : vector<16xf32>
      %swap3A_490 = arith.constant 16 : index
      %swap3A_491 = tpu.vector_load %arg14[%swap3A_490] {strides = array<i32>} : memref<640xf32, #tpu.memory_space<vmem>>, vector<16xf32>,
      tpu.vector_store %arg14[%swap3A_490], %add3A_489 {strides = array<i32>} : memref<640xf32, #tpu.memory_space<vmem>>, vector<16xf32>,
      %get3A_492 = arith.constant 32 : index
      %get3A_493 = tpu.vector_load %arg14[%get3A_492] {strides = array<i32>} : memref<640xf32, #tpu.memory_space<vmem>>, vector<16xf32>,
      %add3A_494 = arith.constant 32 : i32
      %add3A_495 = arith.addi %multiple_of3A, %add3A_494 : i32
      %get3A_496 = arith.index_cast %add3A_495 : i32 to index
      %get3A_497 = tpu.vector_load %arg9[%get3A_496] {strides = array<i32>} : memref<10240xf32, #tpu.memory_space<vmem>>, vector<16xf32>,
      %add3A_498 = arith.addf %get3A_493, %get3A_497 : vector<16xf32>
      %swap3A_499 = arith.constant 32 : index
      %swap3A_500 = tpu.vector_load %arg14[%swap3A_499] {strides = array<i32>} : memref<640xf32, #tpu.memory_space<vmem>>, vector<16xf32>,
      tpu.vector_store %arg14[%swap3A_499], %add3A_498 {strides = array<i32>} : memref<640xf32, #tpu.memory_space<vmem>>, vector<16xf32>,
      %get3A_501 = arith.constant 48 : index
      %get3A_502 = tpu.vector_load %arg14[%get3A_501] {strides = array<i32>} : memref<640xf32, #tpu.memory_space<vmem>>, vector<16xf32>,
      %add3A_503 = arith.constant 48 : i32
      %add3A_504 = arith.addi %multiple_of3A, %add3A_503 : i32
      %get3A_505 = arith.index_cast %add3A_504 : i32 to index
      %get3A_506 = tpu.vector_load %arg9[%get3A_505] {strides = array<i32>} : memref<10240xf32, #tpu.memory_space<vmem>>, vector<16xf32>,
      %add3A_507 = arith.addf %get3A_502, %get3A_506 : vector<16xf32>
      %swap3A_508 = arith.constant 48 : index
      %swap3A_509 = tpu.vector_load %arg14[%swap3A_508] {strides = array<i32>} : memref<640xf32, #tpu.memory_space<vmem>>, vector<16xf32>,
      tpu.vector_store %arg14[%swap3A_508], %add3A_507 {strides = array<i32>} : memref<640xf32, #tpu.memory_space<vmem>>, vector<16xf32>,
      %get3A_510 = arith.constant 64 : index
      %get3A_511 = tpu.vector_load %arg14[%get3A_510] {strides = array<i32>} : memref<640xf32, #tpu.memory_space<vmem>>, vector<16xf32>,
      %add3A_512 = arith.constant 64 : i32
      %add3A_513 = arith.addi %multiple_of3A, %add3A_512 : i32
      %get3A_514 = arith.index_cast %add3A_513 : i32 to index
      %get3A_515 = tpu.vector_load %arg9[%get3A_514] {strides = array<i32>} : memref<10240xf32, #tpu.memory_space<vmem>>, vector<16xf32>,
      %add3A_516 = arith.addf %get3A_511, %get3A_515 : vector<16xf32>
      %swap3A_517 = arith.constant 64 : index
      %swap3A_518 = tpu.vector_load %arg14[%swap3A_517] {strides = array<i32>} : memref<640xf32, #tpu.memory_space<vmem>>, vector<16xf32>,
      tpu.vector_store %arg14[%swap3A_517], %add3A_516 {strides = array<i32>} : memref<640xf32, #tpu.memory_space<vmem>>, vector<16xf32>,
      %get3A_519 = arith.constant 80 : index
      %get3A_520 = tpu.vector_load %arg14[%get3A_519] {strides = array<i32>} : memref<640xf32, #tpu.memory_space<vmem>>, vector<16xf32>,
      %add3A_521 = arith.constant 80 : i32
      %add3A_522 = arith.addi %multiple_of3A, %add3A_521 : i32
      %get3A_523 = arith.index_cast %add3A_522 : i32 to index
      %get3A_524 = tpu.vector_load %arg9[%get3A_523] {strides = array<i32>} : memref<10240xf32, #tpu.memory_space<vmem>>, vector<16xf32>,
      %add3A_525 = arith.addf %get3A_520, %get3A_524 : vector<16xf32>
      %swap3A_526 = arith.constant 80 : index
      %swap3A_527 = tpu.vector_load %arg14[%swap3A_526] {strides = array<i32>} : memref<640xf32, #tpu.memory_space<vmem>>, vector<16xf32>,
      tpu.vector_store %arg14[%swap3A_526], %add3A_525 {strides = array<i32>} : memref<640xf32, #tpu.memory_space<vmem>>, vector<16xf32>,
      %get3A_528 = arith.constant 96 : index
      %get3A_529 = tpu.vector_load %arg14[%get3A_528] {strides = array<i32>} : memref<640xf32, #tpu.memory_space<vmem>>, vector<16xf32>,
      %add3A_530 = arith.constant 96 : i32
      %add3A_531 = arith.addi %multiple_of3A, %add3A_530 : i32
      %get3A_532 = arith.index_cast %add3A_531 : i32 to index
      %get3A_533 = tpu.vector_load %arg9[%get3A_532] {strides = array<i32>} : memref<10240xf32, #tpu.memory_space<vmem>>, vector<16xf32>,
      %add3A_534 = arith.addf %get3A_529, %get3A_533 : vector<16xf32>
      %swap3A_535 = arith.constant 96 : index
      %swap3A_536 = tpu.vector_load %arg14[%swap3A_535] {strides = array<i32>} : memref<640xf32, #tpu.memory_space<vmem>>, vector<16xf32>,
      tpu.vector_store %arg14[%swap3A_535], %add3A_534 {strides = array<i32>} : memref<640xf32, #tpu.memory_space<vmem>>, vector<16xf32>,
      %get3A_537 = arith.constant 112 : index
      %get3A_538 = tpu.vector_load %arg14[%get3A_537] {strides = array<i32>} : memref<640xf32, #tpu.memory_space<vmem>>, vector<16xf32>,
      %add3A_539 = arith.constant 112 : i32
      %add3A_540 = arith.addi %multiple_of3A, %add3A_539 : i32
      %get3A_541 = arith.index_cast %add3A_540 : i32 to index
      %get3A_542 = tpu.vector_load %arg9[%get3A_541] {strides = array<i32>} : memref<10240xf32, #tpu.memory_space<vmem>>, vector<16xf32>,
      %add3A_543 = arith.addf %get3A_538, %get3A_542 : vector<16xf32>
      %swap3A_544 = arith.constant 112 : index
      %swap3A_545 = tpu.vector_load %arg14[%swap3A_544] {strides = array<i32>} : memref<640xf32, #tpu.memory_space<vmem>>, vector<16xf32>,
      tpu.vector_store %arg14[%swap3A_544], %add3A_543 {strides = array<i32>} : memref<640xf32, #tpu.memory_space<vmem>>, vector<16xf32>,
      %get3A_546 = arith.constant 128 : index
      %get3A_547 = tpu.vector_load %arg14[%get3A_546] {strides = array<i32>} : memref<640xf32, #tpu.memory_space<vmem>>, vector<16xf32>,
      %add3A_548 = arith.constant 128 : i32
      %add3A_549 = arith.addi %multiple_of3A, %add3A_548 : i32
      %get3A_550 = arith.index_cast %add3A_549 : i32 to index
      %get3A_551 = tpu.vector_load %arg9[%get3A_550] {strides = array<i32>} : memref<10240xf32, #tpu.memory_space<vmem>>, vector<16xf32>,
      %add3A_552 = arith.addf %get3A_547, %get3A_551 : vector<16xf32>
      %swap3A_553 = arith.constant 128 : index
      %swap3A_554 = tpu.vector_load %arg14[%swap3A_553] {strides = array<i32>} : memref<640xf32, #tpu.memory_space<vmem>>, vector<16xf32>,
      tpu.vector_store %arg14[%swap3A_553], %add3A_552 {strides = array<i32>} : memref<640xf32, #tpu.memory_space<vmem>>, vector<16xf32>,
      %get3A_555 = arith.constant 144 : index
      %get3A_556 = tpu.vector_load %arg14[%get3A_555] {strides = array<i32>} : memref<640xf32, #tpu.memory_space<vmem>>, vector<16xf32>,
      %add3A_557 = arith.constant 144 : i32
      %add3A_558 = arith.addi %multiple_of3A, %add3A_557 : i32
      %get3A_559 = arith.index_cast %add3A_558 : i32 to index
      %get3A_560 = tpu.vector_load %arg9[%get3A_559] {strides = array<i32>} : memref<10240xf32, #tpu.memory_space<vmem>>, vector<16xf32>,
      %add3A_561 = arith.addf %get3A_556, %get3A_560 : vector<16xf32>
      %swap3A_562 = arith.constant 144 : index
      %swap3A_563 = tpu.vector_load %arg14[%swap3A_562] {strides = array<i32>} : memref<640xf32, #tpu.memory_space<vmem>>, vector<16xf32>,
      tpu.vector_store %arg14[%swap3A_562], %add3A_561 {strides = array<i32>} : memref<640xf32, #tpu.memory_space<vmem>>, vector<16xf32>,
      %get3A_564 = arith.constant 160 : index
      %get3A_565 = tpu.vector_load %arg14[%get3A_564] {strides = array<i32>} : memref<640xf32, #tpu.memory_space<vmem>>, vector<16xf32>,
      %add3A_566 = arith.constant 160 : i32
      %add3A_567 = arith.addi %multiple_of3A, %add3A_566 : i32
      %get3A_568 = arith.index_cast %add3A_567 : i32 to index
      %get3A_569 = tpu.vector_load %arg9[%get3A_568] {strides = array<i32>} : memref<10240xf32, #tpu.memory_space<vmem>>, vector<16xf32>,
      %add3A_570 = arith.addf %get3A_565, %get3A_569 : vector<16xf32>
      %swap3A_571 = arith.constant 160 : index
      %swap3A_572 = tpu.vector_load %arg14[%swap3A_571] {strides = array<i32>} : memref<640xf32, #tpu.memory_space<vmem>>, vector<16xf32>,
      tpu.vector_store %arg14[%swap3A_571], %add3A_570 {strides = array<i32>} : memref<640xf32, #tpu.memory_space<vmem>>, vector<16xf32>,
      %get3A_573 = arith.constant 176 : index
      %get3A_574 = tpu.vector_load %arg14[%get3A_573] {strides = array<i32>} : memref<640xf32, #tpu.memory_space<vmem>>, vector<16xf32>,
      %add3A_575 = arith.constant 176 : i32
      %add3A_576 = arith.addi %multiple_of3A, %add3A_575 : i32
      %get3A_577 = arith.index_cast %add3A_576 : i32 to index
      %get3A_578 = tpu.vector_load %arg9[%get3A_577] {strides = array<i32>} : memref<10240xf32, #tpu.memory_space<vmem>>, vector<16xf32>,
      %add3A_579 = arith.addf %get3A_574, %get3A_578 : vector<16xf32>
      %swap3A_580 = arith.constant 176 : index
      %swap3A_581 = tpu.vector_load %arg14[%swap3A_580] {strides = array<i32>} : memref<640xf32, #tpu.memory_space<vmem>>, vector<16xf32>,
      tpu.vector_store %arg14[%swap3A_580], %add3A_579 {strides = array<i32>} : memref<640xf32, #tpu.memory_space<vmem>>, vector<16xf32>,
      %get3A_582 = arith.constant 192 : index
      %get3A_583 = tpu.vector_load %arg14[%get3A_582] {strides = array<i32>} : memref<640xf32, #tpu.memory_space<vmem>>, vector<16xf32>,
      %add3A_584 = arith.constant 192 : i32
      %add3A_585 = arith.addi %multiple_of3A, %add3A_584 : i32
      %get3A_586 = arith.index_cast %add3A_585 : i32 to index
      %get3A_587 = tpu.vector_load %arg9[%get3A_586] {strides = array<i32>} : memref<10240xf32, #tpu.memory_space<vmem>>, vector<16xf32>,
      %add3A_588 = arith.addf %get3A_583, %get3A_587 : vector<16xf32>
      %swap3A_589 = arith.constant 192 : index
      %swap3A_590 = tpu.vector_load %arg14[%swap3A_589] {strides = array<i32>} : memref<640xf32, #tpu.memory_space<vmem>>, vector<16xf32>,
      tpu.vector_store %arg14[%swap3A_589], %add3A_588 {strides = array<i32>} : memref<640xf32, #tpu.memory_space<vmem>>, vector<16xf32>,
      %get3A_591 = arith.constant 208 : index
      %get3A_592 = tpu.vector_load %arg14[%get3A_591] {strides = array<i32>} : memref<640xf32, #tpu.memory_space<vmem>>, vector<16xf32>,
      %add3A_593 = arith.constant 208 : i32
      %add3A_594 = arith.addi %multiple_of3A, %add3A_593 : i32
      %get3A_595 = arith.index_cast %add3A_594 : i32 to index
      %get3A_596 = tpu.vector_load %arg9[%get3A_595] {strides = array<i32>} : memref<10240xf32, #tpu.memory_space<vmem>>, vector<16xf32>,
      %add3A_597 = arith.addf %get3A_592, %get3A_596 : vector<16xf32>
      %swap3A_598 = arith.constant 208 : index
      %swap3A_599 = tpu.vector_load %arg14[%swap3A_598] {strides = array<i32>} : memref<640xf32, #tpu.memory_space<vmem>>, vector<16xf32>,
      tpu.vector_store %arg14[%swap3A_598], %add3A_597 {strides = array<i32>} : memref<640xf32, #tpu.memory_space<vmem>>, vector<16xf32>,
      %get3A_600 = arith.constant 224 : index
      %get3A_601 = tpu.vector_load %arg14[%get3A_600] {strides = array<i32>} : memref<640xf32, #tpu.memory_space<vmem>>, vector<16xf32>,
      %add3A_602 = arith.constant 224 : i32
      %add3A_603 = arith.addi %multiple_of3A, %add3A_602 : i32
      %get3A_604 = arith.index_cast %add3A_603 : i32 to index
      %get3A_605 = tpu.vector_load %arg9[%get3A_604] {strides = array<i32>} : memref<10240xf32, #tpu.memory_space<vmem>>, vector<16xf32>,
      %add3A_606 = arith.addf %get3A_601, %get3A_605 : vector<16xf32>
      %swap3A_607 = arith.constant 224 : index
      %swap3A_608 = tpu.vector_load %arg14[%swap3A_607] {strides = array<i32>} : memref<640xf32, #tpu.memory_space<vmem>>, vector<16xf32>,
      tpu.vector_store %arg14[%swap3A_607], %add3A_606 {strides = array<i32>} : memref<640xf32, #tpu.memory_space<vmem>>, vector<16xf32>,
      %get3A_609 = arith.constant 240 : index
      %get3A_610 = tpu.vector_load %arg14[%get3A_609] {strides = array<i32>} : memref<640xf32, #tpu.memory_space<vmem>>, vector<16xf32>,
      %add3A_611 = arith.constant 240 : i32
      %add3A_612 = arith.addi %multiple_of3A, %add3A_611 : i32
      %get3A_613 = arith.index_cast %add3A_612 : i32 to index
      %get3A_614 = tpu.vector_load %arg9[%get3A_613] {strides = array<i32>} : memref<10240xf32, #tpu.memory_space<vmem>>, vector<16xf32>,
      %add3A_615 = arith.addf %get3A_610, %get3A_614 : vector<16xf32>
      %swap3A_616 = arith.constant 240 : index
      %swap3A_617 = tpu.vector_load %arg14[%swap3A_616] {strides = array<i32>} : memref<640xf32, #tpu.memory_space<vmem>>, vector<16xf32>,
      tpu.vector_store %arg14[%swap3A_616], %add3A_615 {strides = array<i32>} : memref<640xf32, #tpu.memory_space<vmem>>, vector<16xf32>,
      %get3A_618 = arith.constant 256 : index
      %get3A_619 = tpu.vector_load %arg14[%get3A_618] {strides = array<i32>} : memref<640xf32, #tpu.memory_space<vmem>>, vector<16xf32>,
      %add3A_620 = arith.constant 256 : i32
      %add3A_621 = arith.addi %multiple_of3A, %add3A_620 : i32
      %get3A_622 = arith.index_cast %add3A_621 : i32 to index
      %get3A_623 = tpu.vector_load %arg9[%get3A_622] {strides = array<i32>} : memref<10240xf32, #tpu.memory_space<vmem>>, vector<16xf32>,
      %add3A_624 = arith.addf %get3A_619, %get3A_623 : vector<16xf32>
      %swap3A_625 = arith.constant 256 : index
      %swap3A_626 = tpu.vector_load %arg14[%swap3A_625] {strides = array<i32>} : memref<640xf32, #tpu.memory_space<vmem>>, vector<16xf32>,
      tpu.vector_store %arg14[%swap3A_625], %add3A_624 {strides = array<i32>} : memref<640xf32, #tpu.memory_space<vmem>>, vector<16xf32>,
      %get3A_627 = arith.constant 272 : index
      %get3A_628 = tpu.vector_load %arg14[%get3A_627] {strides = array<i32>} : memref<640xf32, #tpu.memory_space<vmem>>, vector<16xf32>,
      %add3A_629 = arith.constant 272 : i32
      %add3A_630 = arith.addi %multiple_of3A, %add3A_629 : i32
      %get3A_631 = arith.index_cast %add3A_630 : i32 to index
      %get3A_632 = tpu.vector_load %arg9[%get3A_631] {strides = array<i32>} : memref<10240xf32, #tpu.memory_space<vmem>>, vector<16xf32>,
      %add3A_633 = arith.addf %get3A_628, %get3A_632 : vector<16xf32>
      %swap3A_634 = arith.constant 272 : index
      %swap3A_635 = tpu.vector_load %arg14[%swap3A_634] {strides = array<i32>} : memref<640xf32, #tpu.memory_space<vmem>>, vector<16xf32>,
      tpu.vector_store %arg14[%swap3A_634], %add3A_633 {strides = array<i32>} : memref<640xf32, #tpu.memory_space<vmem>>, vector<16xf32>,
      %get3A_636 = arith.constant 288 : index
      %get3A_637 = tpu.vector_load %arg14[%get3A_636] {strides = array<i32>} : memref<640xf32, #tpu.memory_space<vmem>>, vector<16xf32>,
      %add3A_638 = arith.constant 288 : i32
      %add3A_639 = arith.addi %multiple_of3A, %add3A_638 : i32
      %get3A_640 = arith.index_cast %add3A_639 : i32 to index
      %get3A_641 = tpu.vector_load %arg9[%get3A_640] {strides = array<i32>} : memref<10240xf32, #tpu.memory_space<vmem>>, vector<16xf32>,
      %add3A_642 = arith.addf %get3A_637, %get3A_641 : vector<16xf32>
      %swap3A_643 = arith.constant 288 : index
      %swap3A_644 = tpu.vector_load %arg14[%swap3A_643] {strides = array<i32>} : memref<640xf32, #tpu.memory_space<vmem>>, vector<16xf32>,
      tpu.vector_store %arg14[%swap3A_643], %add3A_642 {strides = array<i32>} : memref<640xf32, #tpu.memory_space<vmem>>, vector<16xf32>,
      %get3A_645 = arith.constant 304 : index
      %get3A_646 = tpu.vector_load %arg14[%get3A_645] {strides = array<i32>} : memref<640xf32, #tpu.memory_space<vmem>>, vector<16xf32>,
      %add3A_647 = arith.constant 304 : i32
      %add3A_648 = arith.addi %multiple_of3A, %add3A_647 : i32
      %get3A_649 = arith.index_cast %add3A_648 : i32 to index
      %get3A_650 = tpu.vector_load %arg9[%get3A_649] {strides = array<i32>} : memref<10240xf32, #tpu.memory_space<vmem>>, vector<16xf32>,
      %add3A_651 = arith.addf %get3A_646, %get3A_650 : vector<16xf32>
      %swap3A_652 = arith.constant 304 : index
      %swap3A_653 = tpu.vector_load %arg14[%swap3A_652] {strides = array<i32>} : memref<640xf32, #tpu.memory_space<vmem>>, vector<16xf32>,
      tpu.vector_store %arg14[%swap3A_652], %add3A_651 {strides = array<i32>} : memref<640xf32, #tpu.memory_space<vmem>>, vector<16xf32>,
      %get3A_654 = arith.constant 320 : index
      %get3A_655 = tpu.vector_load %arg14[%get3A_654] {strides = array<i32>} : memref<640xf32, #tpu.memory_space<vmem>>, vector<16xf32>,
      %add3A_656 = arith.constant 320 : i32
      %add3A_657 = arith.addi %multiple_of3A, %add3A_656 : i32
      %get3A_658 = arith.index_cast %add3A_657 : i32 to index
      %get3A_659 = tpu.vector_load %arg9[%get3A_658] {strides = array<i32>} : memref<10240xf32, #tpu.memory_space<vmem>>, vector<16xf32>,
      %add3A_660 = arith.addf %get3A_655, %get3A_659 : vector<16xf32>
      %swap3A_661 = arith.constant 320 : index
      %swap3A_662 = tpu.vector_load %arg14[%swap3A_661] {strides = array<i32>} : memref<640xf32, #tpu.memory_space<vmem>>, vector<16xf32>,
      tpu.vector_store %arg14[%swap3A_661], %add3A_660 {strides = array<i32>} : memref<640xf32, #tpu.memory_space<vmem>>, vector<16xf32>,
      %get3A_663 = arith.constant 336 : index
      %get3A_664 = tpu.vector_load %arg14[%get3A_663] {strides = array<i32>} : memref<640xf32, #tpu.memory_space<vmem>>, vector<16xf32>,
      %add3A_665 = arith.constant 336 : i32
      %add3A_666 = arith.addi %multiple_of3A, %add3A_665 : i32
      %get3A_667 = arith.index_cast %add3A_666 : i32 to index
      %get3A_668 = tpu.vector_load %arg9[%get3A_667] {strides = array<i32>} : memref<10240xf32, #tpu.memory_space<vmem>>, vector<16xf32>,
      %add3A_669 = arith.addf %get3A_664, %get3A_668 : vector<16xf32>
      %swap3A_670 = arith.constant 336 : index
      %swap3A_671 = tpu.vector_load %arg14[%swap3A_670] {strides = array<i32>} : memref<640xf32, #tpu.memory_space<vmem>>, vector<16xf32>,
      tpu.vector_store %arg14[%swap3A_670], %add3A_669 {strides = array<i32>} : memref<640xf32, #tpu.memory_space<vmem>>, vector<16xf32>,
      %get3A_672 = arith.constant 352 : index
      %get3A_673 = tpu.vector_load %arg14[%get3A_672] {strides = array<i32>} : memref<640xf32, #tpu.memory_space<vmem>>, vector<16xf32>,
      %add3A_674 = arith.constant 352 : i32
      %add3A_675 = arith.addi %multiple_of3A, %add3A_674 : i32
      %get3A_676 = arith.index_cast %add3A_675 : i32 to index
      %get3A_677 = tpu.vector_load %arg9[%get3A_676] {strides = array<i32>} : memref<10240xf32, #tpu.memory_space<vmem>>, vector<16xf32>,
      %add3A_678 = arith.addf %get3A_673, %get3A_677 : vector<16xf32>
      %swap3A_679 = arith.constant 352 : index
      %swap3A_680 = tpu.vector_load %arg14[%swap3A_679] {strides = array<i32>} : memref<640xf32, #tpu.memory_space<vmem>>, vector<16xf32>,
      tpu.vector_store %arg14[%swap3A_679], %add3A_678 {strides = array<i32>} : memref<640xf32, #tpu.memory_space<vmem>>, vector<16xf32>,
      %get3A_681 = arith.constant 368 : index
      %get3A_682 = tpu.vector_load %arg14[%get3A_681] {strides = array<i32>} : memref<640xf32, #tpu.memory_space<vmem>>, vector<16xf32>,
      %add3A_683 = arith.constant 368 : i32
      %add3A_684 = arith.addi %multiple_of3A, %add3A_683 : i32
      %get3A_685 = arith.index_cast %add3A_684 : i32 to index
      %get3A_686 = tpu.vector_load %arg9[%get3A_685] {strides = array<i32>} : memref<10240xf32, #tpu.memory_space<vmem>>, vector<16xf32>,
      %add3A_687 = arith.addf %get3A_682, %get3A_686 : vector<16xf32>
      %swap3A_688 = arith.constant 368 : index
      %swap3A_689 = tpu.vector_load %arg14[%swap3A_688] {strides = array<i32>} : memref<640xf32, #tpu.memory_space<vmem>>, vector<16xf32>,
      tpu.vector_store %arg14[%swap3A_688], %add3A_687 {strides = array<i32>} : memref<640xf32, #tpu.memory_space<vmem>>, vector<16xf32>,
      %get3A_690 = arith.constant 384 : index
      %get3A_691 = tpu.vector_load %arg14[%get3A_690] {strides = array<i32>} : memref<640xf32, #tpu.memory_space<vmem>>, vector<16xf32>,
      %add3A_692 = arith.constant 384 : i32
      %add3A_693 = arith.addi %multiple_of3A, %add3A_692 : i32
      %get3A_694 = arith.index_cast %add3A_693 : i32 to index
      %get3A_695 = tpu.vector_load %arg9[%get3A_694] {strides = array<i32>} : memref<10240xf32, #tpu.memory_space<vmem>>, vector<16xf32>,
      %add3A_696 = arith.addf %get3A_691, %get3A_695 : vector<16xf32>
      %swap3A_697 = arith.constant 384 : index
      %swap3A_698 = tpu.vector_load %arg14[%swap3A_697] {strides = array<i32>} : memref<640xf32, #tpu.memory_space<vmem>>, vector<16xf32>,
      tpu.vector_store %arg14[%swap3A_697], %add3A_696 {strides = array<i32>} : memref<640xf32, #tpu.memory_space<vmem>>, vector<16xf32>,
      %get3A_699 = arith.constant 400 : index
      %get3A_700 = tpu.vector_load %arg14[%get3A_699] {strides = array<i32>} : memref<640xf32, #tpu.memory_space<vmem>>, vector<16xf32>,
      %add3A_701 = arith.constant 400 : i32
      %add3A_702 = arith.addi %multiple_of3A, %add3A_701 : i32
      %get3A_703 = arith.index_cast %add3A_702 : i32 to index
      %get3A_704 = tpu.vector_load %arg9[%get3A_703] {strides = array<i32>} : memref<10240xf32, #tpu.memory_space<vmem>>, vector<16xf32>,
      %add3A_705 = arith.addf %get3A_700, %get3A_704 : vector<16xf32>
      %swap3A_706 = arith.constant 400 : index
      %swap3A_707 = tpu.vector_load %arg14[%swap3A_706] {strides = array<i32>} : memref<640xf32, #tpu.memory_space<vmem>>, vector<16xf32>,
      tpu.vector_store %arg14[%swap3A_706], %add3A_705 {strides = array<i32>} : memref<640xf32, #tpu.memory_space<vmem>>, vector<16xf32>,
      %get3A_708 = arith.constant 416 : index
      %get3A_709 = tpu.vector_load %arg14[%get3A_708] {strides = array<i32>} : memref<640xf32, #tpu.memory_space<vmem>>, vector<16xf32>,
      %add3A_710 = arith.constant 416 : i32
      %add3A_711 = arith.addi %multiple_of3A, %add3A_710 : i32
      %get3A_712 = arith.index_cast %add3A_711 : i32 to index
      %get3A_713 = tpu.vector_load %arg9[%get3A_712] {strides = array<i32>} : memref<10240xf32, #tpu.memory_space<vmem>>, vector<16xf32>,
      %add3A_714 = arith.addf %get3A_709, %get3A_713 : vector<16xf32>
      %swap3A_715 = arith.constant 416 : index
      %swap3A_716 = tpu.vector_load %arg14[%swap3A_715] {strides = array<i32>} : memref<640xf32, #tpu.memory_space<vmem>>, vector<16xf32>,
      tpu.vector_store %arg14[%swap3A_715], %add3A_714 {strides = array<i32>} : memref<640xf32, #tpu.memory_space<vmem>>, vector<16xf32>,
      %get3A_717 = arith.constant 432 : index
      %get3A_718 = tpu.vector_load %arg14[%get3A_717] {strides = array<i32>} : memref<640xf32, #tpu.memory_space<vmem>>, vector<16xf32>,
      %add3A_719 = arith.constant 432 : i32
      %add3A_720 = arith.addi %multiple_of3A, %add3A_719 : i32
      %get3A_721 = arith.index_cast %add3A_720 : i32 to index
      %get3A_722 = tpu.vector_load %arg9[%get3A_721] {strides = array<i32>} : memref<10240xf32, #tpu.memory_space<vmem>>, vector<16xf32>,
      %add3A_723 = arith.addf %get3A_718, %get3A_722 : vector<16xf32>
      %swap3A_724 = arith.constant 432 : index
      %swap3A_725 = tpu.vector_load %arg14[%swap3A_724] {strides = array<i32>} : memref<640xf32, #tpu.memory_space<vmem>>, vector<16xf32>,
      tpu.vector_store %arg14[%swap3A_724], %add3A_723 {strides = array<i32>} : memref<640xf32, #tpu.memory_space<vmem>>, vector<16xf32>,
      %get3A_726 = arith.constant 448 : index
      %get3A_727 = tpu.vector_load %arg14[%get3A_726] {strides = array<i32>} : memref<640xf32, #tpu.memory_space<vmem>>, vector<16xf32>,
      %add3A_728 = arith.constant 448 : i32
      %add3A_729 = arith.addi %multiple_of3A, %add3A_728 : i32
      %get3A_730 = arith.index_cast %add3A_729 : i32 to index
      %get3A_731 = tpu.vector_load %arg9[%get3A_730] {strides = array<i32>} : memref<10240xf32, #tpu.memory_space<vmem>>, vector<16xf32>,
      %add3A_732 = arith.addf %get3A_727, %get3A_731 : vector<16xf32>
      %swap3A_733 = arith.constant 448 : index
      %swap3A_734 = tpu.vector_load %arg14[%swap3A_733] {strides = array<i32>} : memref<640xf32, #tpu.memory_space<vmem>>, vector<16xf32>,
      tpu.vector_store %arg14[%swap3A_733], %add3A_732 {strides = array<i32>} : memref<640xf32, #tpu.memory_space<vmem>>, vector<16xf32>,
      %get3A_735 = arith.constant 464 : index
      %get3A_736 = tpu.vector_load %arg14[%get3A_735] {strides = array<i32>} : memref<640xf32, #tpu.memory_space<vmem>>, vector<16xf32>,
      %add3A_737 = arith.constant 464 : i32
      %add3A_738 = arith.addi %multiple_of3A, %add3A_737 : i32
      %get3A_739 = arith.index_cast %add3A_738 : i32 to index
      %get3A_740 = tpu.vector_load %arg9[%get3A_739] {strides = array<i32>} : memref<10240xf32, #tpu.memory_space<vmem>>, vector<16xf32>,
      %add3A_741 = arith.addf %get3A_736, %get3A_740 : vector<16xf32>
      %swap3A_742 = arith.constant 464 : index
      %swap3A_743 = tpu.vector_load %arg14[%swap3A_742] {strides = array<i32>} : memref<640xf32, #tpu.memory_space<vmem>>, vector<16xf32>,
      tpu.vector_store %arg14[%swap3A_742], %add3A_741 {strides = array<i32>} : memref<640xf32, #tpu.memory_space<vmem>>, vector<16xf32>,
      %get3A_744 = arith.constant 480 : index
      %get3A_745 = tpu.vector_load %arg14[%get3A_744] {strides = array<i32>} : memref<640xf32, #tpu.memory_space<vmem>>, vector<16xf32>,
      %add3A_746 = arith.constant 480 : i32
      %add3A_747 = arith.addi %multiple_of3A, %add3A_746 : i32
      %get3A_748 = arith.index_cast %add3A_747 : i32 to index
      %get3A_749 = tpu.vector_load %arg9[%get3A_748] {strides = array<i32>} : memref<10240xf32, #tpu.memory_space<vmem>>, vector<16xf32>,
      %add3A_750 = arith.addf %get3A_745, %get3A_749 : vector<16xf32>
      %swap3A_751 = arith.constant 480 : index
      %swap3A_752 = tpu.vector_load %arg14[%swap3A_751] {strides = array<i32>} : memref<640xf32, #tpu.memory_space<vmem>>, vector<16xf32>,
      tpu.vector_store %arg14[%swap3A_751], %add3A_750 {strides = array<i32>} : memref<640xf32, #tpu.memory_space<vmem>>, vector<16xf32>,
      %get3A_753 = arith.constant 496 : index
      %get3A_754 = tpu.vector_load %arg14[%get3A_753] {strides = array<i32>} : memref<640xf32, #tpu.memory_space<vmem>>, vector<16xf32>,
      %add3A_755 = arith.constant 496 : i32
      %add3A_756 = arith.addi %multiple_of3A, %add3A_755 : i32
      %get3A_757 = arith.index_cast %add3A_756 : i32 to index
      %get3A_758 = tpu.vector_load %arg9[%get3A_757] {strides = array<i32>} : memref<10240xf32, #tpu.memory_space<vmem>>, vector<16xf32>,
      %add3A_759 = arith.addf %get3A_754, %get3A_758 : vector<16xf32>
      %swap3A_760 = arith.constant 496 : index
      %swap3A_761 = tpu.vector_load %arg14[%swap3A_760] {strides = array<i32>} : memref<640xf32, #tpu.memory_space<vmem>>, vector<16xf32>,
      tpu.vector_store %arg14[%swap3A_760], %add3A_759 {strides = array<i32>} : memref<640xf32, #tpu.memory_space<vmem>>, vector<16xf32>,
      %get3A_762 = arith.constant 512 : index
      %get3A_763 = tpu.vector_load %arg14[%get3A_762] {strides = array<i32>} : memref<640xf32, #tpu.memory_space<vmem>>, vector<16xf32>,
      %add3A_764 = arith.constant 512 : i32
      %add3A_765 = arith.addi %multiple_of3A, %add3A_764 : i32
      %get3A_766 = arith.index_cast %add3A_765 : i32 to index
      %get3A_767 = tpu.vector_load %arg9[%get3A_766] {strides = array<i32>} : memref<10240xf32, #tpu.memory_space<vmem>>, vector<16xf32>,
      %add3A_768 = arith.addf %get3A_763, %get3A_767 : vector<16xf32>
      %swap3A_769 = arith.constant 512 : index
      %swap3A_770 = tpu.vector_load %arg14[%swap3A_769] {strides = array<i32>} : memref<640xf32, #tpu.memory_space<vmem>>, vector<16xf32>,
      tpu.vector_store %arg14[%swap3A_769], %add3A_768 {strides = array<i32>} : memref<640xf32, #tpu.memory_space<vmem>>, vector<16xf32>,
      %get3A_771 = arith.constant 528 : index
      %get3A_772 = tpu.vector_load %arg14[%get3A_771] {strides = array<i32>} : memref<640xf32, #tpu.memory_space<vmem>>, vector<16xf32>,
      %add3A_773 = arith.constant 528 : i32
      %add3A_774 = arith.addi %multiple_of3A, %add3A_773 : i32
      %get3A_775 = arith.index_cast %add3A_774 : i32 to index
      %get3A_776 = tpu.vector_load %arg9[%get3A_775] {strides = array<i32>} : memref<10240xf32, #tpu.memory_space<vmem>>, vector<16xf32>,
      %add3A_777 = arith.addf %get3A_772, %get3A_776 : vector<16xf32>
      %swap3A_778 = arith.constant 528 : index
      %swap3A_779 = tpu.vector_load %arg14[%swap3A_778] {strides = array<i32>} : memref<640xf32, #tpu.memory_space<vmem>>, vector<16xf32>,
      tpu.vector_store %arg14[%swap3A_778], %add3A_777 {strides = array<i32>} : memref<640xf32, #tpu.memory_space<vmem>>, vector<16xf32>,
      %get3A_780 = arith.constant 544 : index
      %get3A_781 = tpu.vector_load %arg14[%get3A_780] {strides = array<i32>} : memref<640xf32, #tpu.memory_space<vmem>>, vector<16xf32>,
      %add3A_782 = arith.constant 544 : i32
      %add3A_783 = arith.addi %multiple_of3A, %add3A_782 : i32
      %get3A_784 = arith.index_cast %add3A_783 : i32 to index
      %get3A_785 = tpu.vector_load %arg9[%get3A_784] {strides = array<i32>} : memref<10240xf32, #tpu.memory_space<vmem>>, vector<16xf32>,
      %add3A_786 = arith.addf %get3A_781, %get3A_785 : vector<16xf32>
      %swap3A_787 = arith.constant 544 : index
      %swap3A_788 = tpu.vector_load %arg14[%swap3A_787] {strides = array<i32>} : memref<640xf32, #tpu.memory_space<vmem>>, vector<16xf32>,
      tpu.vector_store %arg14[%swap3A_787], %add3A_786 {strides = array<i32>} : memref<640xf32, #tpu.memory_space<vmem>>, vector<16xf32>,
      %get3A_789 = arith.constant 560 : index
      %get3A_790 = tpu.vector_load %arg14[%get3A_789] {strides = array<i32>} : memref<640xf32, #tpu.memory_space<vmem>>, vector<16xf32>,
      %add3A_791 = arith.constant 560 : i32
      %add3A_792 = arith.addi %multiple_of3A, %add3A_791 : i32
      %get3A_793 = arith.index_cast %add3A_792 : i32 to index
      %get3A_794 = tpu.vector_load %arg9[%get3A_793] {strides = array<i32>} : memref<10240xf32, #tpu.memory_space<vmem>>, vector<16xf32>,
      %add3A_795 = arith.addf %get3A_790, %get3A_794 : vector<16xf32>
      %swap3A_796 = arith.constant 560 : index
      %swap3A_797 = tpu.vector_load %arg14[%swap3A_796] {strides = array<i32>} : memref<640xf32, #tpu.memory_space<vmem>>, vector<16xf32>,
      tpu.vector_store %arg14[%swap3A_796], %add3A_795 {strides = array<i32>} : memref<640xf32, #tpu.memory_space<vmem>>, vector<16xf32>,
      %get3A_798 = arith.constant 576 : index
      %get3A_799 = tpu.vector_load %arg14[%get3A_798] {strides = array<i32>} : memref<640xf32, #tpu.memory_space<vmem>>, vector<16xf32>,
      %add3A_800 = arith.constant 576 : i32
      %add3A_801 = arith.addi %multiple_of3A, %add3A_800 : i32
      %get3A_802 = arith.index_cast %add3A_801 : i32 to index
      %get3A_803 = tpu.vector_load %arg9[%get3A_802] {strides = array<i32>} : memref<10240xf32, #tpu.memory_space<vmem>>, vector<16xf32>,
      %add3A_804 = arith.addf %get3A_799, %get3A_803 : vector<16xf32>
      %swap3A_805 = arith.constant 576 : index
      %swap3A_806 = tpu.vector_load %arg14[%swap3A_805] {strides = array<i32>} : memref<640xf32, #tpu.memory_space<vmem>>, vector<16xf32>,
      tpu.vector_store %arg14[%swap3A_805], %add3A_804 {strides = array<i32>} : memref<640xf32, #tpu.memory_space<vmem>>, vector<16xf32>,
      %get3A_807 = arith.constant 592 : index
      %get3A_808 = tpu.vector_load %arg14[%get3A_807] {strides = array<i32>} : memref<640xf32, #tpu.memory_space<vmem>>, vector<16xf32>,
      %add3A_809 = arith.constant 592 : i32
      %add3A_810 = arith.addi %multiple_of3A, %add3A_809 : i32
      %get3A_811 = arith.index_cast %add3A_810 : i32 to index
      %get3A_812 = tpu.vector_load %arg9[%get3A_811] {strides = array<i32>} : memref<10240xf32, #tpu.memory_space<vmem>>, vector<16xf32>,
      %add3A_813 = arith.addf %get3A_808, %get3A_812 : vector<16xf32>
      %swap3A_814 = arith.constant 592 : index
      %swap3A_815 = tpu.vector_load %arg14[%swap3A_814] {strides = array<i32>} : memref<640xf32, #tpu.memory_space<vmem>>, vector<16xf32>,
      tpu.vector_store %arg14[%swap3A_814], %add3A_813 {strides = array<i32>} : memref<640xf32, #tpu.memory_space<vmem>>, vector<16xf32>,
      %get3A_816 = arith.constant 608 : index
      %get3A_817 = tpu.vector_load %arg14[%get3A_816] {strides = array<i32>} : memref<640xf32, #tpu.memory_space<vmem>>, vector<16xf32>,
      %add3A_818 = arith.constant 608 : i32
      %add3A_819 = arith.addi %multiple_of3A, %add3A_818 : i32
      %get3A_820 = arith.index_cast %add3A_819 : i32 to index
      %get3A_821 = tpu.vector_load %arg9[%get3A_820] {strides = array<i32>} : memref<10240xf32, #tpu.memory_space<vmem>>, vector<16xf32>,
      %add3A_822 = arith.addf %get3A_817, %get3A_821 : vector<16xf32>
      %swap3A_823 = arith.constant 608 : index
      %swap3A_824 = tpu.vector_load %arg14[%swap3A_823] {strides = array<i32>} : memref<640xf32, #tpu.memory_space<vmem>>, vector<16xf32>,
      tpu.vector_store %arg14[%swap3A_823], %add3A_822 {strides = array<i32>} : memref<640xf32, #tpu.memory_space<vmem>>, vector<16xf32>,
      %get3A_825 = arith.constant 624 : index
      %get3A_826 = tpu.vector_load %arg14[%get3A_825] {strides = array<i32>} : memref<640xf32, #tpu.memory_space<vmem>>, vector<16xf32>,
      %add3A_827 = arith.constant 624 : i32
      %add3A_828 = arith.addi %multiple_of3A, %add3A_827 : i32
      %get3A_829 = arith.index_cast %add3A_828 : i32 to index
      %get3A_830 = tpu.vector_load %arg9[%get3A_829] {strides = array<i32>} : memref<10240xf32, #tpu.memory_space<vmem>>, vector<16xf32>,
      %add3A_831 = arith.addf %get3A_826, %get3A_830 : vector<16xf32>
      %swap3A_832 = arith.constant 624 : index
      %swap3A_833 = tpu.vector_load %arg14[%swap3A_832] {strides = array<i32>} : memref<640xf32, #tpu.memory_space<vmem>>, vector<16xf32>,
      tpu.vector_store %arg14[%swap3A_832], %add3A_831 {strides = array<i32>} : memref<640xf32, #tpu.memory_space<vmem>>, vector<16xf32>,
    } else {
    }
    %get3A = arith.constant 0 : index
    %get3A_63 = tpu.vector_load %arg15[%get3A] {strides = array<i32>} : memref<640xf32, #tpu.memory_space<vmem>>, vector<16xf32>,
    %get3A_64 = arith.constant 0 : index
    %get3A_65 = tpu.vector_load %arg14[%get3A_64] {strides = array<i32>} : memref<640xf32, #tpu.memory_space<vmem>>, vector<16xf32>,
    %mul3A_66 = arith.mulf %get3A_63, %get3A_65 : vector<16xf32>
    %swap3A = arith.constant 0 : index
    %swap3A_67 = tpu.vector_load %arg16[%swap3A] {strides = array<i32>} : memref<640xf32, #tpu.memory_space<vmem>>, vector<16xf32>,
    tpu.vector_store %arg16[%swap3A], %mul3A_66 {strides = array<i32>} : memref<640xf32, #tpu.memory_space<vmem>>, vector<16xf32>,
    %get3A_68 = arith.constant 16 : index
    %get3A_69 = tpu.vector_load %arg15[%get3A_68] {strides = array<i32>} : memref<640xf32, #tpu.memory_space<vmem>>, vector<16xf32>,
    %get3A_70 = arith.constant 16 : index
    %get3A_71 = tpu.vector_load %arg14[%get3A_70] {strides = array<i32>} : memref<640xf32, #tpu.memory_space<vmem>>, vector<16xf32>,
    %mul3A_72 = arith.mulf %get3A_69, %get3A_71 : vector<16xf32>
    %swap3A_73 = arith.constant 16 : index
    %swap3A_74 = tpu.vector_load %arg16[%swap3A_73] {strides = array<i32>} : memref<640xf32, #tpu.memory_space<vmem>>, vector<16xf32>,
    tpu.vector_store %arg16[%swap3A_73], %mul3A_72 {strides = array<i32>} : memref<640xf32, #tpu.memory_space<vmem>>, vector<16xf32>,
    %get3A_75 = arith.constant 32 : index
    %get3A_76 = tpu.vector_load %arg15[%get3A_75] {strides = array<i32>} : memref<640xf32, #tpu.memory_space<vmem>>, vector<16xf32>,
    %get3A_77 = arith.constant 32 : index
    %get3A_78 = tpu.vector_load %arg14[%get3A_77] {strides = array<i32>} : memref<640xf32, #tpu.memory_space<vmem>>, vector<16xf32>,
    %mul3A_79 = arith.mulf %get3A_76, %get3A_78 : vector<16xf32>
    %swap3A_80 = arith.constant 32 : index
    %swap3A_81 = tpu.vector_load %arg16[%swap3A_80] {strides = array<i32>} : memref<640xf32, #tpu.memory_space<vmem>>, vector<16xf32>,
    tpu.vector_store %arg16[%swap3A_80], %mul3A_79 {strides = array<i32>} : memref<640xf32, #tpu.memory_space<vmem>>, vector<16xf32>,
    %get3A_82 = arith.constant 48 : index
    %get3A_83 = tpu.vector_load %arg15[%get3A_82] {strides = array<i32>} : memref<640xf32, #tpu.memory_space<vmem>>, vector<16xf32>,
    %get3A_84 = arith.constant 48 : index
    %get3A_85 = tpu.vector_load %arg14[%get3A_84] {strides = array<i32>} : memref<640xf32, #tpu.memory_space<vmem>>, vector<16xf32>,
    %mul3A_86 = arith.mulf %get3A_83, %get3A_85 : vector<16xf32>
    %swap3A_87 = arith.constant 48 : index
    %swap3A_88 = tpu.vector_load %arg16[%swap3A_87] {strides = array<i32>} : memref<640xf32, #tpu.memory_space<vmem>>, vector<16xf32>,
    tpu.vector_store %arg16[%swap3A_87], %mul3A_86 {strides = array<i32>} : memref<640xf32, #tpu.memory_space<vmem>>, vector<16xf32>,
    %get3A_89 = arith.constant 64 : index
    %get3A_90 = tpu.vector_load %arg15[%get3A_89] {strides = array<i32>} : memref<640xf32, #tpu.memory_space<vmem>>, vector<16xf32>,
    %get3A_91 = arith.constant 64 : index
    %get3A_92 = tpu.vector_load %arg14[%get3A_91] {strides = array<i32>} : memref<640xf32, #tpu.memory_space<vmem>>, vector<16xf32>,
    %mul3A_93 = arith.mulf %get3A_90, %get3A_92 : vector<16xf32>
    %swap3A_94 = arith.constant 64 : index
    %swap3A_95 = tpu.vector_load %arg16[%swap3A_94] {strides = array<i32>} : memref<640xf32, #tpu.memory_space<vmem>>, vector<16xf32>,
    tpu.vector_store %arg16[%swap3A_94], %mul3A_93 {strides = array<i32>} : memref<640xf32, #tpu.memory_space<vmem>>, vector<16xf32>,
    %get3A_96 = arith.constant 80 : index
    %get3A_97 = tpu.vector_load %arg15[%get3A_96] {strides = array<i32>} : memref<640xf32, #tpu.memory_space<vmem>>, vector<16xf32>,
    %get3A_98 = arith.constant 80 : index
    %get3A_99 = tpu.vector_load %arg14[%get3A_98] {strides = array<i32>} : memref<640xf32, #tpu.memory_space<vmem>>, vector<16xf32>,
    %mul3A_100 = arith.mulf %get3A_97, %get3A_99 : vector<16xf32>
    %swap3A_101 = arith.constant 80 : index
    %swap3A_102 = tpu.vector_load %arg16[%swap3A_101] {strides = array<i32>} : memref<640xf32, #tpu.memory_space<vmem>>, vector<16xf32>,
    tpu.vector_store %arg16[%swap3A_101], %mul3A_100 {strides = array<i32>} : memref<640xf32, #tpu.memory_space<vmem>>, vector<16xf32>,
    %get3A_103 = arith.constant 96 : index
    %get3A_104 = tpu.vector_load %arg15[%get3A_103] {strides = array<i32>} : memref<640xf32, #tpu.memory_space<vmem>>, vector<16xf32>,
    %get3A_105 = arith.constant 96 : index
    %get3A_106 = tpu.vector_load %arg14[%get3A_105] {strides = array<i32>} : memref<640xf32, #tpu.memory_space<vmem>>, vector<16xf32>,
    %mul3A_107 = arith.mulf %get3A_104, %get3A_106 : vector<16xf32>
    %swap3A_108 = arith.constant 96 : index
    %swap3A_109 = tpu.vector_load %arg16[%swap3A_108] {strides = array<i32>} : memref<640xf32, #tpu.memory_space<vmem>>, vector<16xf32>,
    tpu.vector_store %arg16[%swap3A_108], %mul3A_107 {strides = array<i32>} : memref<640xf32, #tpu.memory_space<vmem>>, vector<16xf32>,
    %get3A_110 = arith.constant 112 : index
    %get3A_111 = tpu.vector_load %arg15[%get3A_110] {strides = array<i32>} : memref<640xf32, #tpu.memory_space<vmem>>, vector<16xf32>,
    %get3A_112 = arith.constant 112 : index
    %get3A_113 = tpu.vector_load %arg14[%get3A_112] {strides = array<i32>} : memref<640xf32, #tpu.memory_space<vmem>>, vector<16xf32>,
    %mul3A_114 = arith.mulf %get3A_111, %get3A_113 : vector<16xf32>
    %swap3A_115 = arith.constant 112 : index
    %swap3A_116 = tpu.vector_load %arg16[%swap3A_115] {strides = array<i32>} : memref<640xf32, #tpu.memory_space<vmem>>, vector<16xf32>,
    tpu.vector_store %arg16[%swap3A_115], %mul3A_114 {strides = array<i32>} : memref<640xf32, #tpu.memory_space<vmem>>, vector<16xf32>,
    %get3A_117 = arith.constant 128 : index
    %get3A_118 = tpu.vector_load %arg15[%get3A_117] {strides = array<i32>} : memref<640xf32, #tpu.memory_space<vmem>>, vector<16xf32>,
    %get3A_119 = arith.constant 128 : index
    %get3A_120 = tpu.vector_load %arg14[%get3A_119] {strides = array<i32>} : memref<640xf32, #tpu.memory_space<vmem>>, vector<16xf32>,
    %mul3A_121 = arith.mulf %get3A_118, %get3A_120 : vector<16xf32>
    %swap3A_122 = arith.constant 128 : index
    %swap3A_123 = tpu.vector_load %arg16[%swap3A_122] {strides = array<i32>} : memref<640xf32, #tpu.memory_space<vmem>>, vector<16xf32>,
    tpu.vector_store %arg16[%swap3A_122], %mul3A_121 {strides = array<i32>} : memref<640xf32, #tpu.memory_space<vmem>>, vector<16xf32>,
    %get3A_124 = arith.constant 144 : index
    %get3A_125 = tpu.vector_load %arg15[%get3A_124] {strides = array<i32>} : memref<640xf32, #tpu.memory_space<vmem>>, vector<16xf32>,
    %get3A_126 = arith.constant 144 : index
    %get3A_127 = tpu.vector_load %arg14[%get3A_126] {strides = array<i32>} : memref<640xf32, #tpu.memory_space<vmem>>, vector<16xf32>,
    %mul3A_128 = arith.mulf %get3A_125, %get3A_127 : vector<16xf32>
    %swap3A_129 = arith.constant 144 : index
    %swap3A_130 = tpu.vector_load %arg16[%swap3A_129] {strides = array<i32>} : memref<640xf32, #tpu.memory_space<vmem>>, vector<16xf32>,
    tpu.vector_store %arg16[%swap3A_129], %mul3A_128 {strides = array<i32>} : memref<640xf32, #tpu.memory_space<vmem>>, vector<16xf32>,
    %get3A_131 = arith.constant 160 : index
    %get3A_132 = tpu.vector_load %arg15[%get3A_131] {strides = array<i32>} : memref<640xf32, #tpu.memory_space<vmem>>, vector<16xf32>,
    %get3A_133 = arith.constant 160 : index
    %get3A_134 = tpu.vector_load %arg14[%get3A_133] {strides = array<i32>} : memref<640xf32, #tpu.memory_space<vmem>>, vector<16xf32>,
    %mul3A_135 = arith.mulf %get3A_132, %get3A_134 : vector<16xf32>
    %swap3A_136 = arith.constant 160 : index
    %swap3A_137 = tpu.vector_load %arg16[%swap3A_136] {strides = array<i32>} : memref<640xf32, #tpu.memory_space<vmem>>, vector<16xf32>,
    tpu.vector_store %arg16[%swap3A_136], %mul3A_135 {strides = array<i32>} : memref<640xf32, #tpu.memory_space<vmem>>, vector<16xf32>,
    %get3A_138 = arith.constant 176 : index
    %get3A_139 = tpu.vector_load %arg15[%get3A_138] {strides = array<i32>} : memref<640xf32, #tpu.memory_space<vmem>>, vector<16xf32>,
    %get3A_140 = arith.constant 176 : index
    %get3A_141 = tpu.vector_load %arg14[%get3A_140] {strides = array<i32>} : memref<640xf32, #tpu.memory_space<vmem>>, vector<16xf32>,
    %mul3A_142 = arith.mulf %get3A_139, %get3A_141 : vector<16xf32>
    %swap3A_143 = arith.constant 176 : index
    %swap3A_144 = tpu.vector_load %arg16[%swap3A_143] {strides = array<i32>} : memref<640xf32, #tpu.memory_space<vmem>>, vector<16xf32>,
    tpu.vector_store %arg16[%swap3A_143], %mul3A_142 {strides = array<i32>} : memref<640xf32, #tpu.memory_space<vmem>>, vector<16xf32>,
    %get3A_145 = arith.constant 192 : index
    %get3A_146 = tpu.vector_load %arg15[%get3A_145] {strides = array<i32>} : memref<640xf32, #tpu.memory_space<vmem>>, vector<16xf32>,
    %get3A_147 = arith.constant 192 : index
    %get3A_148 = tpu.vector_load %arg14[%get3A_147] {strides = array<i32>} : memref<640xf32, #tpu.memory_space<vmem>>, vector<16xf32>,
    %mul3A_149 = arith.mulf %get3A_146, %get3A_148 : vector<16xf32>
    %swap3A_150 = arith.constant 192 : index
    %swap3A_151 = tpu.vector_load %arg16[%swap3A_150] {strides = array<i32>} : memref<640xf32, #tpu.memory_space<vmem>>, vector<16xf32>,
    tpu.vector_store %arg16[%swap3A_150], %mul3A_149 {strides = array<i32>} : memref<640xf32, #tpu.memory_space<vmem>>, vector<16xf32>,
    %get3A_152 = arith.constant 208 : index
    %get3A_153 = tpu.vector_load %arg15[%get3A_152] {strides = array<i32>} : memref<640xf32, #tpu.memory_space<vmem>>, vector<16xf32>,
    %get3A_154 = arith.constant 208 : index
    %get3A_155 = tpu.vector_load %arg14[%get3A_154] {strides = array<i32>} : memref<640xf32, #tpu.memory_space<vmem>>, vector<16xf32>,
    %mul3A_156 = arith.mulf %get3A_153, %get3A_155 : vector<16xf32>
    %swap3A_157 = arith.constant 208 : index
    %swap3A_158 = tpu.vector_load %arg16[%swap3A_157] {strides = array<i32>} : memref<640xf32, #tpu.memory_space<vmem>>, vector<16xf32>,
    tpu.vector_store %arg16[%swap3A_157], %mul3A_156 {strides = array<i32>} : memref<640xf32, #tpu.memory_space<vmem>>, vector<16xf32>,
    %get3A_159 = arith.constant 224 : index
    %get3A_160 = tpu.vector_load %arg15[%get3A_159] {strides = array<i32>} : memref<640xf32, #tpu.memory_space<vmem>>, vector<16xf32>,
    %get3A_161 = arith.constant 224 : index
    %get3A_162 = tpu.vector_load %arg14[%get3A_161] {strides = array<i32>} : memref<640xf32, #tpu.memory_space<vmem>>, vector<16xf32>,
    %mul3A_163 = arith.mulf %get3A_160, %get3A_162 : vector<16xf32>
    %swap3A_164 = arith.constant 224 : index
    %swap3A_165 = tpu.vector_load %arg16[%swap3A_164] {strides = array<i32>} : memref<640xf32, #tpu.memory_space<vmem>>, vector<16xf32>,
    tpu.vector_store %arg16[%swap3A_164], %mul3A_163 {strides = array<i32>} : memref<640xf32, #tpu.memory_space<vmem>>, vector<16xf32>,
    %get3A_166 = arith.constant 240 : index
    %get3A_167 = tpu.vector_load %arg15[%get3A_166] {strides = array<i32>} : memref<640xf32, #tpu.memory_space<vmem>>, vector<16xf32>,
    %get3A_168 = arith.constant 240 : index
    %get3A_169 = tpu.vector_load %arg14[%get3A_168] {strides = array<i32>} : memref<640xf32, #tpu.memory_space<vmem>>, vector<16xf32>,
    %mul3A_170 = arith.mulf %get3A_167, %get3A_169 : vector<16xf32>
    %swap3A_171 = arith.constant 240 : index
    %swap3A_172 = tpu.vector_load %arg16[%swap3A_171] {strides = array<i32>} : memref<640xf32, #tpu.memory_space<vmem>>, vector<16xf32>,
    tpu.vector_store %arg16[%swap3A_171], %mul3A_170 {strides = array<i32>} : memref<640xf32, #tpu.memory_space<vmem>>, vector<16xf32>,
    %get3A_173 = arith.constant 256 : index
    %get3A_174 = tpu.vector_load %arg15[%get3A_173] {strides = array<i32>} : memref<640xf32, #tpu.memory_space<vmem>>, vector<16xf32>,
    %get3A_175 = arith.constant 256 : index
    %get3A_176 = tpu.vector_load %arg14[%get3A_175] {strides = array<i32>} : memref<640xf32, #tpu.memory_space<vmem>>, vector<16xf32>,
    %mul3A_177 = arith.mulf %get3A_174, %get3A_176 : vector<16xf32>
    %swap3A_178 = arith.constant 256 : index
    %swap3A_179 = tpu.vector_load %arg16[%swap3A_178] {strides = array<i32>} : memref<640xf32, #tpu.memory_space<vmem>>, vector<16xf32>,
    tpu.vector_store %arg16[%swap3A_178], %mul3A_177 {strides = array<i32>} : memref<640xf32, #tpu.memory_space<vmem>>, vector<16xf32>,
    %get3A_180 = arith.constant 272 : index
    %get3A_181 = tpu.vector_load %arg15[%get3A_180] {strides = array<i32>} : memref<640xf32, #tpu.memory_space<vmem>>, vector<16xf32>,
    %get3A_182 = arith.constant 272 : index
    %get3A_183 = tpu.vector_load %arg14[%get3A_182] {strides = array<i32>} : memref<640xf32, #tpu.memory_space<vmem>>, vector<16xf32>,
    %mul3A_184 = arith.mulf %get3A_181, %get3A_183 : vector<16xf32>
    %swap3A_185 = arith.constant 272 : index
    %swap3A_186 = tpu.vector_load %arg16[%swap3A_185] {strides = array<i32>} : memref<640xf32, #tpu.memory_space<vmem>>, vector<16xf32>,
    tpu.vector_store %arg16[%swap3A_185], %mul3A_184 {strides = array<i32>} : memref<640xf32, #tpu.memory_space<vmem>>, vector<16xf32>,
    %get3A_187 = arith.constant 288 : index
    %get3A_188 = tpu.vector_load %arg15[%get3A_187] {strides = array<i32>} : memref<640xf32, #tpu.memory_space<vmem>>, vector<16xf32>,
    %get3A_189 = arith.constant 288 : index
    %get3A_190 = tpu.vector_load %arg14[%get3A_189] {strides = array<i32>} : memref<640xf32, #tpu.memory_space<vmem>>, vector<16xf32>,
    %mul3A_191 = arith.mulf %get3A_188, %get3A_190 : vector<16xf32>
    %swap3A_192 = arith.constant 288 : index
    %swap3A_193 = tpu.vector_load %arg16[%swap3A_192] {strides = array<i32>} : memref<640xf32, #tpu.memory_space<vmem>>, vector<16xf32>,
    tpu.vector_store %arg16[%swap3A_192], %mul3A_191 {strides = array<i32>} : memref<640xf32, #tpu.memory_space<vmem>>, vector<16xf32>,
    %get3A_194 = arith.constant 304 : index
    %get3A_195 = tpu.vector_load %arg15[%get3A_194] {strides = array<i32>} : memref<640xf32, #tpu.memory_space<vmem>>, vector<16xf32>,
    %get3A_196 = arith.constant 304 : index
    %get3A_197 = tpu.vector_load %arg14[%get3A_196] {strides = array<i32>} : memref<640xf32, #tpu.memory_space<vmem>>, vector<16xf32>,
    %mul3A_198 = arith.mulf %get3A_195, %get3A_197 : vector<16xf32>
    %swap3A_199 = arith.constant 304 : index
    %swap3A_200 = tpu.vector_load %arg16[%swap3A_199] {strides = array<i32>} : memref<640xf32, #tpu.memory_space<vmem>>, vector<16xf32>,
    tpu.vector_store %arg16[%swap3A_199], %mul3A_198 {strides = array<i32>} : memref<640xf32, #tpu.memory_space<vmem>>, vector<16xf32>,
    %get3A_201 = arith.constant 320 : index
    %get3A_202 = tpu.vector_load %arg15[%get3A_201] {strides = array<i32>} : memref<640xf32, #tpu.memory_space<vmem>>, vector<16xf32>,
    %get3A_203 = arith.constant 320 : index
    %get3A_204 = tpu.vector_load %arg14[%get3A_203] {strides = array<i32>} : memref<640xf32, #tpu.memory_space<vmem>>, vector<16xf32>,
    %mul3A_205 = arith.mulf %get3A_202, %get3A_204 : vector<16xf32>
    %swap3A_206 = arith.constant 320 : index
    %swap3A_207 = tpu.vector_load %arg16[%swap3A_206] {strides = array<i32>} : memref<640xf32, #tpu.memory_space<vmem>>, vector<16xf32>,
    tpu.vector_store %arg16[%swap3A_206], %mul3A_205 {strides = array<i32>} : memref<640xf32, #tpu.memory_space<vmem>>, vector<16xf32>,
    %get3A_208 = arith.constant 336 : index
    %get3A_209 = tpu.vector_load %arg15[%get3A_208] {strides = array<i32>} : memref<640xf32, #tpu.memory_space<vmem>>, vector<16xf32>,
    %get3A_210 = arith.constant 336 : index
    %get3A_211 = tpu.vector_load %arg14[%get3A_210] {strides = array<i32>} : memref<640xf32, #tpu.memory_space<vmem>>, vector<16xf32>,
    %mul3A_212 = arith.mulf %get3A_209, %get3A_211 : vector<16xf32>
    %swap3A_213 = arith.constant 336 : index
    %swap3A_214 = tpu.vector_load %arg16[%swap3A_213] {strides = array<i32>} : memref<640xf32, #tpu.memory_space<vmem>>, vector<16xf32>,
    tpu.vector_store %arg16[%swap3A_213], %mul3A_212 {strides = array<i32>} : memref<640xf32, #tpu.memory_space<vmem>>, vector<16xf32>,
    %get3A_215 = arith.constant 352 : index
    %get3A_216 = tpu.vector_load %arg15[%get3A_215] {strides = array<i32>} : memref<640xf32, #tpu.memory_space<vmem>>, vector<16xf32>,
    %get3A_217 = arith.constant 352 : index
    %get3A_218 = tpu.vector_load %arg14[%get3A_217] {strides = array<i32>} : memref<640xf32, #tpu.memory_space<vmem>>, vector<16xf32>,
    %mul3A_219 = arith.mulf %get3A_216, %get3A_218 : vector<16xf32>
    %swap3A_220 = arith.constant 352 : index
    %swap3A_221 = tpu.vector_load %arg16[%swap3A_220] {strides = array<i32>} : memref<640xf32, #tpu.memory_space<vmem>>, vector<16xf32>,
    tpu.vector_store %arg16[%swap3A_220], %mul3A_219 {strides = array<i32>} : memref<640xf32, #tpu.memory_space<vmem>>, vector<16xf32>,
    %get3A_222 = arith.constant 368 : index
    %get3A_223 = tpu.vector_load %arg15[%get3A_222] {strides = array<i32>} : memref<640xf32, #tpu.memory_space<vmem>>, vector<16xf32>,
    %get3A_224 = arith.constant 368 : index
    %get3A_225 = tpu.vector_load %arg14[%get3A_224] {strides = array<i32>} : memref<640xf32, #tpu.memory_space<vmem>>, vector<16xf32>,
    %mul3A_226 = arith.mulf %get3A_223, %get3A_225 : vector<16xf32>
    %swap3A_227 = arith.constant 368 : index
    %swap3A_228 = tpu.vector_load %arg16[%swap3A_227] {strides = array<i32>} : memref<640xf32, #tpu.memory_space<vmem>>, vector<16xf32>,
    tpu.vector_store %arg16[%swap3A_227], %mul3A_226 {strides = array<i32>} : memref<640xf32, #tpu.memory_space<vmem>>, vector<16xf32>,
    %get3A_229 = arith.constant 384 : index
    %get3A_230 = tpu.vector_load %arg15[%get3A_229] {strides = array<i32>} : memref<640xf32, #tpu.memory_space<vmem>>, vector<16xf32>,
    %get3A_231 = arith.constant 384 : index
    %get3A_232 = tpu.vector_load %arg14[%get3A_231] {strides = array<i32>} : memref<640xf32, #tpu.memory_space<vmem>>, vector<16xf32>,
    %mul3A_233 = arith.mulf %get3A_230, %get3A_232 : vector<16xf32>
    %swap3A_234 = arith.constant 384 : index
    %swap3A_235 = tpu.vector_load %arg16[%swap3A_234] {strides = array<i32>} : memref<640xf32, #tpu.memory_space<vmem>>, vector<16xf32>,
    tpu.vector_store %arg16[%swap3A_234], %mul3A_233 {strides = array<i32>} : memref<640xf32, #tpu.memory_space<vmem>>, vector<16xf32>,
    %get3A_236 = arith.constant 400 : index
    %get3A_237 = tpu.vector_load %arg15[%get3A_236] {strides = array<i32>} : memref<640xf32, #tpu.memory_space<vmem>>, vector<16xf32>,
    %get3A_238 = arith.constant 400 : index
    %get3A_239 = tpu.vector_load %arg14[%get3A_238] {strides = array<i32>} : memref<640xf32, #tpu.memory_space<vmem>>, vector<16xf32>,
    %mul3A_240 = arith.mulf %get3A_237, %get3A_239 : vector<16xf32>
    %swap3A_241 = arith.constant 400 : index
    %swap3A_242 = tpu.vector_load %arg16[%swap3A_241] {strides = array<i32>} : memref<640xf32, #tpu.memory_space<vmem>>, vector<16xf32>,
    tpu.vector_store %arg16[%swap3A_241], %mul3A_240 {strides = array<i32>} : memref<640xf32, #tpu.memory_space<vmem>>, vector<16xf32>,
    %get3A_243 = arith.constant 416 : index
    %get3A_244 = tpu.vector_load %arg15[%get3A_243] {strides = array<i32>} : memref<640xf32, #tpu.memory_space<vmem>>, vector<16xf32>,
    %get3A_245 = arith.constant 416 : index
    %get3A_246 = tpu.vector_load %arg14[%get3A_245] {strides = array<i32>} : memref<640xf32, #tpu.memory_space<vmem>>, vector<16xf32>,
    %mul3A_247 = arith.mulf %get3A_244, %get3A_246 : vector<16xf32>
    %swap3A_248 = arith.constant 416 : index
    %swap3A_249 = tpu.vector_load %arg16[%swap3A_248] {strides = array<i32>} : memref<640xf32, #tpu.memory_space<vmem>>, vector<16xf32>,
    tpu.vector_store %arg16[%swap3A_248], %mul3A_247 {strides = array<i32>} : memref<640xf32, #tpu.memory_space<vmem>>, vector<16xf32>,
    %get3A_250 = arith.constant 432 : index
    %get3A_251 = tpu.vector_load %arg15[%get3A_250] {strides = array<i32>} : memref<640xf32, #tpu.memory_space<vmem>>, vector<16xf32>,
    %get3A_252 = arith.constant 432 : index
    %get3A_253 = tpu.vector_load %arg14[%get3A_252] {strides = array<i32>} : memref<640xf32, #tpu.memory_space<vmem>>, vector<16xf32>,
    %mul3A_254 = arith.mulf %get3A_251, %get3A_253 : vector<16xf32>
    %swap3A_255 = arith.constant 432 : index
    %swap3A_256 = tpu.vector_load %arg16[%swap3A_255] {strides = array<i32>} : memref<640xf32, #tpu.memory_space<vmem>>, vector<16xf32>,
    tpu.vector_store %arg16[%swap3A_255], %mul3A_254 {strides = array<i32>} : memref<640xf32, #tpu.memory_space<vmem>>, vector<16xf32>,
    %get3A_257 = arith.constant 448 : index
    %get3A_258 = tpu.vector_load %arg15[%get3A_257] {strides = array<i32>} : memref<640xf32, #tpu.memory_space<vmem>>, vector<16xf32>,
    %get3A_259 = arith.constant 448 : index
    %get3A_260 = tpu.vector_load %arg14[%get3A_259] {strides = array<i32>} : memref<640xf32, #tpu.memory_space<vmem>>, vector<16xf32>,
    %mul3A_261 = arith.mulf %get3A_258, %get3A_260 : vector<16xf32>
    %swap3A_262 = arith.constant 448 : index
    %swap3A_263 = tpu.vector_load %arg16[%swap3A_262] {strides = array<i32>} : memref<640xf32, #tpu.memory_space<vmem>>, vector<16xf32>,
    tpu.vector_store %arg16[%swap3A_262], %mul3A_261 {strides = array<i32>} : memref<640xf32, #tpu.memory_space<vmem>>, vector<16xf32>,
    %get3A_264 = arith.constant 464 : index
    %get3A_265 = tpu.vector_load %arg15[%get3A_264] {strides = array<i32>} : memref<640xf32, #tpu.memory_space<vmem>>, vector<16xf32>,
    %get3A_266 = arith.constant 464 : index
    %get3A_267 = tpu.vector_load %arg14[%get3A_266] {strides = array<i32>} : memref<640xf32, #tpu.memory_space<vmem>>, vector<16xf32>,
    %mul3A_268 = arith.mulf %get3A_265, %get3A_267 : vector<16xf32>
    %swap3A_269 = arith.constant 464 : index
    %swap3A_270 = tpu.vector_load %arg16[%swap3A_269] {strides = array<i32>} : memref<640xf32, #tpu.memory_space<vmem>>, vector<16xf32>,
    tpu.vector_store %arg16[%swap3A_269], %mul3A_268 {strides = array<i32>} : memref<640xf32, #tpu.memory_space<vmem>>, vector<16xf32>,
    %get3A_271 = arith.constant 480 : index
    %get3A_272 = tpu.vector_load %arg15[%get3A_271] {strides = array<i32>} : memref<640xf32, #tpu.memory_space<vmem>>, vector<16xf32>,
    %get3A_273 = arith.constant 480 : index
    %get3A_274 = tpu.vector_load %arg14[%get3A_273] {strides = array<i32>} : memref<640xf32, #tpu.memory_space<vmem>>, vector<16xf32>,
    %mul3A_275 = arith.mulf %get3A_272, %get3A_274 : vector<16xf32>
    %swap3A_276 = arith.constant 480 : index
    %swap3A_277 = tpu.vector_load %arg16[%swap3A_276] {strides = array<i32>} : memref<640xf32, #tpu.memory_space<vmem>>, vector<16xf32>,
    tpu.vector_store %arg16[%swap3A_276], %mul3A_275 {strides = array<i32>} : memref<640xf32, #tpu.memory_space<vmem>>, vector<16xf32>,
    %get3A_278 = arith.constant 496 : index
    %get3A_279 = tpu.vector_load %arg15[%get3A_278] {strides = array<i32>} : memref<640xf32, #tpu.memory_space<vmem>>, vector<16xf32>,
    %get3A_280 = arith.constant 496 : index
    %get3A_281 = tpu.vector_load %arg14[%get3A_280] {strides = array<i32>} : memref<640xf32, #tpu.memory_space<vmem>>, vector<16xf32>,
    %mul3A_282 = arith.mulf %get3A_279, %get3A_281 : vector<16xf32>
    %swap3A_283 = arith.constant 496 : index
    %swap3A_284 = tpu.vector_load %arg16[%swap3A_283] {strides = array<i32>} : memref<640xf32, #tpu.memory_space<vmem>>, vector<16xf32>,
    tpu.vector_store %arg16[%swap3A_283], %mul3A_282 {strides = array<i32>} : memref<640xf32, #tpu.memory_space<vmem>>, vector<16xf32>,
    %get3A_285 = arith.constant 512 : index
    %get3A_286 = tpu.vector_load %arg15[%get3A_285] {strides = array<i32>} : memref<640xf32, #tpu.memory_space<vmem>>, vector<16xf32>,
    %get3A_287 = arith.constant 512 : index
    %get3A_288 = tpu.vector_load %arg14[%get3A_287] {strides = array<i32>} : memref<640xf32, #tpu.memory_space<vmem>>, vector<16xf32>,
    %mul3A_289 = arith.mulf %get3A_286, %get3A_288 : vector<16xf32>
    %swap3A_290 = arith.constant 512 : index
    %swap3A_291 = tpu.vector_load %arg16[%swap3A_290] {strides = array<i32>} : memref<640xf32, #tpu.memory_space<vmem>>, vector<16xf32>,
    tpu.vector_store %arg16[%swap3A_290], %mul3A_289 {strides = array<i32>} : memref<640xf32, #tpu.memory_space<vmem>>, vector<16xf32>,
    %get3A_292 = arith.constant 528 : index
    %get3A_293 = tpu.vector_load %arg15[%get3A_292] {strides = array<i32>} : memref<640xf32, #tpu.memory_space<vmem>>, vector<16xf32>,
    %get3A_294 = arith.constant 528 : index
    %get3A_295 = tpu.vector_load %arg14[%get3A_294] {strides = array<i32>} : memref<640xf32, #tpu.memory_space<vmem>>, vector<16xf32>,
    %mul3A_296 = arith.mulf %get3A_293, %get3A_295 : vector<16xf32>
    %swap3A_297 = arith.constant 528 : index
    %swap3A_298 = tpu.vector_load %arg16[%swap3A_297] {strides = array<i32>} : memref<640xf32, #tpu.memory_space<vmem>>, vector<16xf32>,
    tpu.vector_store %arg16[%swap3A_297], %mul3A_296 {strides = array<i32>} : memref<640xf32, #tpu.memory_space<vmem>>, vector<16xf32>,
    %get3A_299 = arith.constant 544 : index
    %get3A_300 = tpu.vector_load %arg15[%get3A_299] {strides = array<i32>} : memref<640xf32, #tpu.memory_space<vmem>>, vector<16xf32>,
    %get3A_301 = arith.constant 544 : index
    %get3A_302 = tpu.vector_load %arg14[%get3A_301] {strides = array<i32>} : memref<640xf32, #tpu.memory_space<vmem>>, vector<16xf32>,
    %mul3A_303 = arith.mulf %get3A_300, %get3A_302 : vector<16xf32>
    %swap3A_304 = arith.constant 544 : index
    %swap3A_305 = tpu.vector_load %arg16[%swap3A_304] {strides = array<i32>} : memref<640xf32, #tpu.memory_space<vmem>>, vector<16xf32>,
    tpu.vector_store %arg16[%swap3A_304], %mul3A_303 {strides = array<i32>} : memref<640xf32, #tpu.memory_space<vmem>>, vector<16xf32>,
    %get3A_306 = arith.constant 560 : index
    %get3A_307 = tpu.vector_load %arg15[%get3A_306] {strides = array<i32>} : memref<640xf32, #tpu.memory_space<vmem>>, vector<16xf32>,
    %get3A_308 = arith.constant 560 : index
    %get3A_309 = tpu.vector_load %arg14[%get3A_308] {strides = array<i32>} : memref<640xf32, #tpu.memory_space<vmem>>, vector<16xf32>,
    %mul3A_310 = arith.mulf %get3A_307, %get3A_309 : vector<16xf32>
    %swap3A_311 = arith.constant 560 : index
    %swap3A_312 = tpu.vector_load %arg16[%swap3A_311] {strides = array<i32>} : memref<640xf32, #tpu.memory_space<vmem>>, vector<16xf32>,
    tpu.vector_store %arg16[%swap3A_311], %mul3A_310 {strides = array<i32>} : memref<640xf32, #tpu.memory_space<vmem>>, vector<16xf32>,
    %get3A_313 = arith.constant 576 : index
    %get3A_314 = tpu.vector_load %arg15[%get3A_313] {strides = array<i32>} : memref<640xf32, #tpu.memory_space<vmem>>, vector<16xf32>,
    %get3A_315 = arith.constant 576 : index
    %get3A_316 = tpu.vector_load %arg14[%get3A_315] {strides = array<i32>} : memref<640xf32, #tpu.memory_space<vmem>>, vector<16xf32>,
    %mul3A_317 = arith.mulf %get3A_314, %get3A_316 : vector<16xf32>
    %swap3A_318 = arith.constant 576 : index
    %swap3A_319 = tpu.vector_load %arg16[%swap3A_318] {strides = array<i32>} : memref<640xf32, #tpu.memory_space<vmem>>, vector<16xf32>,
    tpu.vector_store %arg16[%swap3A_318], %mul3A_317 {strides = array<i32>} : memref<640xf32, #tpu.memory_space<vmem>>, vector<16xf32>,
    %get3A_320 = arith.constant 592 : index
    %get3A_321 = tpu.vector_load %arg15[%get3A_320] {strides = array<i32>} : memref<640xf32, #tpu.memory_space<vmem>>, vector<16xf32>,
    %get3A_322 = arith.constant 592 : index
    %get3A_323 = tpu.vector_load %arg14[%get3A_322] {strides = array<i32>} : memref<640xf32, #tpu.memory_space<vmem>>, vector<16xf32>,
    %mul3A_324 = arith.mulf %get3A_321, %get3A_323 : vector<16xf32>
    %swap3A_325 = arith.constant 592 : index
    %swap3A_326 = tpu.vector_load %arg16[%swap3A_325] {strides = array<i32>} : memref<640xf32, #tpu.memory_space<vmem>>, vector<16xf32>,
    tpu.vector_store %arg16[%swap3A_325], %mul3A_324 {strides = array<i32>} : memref<640xf32, #tpu.memory_space<vmem>>, vector<16xf32>,
    %get3A_327 = arith.constant 608 : index
    %get3A_328 = tpu.vector_load %arg15[%get3A_327] {strides = array<i32>} : memref<640xf32, #tpu.memory_space<vmem>>, vector<16xf32>,
    %get3A_329 = arith.constant 608 : index
    %get3A_330 = tpu.vector_load %arg14[%get3A_329] {strides = array<i32>} : memref<640xf32, #tpu.memory_space<vmem>>, vector<16xf32>,
    %mul3A_331 = arith.mulf %get3A_328, %get3A_330 : vector<16xf32>
    %swap3A_332 = arith.constant 608 : index
    %swap3A_333 = tpu.vector_load %arg16[%swap3A_332] {strides = array<i32>} : memref<640xf32, #tpu.memory_space<vmem>>, vector<16xf32>,
    tpu.vector_store %arg16[%swap3A_332], %mul3A_331 {strides = array<i32>} : memref<640xf32, #tpu.memory_space<vmem>>, vector<16xf32>,
    %get3A_334 = arith.constant 624 : index
    %get3A_335 = tpu.vector_load %arg15[%get3A_334] {strides = array<i32>} : memref<640xf32, #tpu.memory_space<vmem>>, vector<16xf32>,
    %get3A_336 = arith.constant 624 : index
    %get3A_337 = tpu.vector_load %arg14[%get3A_336] {strides = array<i32>} : memref<640xf32, #tpu.memory_space<vmem>>, vector<16xf32>,
    %mul3A_338 = arith.mulf %get3A_335, %get3A_337 : vector<16xf32>
    %swap3A_339 = arith.constant 624 : index
    %swap3A_340 = tpu.vector_load %arg16[%swap3A_339] {strides = array<i32>} : memref<640xf32, #tpu.memory_space<vmem>>, vector<16xf32>,
    tpu.vector_store %arg16[%swap3A_339], %mul3A_338 {strides = array<i32>} : memref<640xf32, #tpu.memory_space<vmem>>, vector<16xf32>,
    %dma_start3A = arith.constant 0 : i32
    %dma_start3A_341 = arith.constant 0 : i32
    %dma_start3A_342 = tpu.memref_slice %arg16[%dma_start3A_341] : memref<640xf32, #tpu.memory_space<vmem>> -> memref<80xf32, #tpu.memory_space<vmem>>
    %dma_start3A_343 = arith.constant 0 : i32
    %dma_start3A_344 = tpu.memref_slice %arg12[%dma_start3A, %dma_start3A_343] : memref<8x80xi32, #tpu.memory_space<vmem>> -> memref<1x80xi32, #tpu.memory_space<vmem>>
    %dma_start3A_345 = tpu.memref_squeeze %dma_start3A_344 : memref<1x80xi32, #tpu.memory_space<vmem>> -> memref<80xi32, #tpu.memory_space<vmem>>
    %dma_start3A_346 = arith.constant 0 : i32
    %dma_start3A_347 = tpu.memref_slice %arg18[%dma_start3A_346] : memref<128xf32, #tpu.memory_space<vmem_shared>> -> memref<128xf32, #tpu.memory_space<vmem_shared>>
    tpu.enqueue_indirect_dma source(%dma_start3A_342 : memref<80xf32, #tpu.memory_space<vmem>>) target(%dma_start3A_347 : memref<128xf32, #tpu.memory_space<vmem_shared>>) offsets(%dma_start3A_345 : memref<80xi32, #tpu.memory_space<vmem>>) semaphore(%arg19 : memref<!tpu.dma_semaphore, #tpu.memory_space<semaphore_mem>>) {add = true}
    %dma_start3A_348 = arith.constant 1 : i32
    %dma_start3A_349 = arith.constant 80 : i32
    %dma_start3A_350 = tpu.memref_slice %arg16[%dma_start3A_349] : memref<640xf32, #tpu.memory_space<vmem>> -> memref<80xf32, #tpu.memory_space<vmem>>
    %dma_start3A_351 = arith.constant 0 : i32
    %dma_start3A_352 = tpu.memref_slice %arg12[%dma_start3A_348, %dma_start3A_351] : memref<8x80xi32, #tpu.memory_space<vmem>> -> memref<1x80xi32, #tpu.memory_space<vmem>>
    %dma_start3A_353 = tpu.memref_squeeze %dma_start3A_352 : memref<1x80xi32, #tpu.memory_space<vmem>> -> memref<80xi32, #tpu.memory_space<vmem>>
    %dma_start3A_354 = arith.constant 0 : i32
    %dma_start3A_355 = tpu.memref_slice %arg18[%dma_start3A_354] : memref<128xf32, #tpu.memory_space<vmem_shared>> -> memref<128xf32, #tpu.memory_space<vmem_shared>>
    tpu.enqueue_indirect_dma source(%dma_start3A_350 : memref<80xf32, #tpu.memory_space<vmem>>) target(%dma_start3A_355 : memref<128xf32, #tpu.memory_space<vmem_shared>>) offsets(%dma_start3A_353 : memref<80xi32, #tpu.memory_space<vmem>>) semaphore(%arg19 : memref<!tpu.dma_semaphore, #tpu.memory_space<semaphore_mem>>) {add = true}
    %dma_start3A_356 = arith.constant 2 : i32
    %dma_start3A_357 = arith.constant 160 : i32
    %dma_start3A_358 = tpu.memref_slice %arg16[%dma_start3A_357] : memref<640xf32, #tpu.memory_space<vmem>> -> memref<80xf32, #tpu.memory_space<vmem>>
    %dma_start3A_359 = arith.constant 0 : i32
    %dma_start3A_360 = tpu.memref_slice %arg12[%dma_start3A_356, %dma_start3A_359] : memref<8x80xi32, #tpu.memory_space<vmem>> -> memref<1x80xi32, #tpu.memory_space<vmem>>
    %dma_start3A_361 = tpu.memref_squeeze %dma_start3A_360 : memref<1x80xi32, #tpu.memory_space<vmem>> -> memref<80xi32, #tpu.memory_space<vmem>>
    %dma_start3A_362 = arith.constant 0 : i32
    %dma_start3A_363 = tpu.memref_slice %arg18[%dma_start3A_362] : memref<128xf32, #tpu.memory_space<vmem_shared>> -> memref<128xf32, #tpu.memory_space<vmem_shared>>
    tpu.enqueue_indirect_dma source(%dma_start3A_358 : memref<80xf32, #tpu.memory_space<vmem>>) target(%dma_start3A_363 : memref<128xf32, #tpu.memory_space<vmem_shared>>) offsets(%dma_start3A_361 : memref<80xi32, #tpu.memory_space<vmem>>) semaphore(%arg19 : memref<!tpu.dma_semaphore, #tpu.memory_space<semaphore_mem>>) {add = true}
    %dma_start3A_364 = arith.constant 3 : i32
    %dma_start3A_365 = arith.constant 240 : i32
    %dma_start3A_366 = tpu.memref_slice %arg16[%dma_start3A_365] : memref<640xf32, #tpu.memory_space<vmem>> -> memref<80xf32, #tpu.memory_space<vmem>>
    %dma_start3A_367 = arith.constant 0 : i32
    %dma_start3A_368 = tpu.memref_slice %arg12[%dma_start3A_364, %dma_start3A_367] : memref<8x80xi32, #tpu.memory_space<vmem>> -> memref<1x80xi32, #tpu.memory_space<vmem>>
    %dma_start3A_369 = tpu.memref_squeeze %dma_start3A_368 : memref<1x80xi32, #tpu.memory_space<vmem>> -> memref<80xi32, #tpu.memory_space<vmem>>
    %dma_start3A_370 = arith.constant 0 : i32
    %dma_start3A_371 = tpu.memref_slice %arg18[%dma_start3A_370] : memref<128xf32, #tpu.memory_space<vmem_shared>> -> memref<128xf32, #tpu.memory_space<vmem_shared>>
    tpu.enqueue_indirect_dma source(%dma_start3A_366 : memref<80xf32, #tpu.memory_space<vmem>>) target(%dma_start3A_371 : memref<128xf32, #tpu.memory_space<vmem_shared>>) offsets(%dma_start3A_369 : memref<80xi32, #tpu.memory_space<vmem>>) semaphore(%arg19 : memref<!tpu.dma_semaphore, #tpu.memory_space<semaphore_mem>>) {add = true}
    %dma_start3A_372 = arith.constant 4 : i32
    %dma_start3A_373 = arith.constant 320 : i32
    %dma_start3A_374 = tpu.memref_slice %arg16[%dma_start3A_373] : memref<640xf32, #tpu.memory_space<vmem>> -> memref<80xf32, #tpu.memory_space<vmem>>
    %dma_start3A_375 = arith.constant 0 : i32
    %dma_start3A_376 = tpu.memref_slice %arg12[%dma_start3A_372, %dma_start3A_375] : memref<8x80xi32, #tpu.memory_space<vmem>> -> memref<1x80xi32, #tpu.memory_space<vmem>>
    %dma_start3A_377 = tpu.memref_squeeze %dma_start3A_376 : memref<1x80xi32, #tpu.memory_space<vmem>> -> memref<80xi32, #tpu.memory_space<vmem>>
    %dma_start3A_378 = arith.constant 0 : i32
    %dma_start3A_379 = tpu.memref_slice %arg18[%dma_start3A_378] : memref<128xf32, #tpu.memory_space<vmem_shared>> -> memref<128xf32, #tpu.memory_space<vmem_shared>>
    tpu.enqueue_indirect_dma source(%dma_start3A_374 : memref<80xf32, #tpu.memory_space<vmem>>) target(%dma_start3A_379 : memref<128xf32, #tpu.memory_space<vmem_shared>>) offsets(%dma_start3A_377 : memref<80xi32, #tpu.memory_space<vmem>>) semaphore(%arg19 : memref<!tpu.dma_semaphore, #tpu.memory_space<semaphore_mem>>) {add = true}
    %dma_start3A_380 = arith.constant 5 : i32
    %dma_start3A_381 = arith.constant 400 : i32
    %dma_start3A_382 = tpu.memref_slice %arg16[%dma_start3A_381] : memref<640xf32, #tpu.memory_space<vmem>> -> memref<80xf32, #tpu.memory_space<vmem>>
    %dma_start3A_383 = arith.constant 0 : i32
    %dma_start3A_384 = tpu.memref_slice %arg12[%dma_start3A_380, %dma_start3A_383] : memref<8x80xi32, #tpu.memory_space<vmem>> -> memref<1x80xi32, #tpu.memory_space<vmem>>
    %dma_start3A_385 = tpu.memref_squeeze %dma_start3A_384 : memref<1x80xi32, #tpu.memory_space<vmem>> -> memref<80xi32, #tpu.memory_space<vmem>>
    %dma_start3A_386 = arith.constant 0 : i32
    %dma_start3A_387 = tpu.memref_slice %arg18[%dma_start3A_386] : memref<128xf32, #tpu.memory_space<vmem_shared>> -> memref<128xf32, #tpu.memory_space<vmem_shared>>
    tpu.enqueue_indirect_dma source(%dma_start3A_382 : memref<80xf32, #tpu.memory_space<vmem>>) target(%dma_start3A_387 : memref<128xf32, #tpu.memory_space<vmem_shared>>) offsets(%dma_start3A_385 : memref<80xi32, #tpu.memory_space<vmem>>) semaphore(%arg19 : memref<!tpu.dma_semaphore, #tpu.memory_space<semaphore_mem>>) {add = true}
    %dma_start3A_388 = arith.constant 6 : i32
    %dma_start3A_389 = arith.constant 480 : i32
    %dma_start3A_390 = tpu.memref_slice %arg16[%dma_start3A_389] : memref<640xf32, #tpu.memory_space<vmem>> -> memref<80xf32, #tpu.memory_space<vmem>>
    %dma_start3A_391 = arith.constant 0 : i32
    %dma_start3A_392 = tpu.memref_slice %arg12[%dma_start3A_388, %dma_start3A_391] : memref<8x80xi32, #tpu.memory_space<vmem>> -> memref<1x80xi32, #tpu.memory_space<vmem>>
    %dma_start3A_393 = tpu.memref_squeeze %dma_start3A_392 : memref<1x80xi32, #tpu.memory_space<vmem>> -> memref<80xi32, #tpu.memory_space<vmem>>
    %dma_start3A_394 = arith.constant 0 : i32
    %dma_start3A_395 = tpu.memref_slice %arg18[%dma_start3A_394] : memref<128xf32, #tpu.memory_space<vmem_shared>> -> memref<128xf32, #tpu.memory_space<vmem_shared>>
    tpu.enqueue_indirect_dma source(%dma_start3A_390 : memref<80xf32, #tpu.memory_space<vmem>>) target(%dma_start3A_395 : memref<128xf32, #tpu.memory_space<vmem_shared>>) offsets(%dma_start3A_393 : memref<80xi32, #tpu.memory_space<vmem>>) semaphore(%arg19 : memref<!tpu.dma_semaphore, #tpu.memory_space<semaphore_mem>>) {add = true}
    %dma_start3A_396 = arith.constant 7 : i32
    %dma_start3A_397 = arith.constant 560 : i32
    %dma_start3A_398 = tpu.memref_slice %arg16[%dma_start3A_397] : memref<640xf32, #tpu.memory_space<vmem>> -> memref<80xf32, #tpu.memory_space<vmem>>
    %dma_start3A_399 = arith.constant 0 : i32
    %dma_start3A_400 = tpu.memref_slice %arg12[%dma_start3A_396, %dma_start3A_399] : memref<8x80xi32, #tpu.memory_space<vmem>> -> memref<1x80xi32, #tpu.memory_space<vmem>>
    %dma_start3A_401 = tpu.memref_squeeze %dma_start3A_400 : memref<1x80xi32, #tpu.memory_space<vmem>> -> memref<80xi32, #tpu.memory_space<vmem>>
    %dma_start3A_402 = arith.constant 0 : i32
    %dma_start3A_403 = tpu.memref_slice %arg18[%dma_start3A_402] : memref<128xf32, #tpu.memory_space<vmem_shared>> -> memref<128xf32, #tpu.memory_space<vmem_shared>>
    tpu.enqueue_indirect_dma source(%dma_start3A_398 : memref<80xf32, #tpu.memory_space<vmem>>) target(%dma_start3A_403 : memref<128xf32, #tpu.memory_space<vmem_shared>>) offsets(%dma_start3A_401 : memref<80xi32, #tpu.memory_space<vmem>>) semaphore(%arg19 : memref<!tpu.dma_semaphore, #tpu.memory_space<semaphore_mem>>) {add = true}
    %dma_wait3A_404 = arith.constant 0 : i32
    %dma_wait3A_405 = arith.constant 0 : i32
    %dma_wait3A_406 = tpu.memref_slice %arg16[%dma_wait3A_405] : memref<640xf32, #tpu.memory_space<vmem>> -> memref<80xf32, #tpu.memory_space<vmem>>
    %dma_wait3A_407 = arith.constant 0 : i32
    %dma_wait3A_408 = tpu.memref_slice %arg12[%dma_wait3A_404, %dma_wait3A_407] : memref<8x80xi32, #tpu.memory_space<vmem>> -> memref<1x80xi32, #tpu.memory_space<vmem>>
    %dma_wait3A_409 = tpu.memref_squeeze %dma_wait3A_408 : memref<1x80xi32, #tpu.memory_space<vmem>> -> memref<80xi32, #tpu.memory_space<vmem>>
    %dma_wait3A_410 = arith.constant 0 : i32
    %dma_wait3A_411 = tpu.memref_slice %arg18[%dma_wait3A_410] : memref<128xf32, #tpu.memory_space<vmem_shared>> -> memref<128xf32, #tpu.memory_space<vmem_shared>>
    tpu.wait_indirect_dma semaphore(%arg19 : memref<!tpu.dma_semaphore, #tpu.memory_space<semaphore_mem>>) src(%dma_wait3A_406 : memref<80xf32, #tpu.memory_space<vmem>>) dst(%dma_wait3A_411 : memref<128xf32, #tpu.memory_space<vmem_shared>>)
    %dma_wait3A_412 = arith.constant 0 : i32
    %dma_wait3A_413 = arith.constant 0 : i32
    %dma_wait3A_414 = tpu.memref_slice %arg16[%dma_wait3A_413] : memref<640xf32, #tpu.memory_space<vmem>> -> memref<80xf32, #tpu.memory_space<vmem>>
    %dma_wait3A_415 = arith.constant 0 : i32
    %dma_wait3A_416 = tpu.memref_slice %arg12[%dma_wait3A_412, %dma_wait3A_415] : memref<8x80xi32, #tpu.memory_space<vmem>> -> memref<1x80xi32, #tpu.memory_space<vmem>>
    %dma_wait3A_417 = tpu.memref_squeeze %dma_wait3A_416 : memref<1x80xi32, #tpu.memory_space<vmem>> -> memref<80xi32, #tpu.memory_space<vmem>>
    %dma_wait3A_418 = arith.constant 0 : i32
    %dma_wait3A_419 = tpu.memref_slice %arg18[%dma_wait3A_418] : memref<128xf32, #tpu.memory_space<vmem_shared>> -> memref<128xf32, #tpu.memory_space<vmem_shared>>
    tpu.wait_indirect_dma semaphore(%arg19 : memref<!tpu.dma_semaphore, #tpu.memory_space<semaphore_mem>>) src(%dma_wait3A_414 : memref<80xf32, #tpu.memory_space<vmem>>) dst(%dma_wait3A_419 : memref<128xf32, #tpu.memory_space<vmem_shared>>)
    %dma_wait3A_420 = arith.constant 0 : i32
    %dma_wait3A_421 = arith.constant 0 : i32
    %dma_wait3A_422 = tpu.memref_slice %arg16[%dma_wait3A_421] : memref<640xf32, #tpu.memory_space<vmem>> -> memref<80xf32, #tpu.memory_space<vmem>>
    %dma_wait3A_423 = arith.constant 0 : i32
    %dma_wait3A_424 = tpu.memref_slice %arg12[%dma_wait3A_420, %dma_wait3A_423] : memref<8x80xi32, #tpu.memory_space<vmem>> -> memref<1x80xi32, #tpu.memory_space<vmem>>
    %dma_wait3A_425 = tpu.memref_squeeze %dma_wait3A_424 : memref<1x80xi32, #tpu.memory_space<vmem>> -> memref<80xi32, #tpu.memory_space<vmem>>
    %dma_wait3A_426 = arith.constant 0 : i32
    %dma_wait3A_427 = tpu.memref_slice %arg18[%dma_wait3A_426] : memref<128xf32, #tpu.memory_space<vmem_shared>> -> memref<128xf32, #tpu.memory_space<vmem_shared>>
    tpu.wait_indirect_dma semaphore(%arg19 : memref<!tpu.dma_semaphore, #tpu.memory_space<semaphore_mem>>) src(%dma_wait3A_422 : memref<80xf32, #tpu.memory_space<vmem>>) dst(%dma_wait3A_427 : memref<128xf32, #tpu.memory_space<vmem_shared>>)
    %dma_wait3A_428 = arith.constant 0 : i32
    %dma_wait3A_429 = arith.constant 0 : i32
    %dma_wait3A_430 = tpu.memref_slice %arg16[%dma_wait3A_429] : memref<640xf32, #tpu.memory_space<vmem>> -> memref<80xf32, #tpu.memory_space<vmem>>
    %dma_wait3A_431 = arith.constant 0 : i32
    %dma_wait3A_432 = tpu.memref_slice %arg12[%dma_wait3A_428, %dma_wait3A_431] : memref<8x80xi32, #tpu.memory_space<vmem>> -> memref<1x80xi32, #tpu.memory_space<vmem>>
    %dma_wait3A_433 = tpu.memref_squeeze %dma_wait3A_432 : memref<1x80xi32, #tpu.memory_space<vmem>> -> memref<80xi32, #tpu.memory_space<vmem>>
    %dma_wait3A_434 = arith.constant 0 : i32
    %dma_wait3A_435 = tpu.memref_slice %arg18[%dma_wait3A_434] : memref<128xf32, #tpu.memory_space<vmem_shared>> -> memref<128xf32, #tpu.memory_space<vmem_shared>>
    tpu.wait_indirect_dma semaphore(%arg19 : memref<!tpu.dma_semaphore, #tpu.memory_space<semaphore_mem>>) src(%dma_wait3A_430 : memref<80xf32, #tpu.memory_space<vmem>>) dst(%dma_wait3A_435 : memref<128xf32, #tpu.memory_space<vmem_shared>>)
    %dma_wait3A_436 = arith.constant 0 : i32
    %dma_wait3A_437 = arith.constant 0 : i32
    %dma_wait3A_438 = tpu.memref_slice %arg16[%dma_wait3A_437] : memref<640xf32, #tpu.memory_space<vmem>> -> memref<80xf32, #tpu.memory_space<vmem>>
    %dma_wait3A_439 = arith.constant 0 : i32
    %dma_wait3A_440 = tpu.memref_slice %arg12[%dma_wait3A_436, %dma_wait3A_439] : memref<8x80xi32, #tpu.memory_space<vmem>> -> memref<1x80xi32, #tpu.memory_space<vmem>>
    %dma_wait3A_441 = tpu.memref_squeeze %dma_wait3A_440 : memref<1x80xi32, #tpu.memory_space<vmem>> -> memref<80xi32, #tpu.memory_space<vmem>>
    %dma_wait3A_442 = arith.constant 0 : i32
    %dma_wait3A_443 = tpu.memref_slice %arg18[%dma_wait3A_442] : memref<128xf32, #tpu.memory_space<vmem_shared>> -> memref<128xf32, #tpu.memory_space<vmem_shared>>
    tpu.wait_indirect_dma semaphore(%arg19 : memref<!tpu.dma_semaphore, #tpu.memory_space<semaphore_mem>>) src(%dma_wait3A_438 : memref<80xf32, #tpu.memory_space<vmem>>) dst(%dma_wait3A_443 : memref<128xf32, #tpu.memory_space<vmem_shared>>)
    %dma_wait3A_444 = arith.constant 0 : i32
    %dma_wait3A_445 = arith.constant 0 : i32
    %dma_wait3A_446 = tpu.memref_slice %arg16[%dma_wait3A_445] : memref<640xf32, #tpu.memory_space<vmem>> -> memref<80xf32, #tpu.memory_space<vmem>>
    %dma_wait3A_447 = arith.constant 0 : i32
    %dma_wait3A_448 = tpu.memref_slice %arg12[%dma_wait3A_444, %dma_wait3A_447] : memref<8x80xi32, #tpu.memory_space<vmem>> -> memref<1x80xi32, #tpu.memory_space<vmem>>
    %dma_wait3A_449 = tpu.memref_squeeze %dma_wait3A_448 : memref<1x80xi32, #tpu.memory_space<vmem>> -> memref<80xi32, #tpu.memory_space<vmem>>
    %dma_wait3A_450 = arith.constant 0 : i32
    %dma_wait3A_451 = tpu.memref_slice %arg18[%dma_wait3A_450] : memref<128xf32, #tpu.memory_space<vmem_shared>> -> memref<128xf32, #tpu.memory_space<vmem_shared>>
    tpu.wait_indirect_dma semaphore(%arg19 : memref<!tpu.dma_semaphore, #tpu.memory_space<semaphore_mem>>) src(%dma_wait3A_446 : memref<80xf32, #tpu.memory_space<vmem>>) dst(%dma_wait3A_451 : memref<128xf32, #tpu.memory_space<vmem_shared>>)
    %dma_wait3A_452 = arith.constant 0 : i32
    %dma_wait3A_453 = arith.constant 0 : i32
    %dma_wait3A_454 = tpu.memref_slice %arg16[%dma_wait3A_453] : memref<640xf32, #tpu.memory_space<vmem>> -> memref<80xf32, #tpu.memory_space<vmem>>
    %dma_wait3A_455 = arith.constant 0 : i32
    %dma_wait3A_456 = tpu.memref_slice %arg12[%dma_wait3A_452, %dma_wait3A_455] : memref<8x80xi32, #tpu.memory_space<vmem>> -> memref<1x80xi32, #tpu.memory_space<vmem>>
    %dma_wait3A_457 = tpu.memref_squeeze %dma_wait3A_456 : memref<1x80xi32, #tpu.memory_space<vmem>> -> memref<80xi32, #tpu.memory_space<vmem>>
    %dma_wait3A_458 = arith.constant 0 : i32
    %dma_wait3A_459 = tpu.memref_slice %arg18[%dma_wait3A_458] : memref<128xf32, #tpu.memory_space<vmem_shared>> -> memref<128xf32, #tpu.memory_space<vmem_shared>>
    tpu.wait_indirect_dma semaphore(%arg19 : memref<!tpu.dma_semaphore, #tpu.memory_space<semaphore_mem>>) src(%dma_wait3A_454 : memref<80xf32, #tpu.memory_space<vmem>>) dst(%dma_wait3A_459 : memref<128xf32, #tpu.memory_space<vmem_shared>>)
    %dma_wait3A_460 = arith.constant 0 : i32
    %dma_wait3A_461 = arith.constant 0 : i32
    %dma_wait3A_462 = tpu.memref_slice %arg16[%dma_wait3A_461] : memref<640xf32, #tpu.memory_space<vmem>> -> memref<80xf32, #tpu.memory_space<vmem>>
    %dma_wait3A_463 = arith.constant 0 : i32
    %dma_wait3A_464 = tpu.memref_slice %arg12[%dma_wait3A_460, %dma_wait3A_463] : memref<8x80xi32, #tpu.memory_space<vmem>> -> memref<1x80xi32, #tpu.memory_space<vmem>>
    %dma_wait3A_465 = tpu.memref_squeeze %dma_wait3A_464 : memref<1x80xi32, #tpu.memory_space<vmem>> -> memref<80xi32, #tpu.memory_space<vmem>>
    %dma_wait3A_466 = arith.constant 0 : i32
    %dma_wait3A_467 = tpu.memref_slice %arg18[%dma_wait3A_466] : memref<128xf32, #tpu.memory_space<vmem_shared>> -> memref<128xf32, #tpu.memory_space<vmem_shared>>
    tpu.wait_indirect_dma semaphore(%arg19 : memref<!tpu.dma_semaphore, #tpu.memory_space<semaphore_mem>>) src(%dma_wait3A_462 : memref<80xf32, #tpu.memory_space<vmem>>) dst(%dma_wait3A_467 : memref<128xf32, #tpu.memory_space<vmem_shared>>)
    %barrier3A_468 = arith.constant 0 : index
    tpu.barrier barrier_id(%barrier3A_468)
    %eq3A_469 = arith.constant 0 : i32
    %eq3A_470 = arith.cmpi eq, %arg1, %eq3A_469 : i32
    %convert_element_type3A_471 = arith.extui %eq3A_470 : i1 to i32
    %cond3A_472 = arith.constant 0 : i32
    %cond3A_473 = arith.cmpi ne, %convert_element_type3A_471, %cond3A_472 : i32
    scf.if %cond3A_473 {
      "tpu.region"() ({
        %run_scoped3A = tpu.sem_alloc : memref<!tpu.dma_semaphore, #tpu.memory_space<semaphore_mem>>
        %dma_start3A_474 = arith.constant 0 : i32
        %dma_start3A_475 = tpu.memref_slice %arg8[%arg0, %dma_start3A_474] : memref<2x128xf32, #tpu.memory_space<hbm>> -> memref<1x128xf32, #tpu.memory_space<hbm>>
        %dma_start3A_476 = tpu.memref_squeeze %dma_start3A_475 : memref<1x128xf32, #tpu.memory_space<hbm>> -> memref<128xf32, #tpu.memory_space<hbm>>
        tpu.enqueue_dma source(%arg18 : memref<128xf32, #tpu.memory_space<vmem_shared>>) target(%dma_start3A_476 : memref<128xf32, #tpu.memory_space<hbm>>) target_semaphore(%run_scoped3A : memref<!tpu.dma_semaphore, #tpu.memory_space<semaphore_mem>>)
        %dma_wait3A_477 = arith.constant 0 : i32
        %dma_wait3A_478 = tpu.memref_slice %arg8[%arg0, %dma_wait3A_477] : memref<2x128xf32, #tpu.memory_space<hbm>> -> memref<1x128xf32, #tpu.memory_space<hbm>>
        %dma_wait3A_479 = tpu.memref_squeeze %dma_wait3A_478 : memref<1x128xf32, #tpu.memory_space<hbm>> -> memref<128xf32, #tpu.memory_space<hbm>>
        tpu.wait_dma2 semaphore(%run_scoped3A : memref<!tpu.dma_semaphore, #tpu.memory_space<semaphore_mem>>) src(%arg18 : memref<128xf32, #tpu.memory_space<vmem_shared>>) dst(%dma_wait3A_479 : memref<128xf32, #tpu.memory_space<hbm>>)
        tpu.yield
      }) : () -> ()
    } else {
    }
    return
  }
}

module attributes {stable_mosaic.version = 14 : i64} {
  func.func @_scale_body(%arg0: i32, %arg1: memref<2000x2xf32, #tpu.memory_space<vmem>>, %arg2: memref<2000x128xf32, #tpu.memory_space<vmem>>, %arg3: memref<128x128xf32, #tpu.memory_space<vmem>>, %arg4: memref<2000x1xf32, #tpu.memory_space<vmem>>, %arg5: memref<2000x64xf32, #tpu.memory_space<vmem>>, %arg6: memref<2000x64xf32, #tpu.memory_space<vmem>>) attributes {dimension_semantics = [#tpu.dimension_semantics<arbitrary>], iteration_bounds = array<i64: 5>, scalar_prefetch = 0 : i64, scratch_operands = 0 : i64, tpu.core_type = #tpu.core_type<tc>, window_params = [{transform_indices = @transform_0, window_bounds = array<i64: 2000, 2>}, {transform_indices = @transform_1, window_bounds = array<i64: 2000, 128>}, {pipeline_mode = #tpu.pipeline_mode<synchronous>, transform_indices = @transform_2, window_bounds = array<i64: 128, 128>}, {transform_indices = @transform_3, window_bounds = array<i64: 2000, 1>}, {transform_indices = @transform_4, window_bounds = array<i64: 2000, 64>}, {transform_indices = @transform_5, window_bounds = array<i64: 2000, 64>}]} {
    %get3A = arith.constant 0 : index
    %get3A_0 = arith.constant 0 : index
    %get3A_1 = vector.load %arg1[%get3A, %get3A_0] : memref<2000x2xf32, #tpu.memory_space<vmem>>, vector<2000x1xf32>
    %get3A_2 = arith.constant 0 : index
    %get3A_3 = arith.constant 1 : index
    %get3A_4 = vector.load %arg1[%get3A_2, %get3A_3] : memref<2000x2xf32, #tpu.memory_space<vmem>>, vector<2000x1xf32>
    %add3A = arith.addf %get3A_1, %get3A_4 : vector<2000x1xf32>
    %add3A_5 = arith.constant 1.000000e+00 : f32
    %add3A_6 = vector.broadcast %add3A_5 : f32 to vector<2000x1xf32>
    %add3A_7 = arith.addf %add3A, %add3A_6 : vector<2000x1xf32>
    %sqrt3A = math.sqrt %add3A_7 : vector<2000x1xf32>
    %div3A = arith.constant 1.000000e+00 : f32
    %div3A_8 = vector.broadcast %div3A : f32 to vector<2000x1xf32>
    %div3A_9 = arith.divf %div3A_8, %sqrt3A : vector<2000x1xf32>
    %swap3A = arith.constant 0 : index
    %swap3A_10 = arith.constant 0 : index
    %swap3A_11 = vector.load %arg4[%swap3A, %swap3A_10] : memref<2000x1xf32, #tpu.memory_space<vmem>>, vector<2000x1xf32>
    tpu.vector_store %arg4[%swap3A, %swap3A_10], %div3A_9 {strides = array<i32>} : memref<2000x1xf32, #tpu.memory_space<vmem>>, vector<2000x1xf32>,
    %get3A_12 = arith.constant 0 : index
    %get3A_13 = arith.constant 0 : index
    %get3A_14 = vector.load %arg2[%get3A_12, %get3A_13] : memref<2000x128xf32, #tpu.memory_space<vmem>>, vector<2000x128xf32>
    %convert_element_type3A = arith.truncf %get3A_14 : vector<2000x128xf32> to vector<2000x128xbf16>
    %get3A_15 = arith.constant 0 : index
    %get3A_16 = arith.constant 0 : index
    %get3A_17 = vector.load %arg3[%get3A_15, %get3A_16] : memref<128x128xf32, #tpu.memory_space<vmem>>, vector<128x128xf32>
    %convert_element_type3A_18 = arith.truncf %get3A_17 : vector<128x128xf32> to vector<128x128xbf16>
    %dot_general3A = arith.constant dense<0.000000e+00> : vector<2000x128xf32>
    %dot_general3A_19 = tpu.matmul %convert_element_type3A, %convert_element_type3A_18, %dot_general3A {dimension_numbers = #tpu.dot_dimension_numbers<[1], [0], [0], [1], [0, 0, 1, 1], [], []>, transpose_lhs_hint = false} : vector<2000x128xbf16>, vector<128x128xbf16>, vector<2000x128xf32> -> vector<2000x128xf32>
    %slice3A = vector.extract_strided_slice %dot_general3A_19 {offsets = [0, 0], sizes = [2000, 64], strides = [1, 1]} : vector<2000x128xf32> to vector<2000x64xf32>
    %mul3A = vector.broadcast %div3A_9 : vector<2000x1xf32> to vector<2000x64xf32>
    %mul3A_20 = arith.mulf %slice3A, %mul3A : vector<2000x64xf32>
    %swap3A_21 = arith.constant 0 : index
    %swap3A_22 = arith.constant 0 : index
    %swap3A_23 = vector.load %arg5[%swap3A_21, %swap3A_22] : memref<2000x64xf32, #tpu.memory_space<vmem>>, vector<2000x64xf32>
    tpu.vector_store %arg5[%swap3A_21, %swap3A_22], %mul3A_20 {strides = array<i32>} : memref<2000x64xf32, #tpu.memory_space<vmem>>, vector<2000x64xf32>,
    %slice3A_24 = vector.extract_strided_slice %dot_general3A_19 {offsets = [0, 64], sizes = [2000, 64], strides = [1, 1]} : vector<2000x128xf32> to vector<2000x64xf32>
    %mul3A_25 = vector.broadcast %div3A_9 : vector<2000x1xf32> to vector<2000x64xf32>
    %mul3A_26 = arith.mulf %slice3A_24, %mul3A_25 : vector<2000x64xf32>
    %swap3A_27 = arith.constant 0 : index
    %swap3A_28 = arith.constant 0 : index
    %swap3A_29 = vector.load %arg6[%swap3A_27, %swap3A_28] : memref<2000x64xf32, #tpu.memory_space<vmem>>, vector<2000x64xf32>
    tpu.vector_store %arg6[%swap3A_27, %swap3A_28], %mul3A_26 {strides = array<i32>} : memref<2000x64xf32, #tpu.memory_space<vmem>>, vector<2000x64xf32>,
    return
  }
  func.func @transform_0(%arg0: i32) -> (i32, i32) {
    %c0_i32 = arith.constant 0 : i32
    %c0_i32_0 = arith.constant 0 : i32
    return %arg0, %c0_i32 : i32, i32
  }
  func.func @transform_1(%arg0: i32) -> (i32, i32) {
    %c0_i32 = arith.constant 0 : i32
    %c0_i32_0 = arith.constant 0 : i32
    return %arg0, %c0_i32 : i32, i32
  }
  func.func @transform_2(%arg0: i32) -> (i32, i32) {
    %c0_i32 = arith.constant 0 : i32
    %c0_i32_0 = arith.constant 0 : i32
    %c0_i32_1 = arith.constant 0 : i32
    return %c0_i32, %c0_i32_0 : i32, i32
  }
  func.func @transform_3(%arg0: i32) -> (i32, i32) {
    %c0_i32 = arith.constant 0 : i32
    %c0_i32_0 = arith.constant 0 : i32
    return %arg0, %c0_i32 : i32, i32
  }
  func.func @transform_4(%arg0: i32) -> (i32, i32) {
    %c0_i32 = arith.constant 0 : i32
    %c0_i32_0 = arith.constant 0 : i32
    return %arg0, %c0_i32 : i32, i32
  }
  func.func @transform_5(%arg0: i32) -> (i32, i32) {
    %c0_i32 = arith.constant 0 : i32
    %c0_i32_0 = arith.constant 0 : i32
    return %arg0, %c0_i32 : i32, i32
  }
}

module attributes {stable_mosaic.version = 14 : i64} {
  func.func @_mlp_body(%arg0: i32, %arg1: memref<2x2000x64xf32, #tpu.memory_space<vmem>>, %arg2: memref<2000x64xf32, #tpu.memory_space<vmem>>, %arg3: memref<2000x64xf32, #tpu.memory_space<vmem>>, %arg4: memref<2000x1xf32, #tpu.memory_space<vmem>>, %arg5: memref<1x128xf32, #tpu.memory_space<vmem>>, %arg6: memref<128x128xf32, #tpu.memory_space<vmem>>, %arg7: memref<128x1xf32, #tpu.memory_space<vmem>>, %arg8: memref<1x128xf32, #tpu.memory_space<vmem>>, %arg9: memref<1x1xf32, #tpu.memory_space<vmem>>, %arg10: memref<2000x1xf32, #tpu.memory_space<vmem>>, %arg11: memref<1x1xf32, #tpu.memory_space<vmem>>) attributes {dimension_semantics = [#tpu.dimension_semantics<arbitrary>], iteration_bounds = array<i64: 5>, scalar_prefetch = 0 : i64, scratch_operands = 0 : i64, tpu.core_type = #tpu.core_type<tc>, window_params = [{transform_indices = @transform_0, window_bounds = array<i64: 2, 2000, 64>}, {transform_indices = @transform_1, window_bounds = array<i64: 2000, 64>}, {transform_indices = @transform_2, window_bounds = array<i64: 2000, 64>}, {transform_indices = @transform_3, window_bounds = array<i64: 2000, 1>}, {pipeline_mode = #tpu.pipeline_mode<synchronous>, transform_indices = @transform_4, window_bounds = array<i64: 1, 128>}, {pipeline_mode = #tpu.pipeline_mode<synchronous>, transform_indices = @transform_5, window_bounds = array<i64: 128, 128>}, {pipeline_mode = #tpu.pipeline_mode<synchronous>, transform_indices = @transform_6, window_bounds = array<i64: 128, 1>}, {pipeline_mode = #tpu.pipeline_mode<synchronous>, transform_indices = @transform_7, window_bounds = array<i64: 1, 128>}, {pipeline_mode = #tpu.pipeline_mode<synchronous>, transform_indices = @transform_8, window_bounds = array<i64: 1, 1>}, {transform_indices = @transform_9, window_bounds = array<i64: 2000, 1>}, {pipeline_mode = #tpu.pipeline_mode<synchronous>, transform_indices = @transform_10, window_bounds = array<i64: 1, 1>}]} {
    %get3A = arith.constant 0 : index
    %get3A_0 = arith.constant 0 : index
    %get3A_1 = vector.load %arg4[%get3A, %get3A_0] : memref<2000x1xf32, #tpu.memory_space<vmem>>, vector<2000x1xf32>
    %get3A_2 = arith.constant 0 : index
    %get3A_3 = arith.constant 0 : index
    %get3A_4 = arith.constant 0 : index
    %get3A_5 = vector.load %arg1[%get3A_2, %get3A_3, %get3A_4] : memref<2x2000x64xf32, #tpu.memory_space<vmem>>, vector<1x2000x64xf32>
    %get3A_6 = vector.shape_cast %get3A_5 : vector<1x2000x64xf32> to vector<2000x64xf32>
    %get3A_7 = arith.constant 0 : index
    %get3A_8 = arith.constant 0 : index
    %get3A_9 = vector.load %arg2[%get3A_7, %get3A_8] : memref<2000x64xf32, #tpu.memory_space<vmem>>, vector<2000x64xf32>
    %add3A = arith.addf %get3A_6, %get3A_9 : vector<2000x64xf32>
    %get3A_10 = arith.constant 1 : index
    %get3A_11 = arith.constant 0 : index
    %get3A_12 = arith.constant 0 : index
    %get3A_13 = vector.load %arg1[%get3A_10, %get3A_11, %get3A_12] : memref<2x2000x64xf32, #tpu.memory_space<vmem>>, vector<1x2000x64xf32>
    %get3A_14 = vector.shape_cast %get3A_13 : vector<1x2000x64xf32> to vector<2000x64xf32>
    %get3A_15 = arith.constant 0 : index
    %get3A_16 = arith.constant 0 : index
    %get3A_17 = vector.load %arg3[%get3A_15, %get3A_16] : memref<2000x64xf32, #tpu.memory_space<vmem>>, vector<2000x64xf32>
    %add3A_18 = arith.addf %get3A_14, %get3A_17 : vector<2000x64xf32>
    %concatenate3A = tpu.concatenate %add3A, %add3A_18 in 1 : vector<2000x64xf32>, vector<2000x64xf32> -> vector<2000x128xf32>
    %mul3A = vector.broadcast %get3A_1 : vector<2000x1xf32> to vector<2000x128xf32>
    %mul3A_19 = arith.mulf %mul3A, %concatenate3A : vector<2000x128xf32>
    %get3A_20 = arith.constant 0 : index
    %get3A_21 = arith.constant 0 : index
    %get3A_22 = vector.load %arg5[%get3A_20, %get3A_21] : memref<1x128xf32, #tpu.memory_space<vmem>>, vector<1x128xf32>
    %add3A_23 = vector.broadcast %get3A_22 : vector<1x128xf32> to vector<2000x128xf32>
    %add3A_24 = arith.addf %mul3A_19, %add3A_23 : vector<2000x128xf32>
    %max3A = arith.constant 0.000000e+00 : f32
    %max3A_25 = vector.broadcast %max3A : f32 to vector<2000x128xf32>
    %max3A_26 = arith.maximumf %add3A_24, %max3A_25 : vector<2000x128xf32>
    %get3A_27 = arith.constant 0 : index
    %get3A_28 = arith.constant 0 : index
    %get3A_29 = vector.load %arg6[%get3A_27, %get3A_28] : memref<128x128xf32, #tpu.memory_space<vmem>>, vector<128x128xf32>
    %dot_general3A = arith.constant dense<0.000000e+00> : vector<2000x128xf32>
    %dot_general3A_30 = tpu.matmul %max3A_26, %get3A_29, %dot_general3A {dimension_numbers = #tpu.dot_dimension_numbers<[1], [0], [0], [1], [0, 0, 1, 1], [], []>, transpose_lhs_hint = false} : vector<2000x128xf32>, vector<128x128xf32>, vector<2000x128xf32> -> vector<2000x128xf32>
    %get3A_31 = arith.constant 0 : index
    %get3A_32 = arith.constant 0 : index
    %get3A_33 = vector.load %arg7[%get3A_31, %get3A_32] : memref<128x1xf32, #tpu.memory_space<vmem>>, vector<128x1xf32>
    %dot_general3A_34 = arith.constant dense<0.000000e+00> : vector<2000x1xf32>
    %dot_general3A_35 = tpu.matmul %dot_general3A_30, %get3A_33, %dot_general3A_34 {dimension_numbers = #tpu.dot_dimension_numbers<[1], [0], [0], [1], [0, 0, 1, 1], [], []>, transpose_lhs_hint = false} : vector<2000x128xf32>, vector<128x1xf32>, vector<2000x1xf32> -> vector<2000x1xf32>
    %get3A_36 = arith.constant 0 : index
    %get3A_37 = arith.constant 0 : index
    %get3A_38 = vector.load %arg4[%get3A_36, %get3A_37] : memref<2000x1xf32, #tpu.memory_space<vmem>>, vector<2000x1xf32>
    %mul3A_39 = arith.mulf %get3A_38, %dot_general3A_35 : vector<2000x1xf32>
    %swap3A = arith.constant 0 : index
    %swap3A_40 = arith.constant 0 : index
    %swap3A_41 = vector.load %arg10[%swap3A, %swap3A_40] : memref<2000x1xf32, #tpu.memory_space<vmem>>, vector<2000x1xf32>
    tpu.vector_store %arg10[%swap3A, %swap3A_40], %mul3A_39 {strides = array<i32>} : memref<2000x1xf32, #tpu.memory_space<vmem>>, vector<2000x1xf32>,
    %get3A_42 = arith.constant 0 : index
    %get3A_43 = arith.constant 0 : index
    %get3A_44 = vector.load %arg8[%get3A_42, %get3A_43] : memref<1x128xf32, #tpu.memory_space<vmem>>, vector<1x128xf32>
    %get3A_45 = arith.constant 0 : index
    %get3A_46 = arith.constant 0 : index
    %get3A_47 = vector.load %arg7[%get3A_45, %get3A_46] : memref<128x1xf32, #tpu.memory_space<vmem>>, vector<128x1xf32>
    %dot_general3A_48 = arith.constant dense<0.000000e+00> : vector<1x1xf32>
    %dot_general3A_49 = tpu.matmul %get3A_44, %get3A_47, %dot_general3A_48 {dimension_numbers = #tpu.dot_dimension_numbers<[1], [0], [0], [1], [0, 0, 1, 1], [], []>, transpose_lhs_hint = false} : vector<1x128xf32>, vector<128x1xf32>, vector<1x1xf32> -> vector<1x1xf32>
    %get3A_50 = arith.constant 0 : index
    %get3A_51 = arith.constant 0 : index
    %get3A_52 = vector.load %arg9[%get3A_50, %get3A_51] : memref<1x1xf32, #tpu.memory_space<vmem>>, vector<1x1xf32>
    %add3A_53 = arith.addf %dot_general3A_49, %get3A_52 : vector<1x1xf32>
    %swap3A_54 = arith.constant 0 : index
    %swap3A_55 = arith.constant 0 : index
    %swap3A_56 = vector.load %arg11[%swap3A_54, %swap3A_55] : memref<1x1xf32, #tpu.memory_space<vmem>>, vector<1x1xf32>
    tpu.vector_store %arg11[%swap3A_54, %swap3A_55], %add3A_53 {strides = array<i32>} : memref<1x1xf32, #tpu.memory_space<vmem>>, vector<1x1xf32>,
    return
  }
  func.func @transform_0(%arg0: i32) -> (i32, i32, i32) {
    %c0_i32 = arith.constant 0 : i32
    %c0_i32_0 = arith.constant 0 : i32
    %c0_i32_1 = arith.constant 0 : i32
    return %c0_i32, %arg0, %c0_i32_0 : i32, i32, i32
  }
  func.func @transform_1(%arg0: i32) -> (i32, i32) {
    %c0_i32 = arith.constant 0 : i32
    %c0_i32_0 = arith.constant 0 : i32
    return %arg0, %c0_i32 : i32, i32
  }
  func.func @transform_2(%arg0: i32) -> (i32, i32) {
    %c0_i32 = arith.constant 0 : i32
    %c0_i32_0 = arith.constant 0 : i32
    return %arg0, %c0_i32 : i32, i32
  }
  func.func @transform_3(%arg0: i32) -> (i32, i32) {
    %c0_i32 = arith.constant 0 : i32
    %c0_i32_0 = arith.constant 0 : i32
    return %arg0, %c0_i32 : i32, i32
  }
  func.func @transform_4(%arg0: i32) -> (i32, i32) {
    %c0_i32 = arith.constant 0 : i32
    %c0_i32_0 = arith.constant 0 : i32
    %c0_i32_1 = arith.constant 0 : i32
    return %c0_i32, %c0_i32_0 : i32, i32
  }
  func.func @transform_5(%arg0: i32) -> (i32, i32) {
    %c0_i32 = arith.constant 0 : i32
    %c0_i32_0 = arith.constant 0 : i32
    %c0_i32_1 = arith.constant 0 : i32
    return %c0_i32, %c0_i32_0 : i32, i32
  }
  func.func @transform_6(%arg0: i32) -> (i32, i32) {
    %c0_i32 = arith.constant 0 : i32
    %c0_i32_0 = arith.constant 0 : i32
    %c0_i32_1 = arith.constant 0 : i32
    return %c0_i32, %c0_i32_0 : i32, i32
  }
  func.func @transform_7(%arg0: i32) -> (i32, i32) {
    %c0_i32 = arith.constant 0 : i32
    %c0_i32_0 = arith.constant 0 : i32
    %c0_i32_1 = arith.constant 0 : i32
    return %c0_i32, %c0_i32_0 : i32, i32
  }
  func.func @transform_8(%arg0: i32) -> (i32, i32) {
    %c0_i32 = arith.constant 0 : i32
    %c0_i32_0 = arith.constant 0 : i32
    %c0_i32_1 = arith.constant 0 : i32
    return %c0_i32, %c0_i32_0 : i32, i32
  }
  func.func @transform_9(%arg0: i32) -> (i32, i32) {
    %c0_i32 = arith.constant 0 : i32
    %c0_i32_0 = arith.constant 0 : i32
    return %arg0, %c0_i32 : i32, i32
  }
  func.func @transform_10(%arg0: i32) -> (i32, i32) {
    %c0_i32 = arith.constant 0 : i32
    %c0_i32_0 = arith.constant 0 : i32
    %c0_i32_1 = arith.constant 0 : i32
    return %c0_i32, %c0_i32_0 : i32, i32
  }
}

</mosaic_0001>

<sc_bundles>
// kernel: kernel.10.cloned.1.call-start
scs
__scs_entry_jumppad:
0x0: {  	(pc) =	sbr.rel $0x88, $3  }
0x1: {  	(tag) =	ssettag $0x0;
	lr =	simm.s32 $0x1  }
0x2: {  	[smem:$0x3F98] =	sst lr;
	_ =	strace $0xD0000000  }
0x3: {  	_ = 	snop  }
0x4: {  	_ = 	snop  }
0x5: {  	_ = 	snop  }
0x6: {  	_ = 	snop  }
0x7: {  	_ = 	snop  }
__scs_overlays_trampoline_lowered:
0x8: {  	[smem:$0x3FA7] =	sst s0  }
0x9: {  	[smem:$0x3FA8] =	sst s1  }
0xa: {  	[smem:$0x3FA9] =	sst s2  }
0xb: {  	[smem:$0x3FAA] =	sst s3  }
0xc: {  	[smem:$0x3FAB] =	sst s4  }
0xd: {  	[smem:$0x3FAC] =	sst s5  }
0xe: {  	[smem:$0x3FAD] =	sst s6  }
0xf: {  	[smem:$0x3FAE] =	sst s7  }
0x10: {  	[smem:$0x3FAF] =	sst s8  }
0x11: {  	[smem:$0x3FB0] =	sst s9;
	s0 =	simm.s32 @!p0 $0x0  }
0x12: {  	s1 =	sld [smem:$0x3F96];
	s0 =	simm.s32 @p0 $0x1  }
0x13: {  	[smem:$0x3FB1] =	sst s0;
	s0 =	simm.s32 @!p1 $0x0  }
0x14: {  	s2 =	sld [smem:$0x3F95];
	s0 =	simm.s32 @p1 $0x1  }
0x15: {  	[smem:$0x3FB2] =	sst s0;
	s0 =	simm.s32 @!p2 $0x0  }
0x16: {  	s3 =	sld [smem:$0x3FDB];
	s0 =	simm.s32 @p2 $0x1  }
0x17: {  	s4 =	simm.s32 $0x1BF5;
	[smem:$0x3FB4] =	sst s0  }
0x18: {  	s0 =	sld [smem:$0x3F97];
	_ =	swait.ge [sflag:s4], $0x0  }
0x19: {  	s7 =	sld [smem:$0x3F98]  }
0x1a: {  	s8 =	sadd.s32 $0xFFFFE003, lr  }
0x1b: {  	s9 =	sadd.s32 $0xFFFFFEF7, lr;
	s5 =	simm.s32 $0xFFFFFFFF;
	p2 =	slt.u32 s8, $0xFFFFF086  }
0x1c: {  	p1 =	slt.u32 s9, $0xF7A;
	s5 =	simm.s32 @!p2 $0x0  }
0x1d: {  	s5 =	simm.s32 @p1 $0x1;
	p0 =	seq.s32 s7, s2  }
0x1e: {  	s7 =	smul.u32 @!p0 $0xF7A, s2;
	p2 =	seq.s32 @!p0 s5, $0x0  }
0x1f: {  	s9 =	smul.u32 $0xF7A, s1;
	s8 =	simm.s32 @!p0 $0x1BF5;
	p2 =	por !p2, p0  }
0x20: {  	[sflag:s8] =	ssyncset.s32 @!p0 $0xFFFFF086;
	s6 =	sadd.s32 @!p0 s3, s7;
	s7 =	simm.s32 @!p0 $0x108  }
0x21: {  	s3 =	sadd.s32 s3, s9;
	s6 =	sadd.s32 @!p0 $0x88, s6;
	s7 =	simm.s32 @p2 $0x1082  }
0x22: {  	[simem:s7], [sflag:s8] =	dma.local @!p0 [hbm:s6], $0xF7A  }
0x23: {  	s9 =	sor.u32 $0xD0000000, s2;
	s6 =	simm.s32 $0x108;
	_ =	swait.ge @!p0 [sflag:s8], $0x0  }
0x24: {  	s3 =	sadd.s32 $0x88, s3;
	s6 =	simm.s32 @!p1 $0x1082;
	[sflag:s4] =	ssyncset.s32 $0xFFFFF086  }
0x25: {  	[simem:s6], [sflag:s4] =	dma.local [hbm:s3], $0xF7A  }
0x26: {  	[smem:$0x3F98] =	sst s1;
	(tag) =	ssettag s2;
	_ =	strace s9  }
0x27: {  	s1 =	sld [smem:$0x3FA8]  }
0x28: {  	s2 =	sld [smem:$0x3FA9]  }
0x29: {  	s4 =	sld [smem:$0x3FAB]  }
0x2a: {  	p0 =	seq.s32 s5, $0x0;
	s5 =	sld [smem:$0x3FAC]  }
0x2b: {  	s6 =	sld [smem:$0x3FAD]  }
0x2c: {  	s7 =	sld [smem:$0x3FAE]  }
0x2d: {  	s3 =	simm.s32 $0x108;
	s8 =	sld [smem:$0x3FAF]  }
0x2e: {  	s3 =	simm.s32 @!p0 $0x1082;
	s9 =	sld [smem:$0x3FB0]  }
0x2f: {  	lr =	sadd.s32 s0, s3;
	s0 =	sld [smem:$0x3FA7]  }
0x30: {  	s3 =	sld [smem:$0x3FAA]  }
0x31: {  	[smem:$0x3FB3] =	sst s10  }
0x32: {  	s10 =	sld [smem:$0x3FB1];
	_ =	sdelay $0x3  }
0x33: {  	p0 =	seq.s32 s10, $0x1;
	s10 =	sld [smem:$0x3FB3];
	_ =	sdelay $0x3  }
0x34: {  	[smem:$0x3FB3] =	sst s10  }
0x35: {  	s10 =	sld [smem:$0x3FB2];
	_ =	sdelay $0x3  }
0x36: {  	p1 =	seq.s32 s10, $0x1;
	s10 =	sld [smem:$0x3FB3];
	_ =	sdelay $0x3  }
0x37: {  	[smem:$0x3FB3] =	sst s10  }
0x38: {  	s10 =	sld [smem:$0x3FB4]  }
0x39: {  	_ = 	snop;
	(pc) =	sbr.ind lr, $3  }
0x3a: {  	_ = 	snop  }
0x3b: {  	_ = 	snop  }
0x3c: {  	p2 =	seq.s32 s10, $0x1;
	s10 =	sld [smem:$0x3FB3]  }
0x3d: {  	_ =	shalt  }
0x3e: {  	_ =	shalt  }
0x3f: {  	_ =	shalt  }
0x40: {  	_ =	shalt  }
0x41: {  	_ =	shalt  }
0x42: {  	_ =	shalt  }
0x43: {  	_ =	shalt  }
0x44: {  	_ =	shalt  }
0x45: {  	_ =	shalt  }
0x46: {  	_ =	shalt  }
0x47: {  	_ =	shalt  }
0x48: {  	_ =	shalt  }
0x49: {  	_ =	shalt  }
0x4a: {  	_ =	shalt  }
0x4b: {  	_ =	shalt  }
0x4c: {  	_ =	shalt  }
0x4d: {  	_ =	shalt  }
0x4e: {  	_ =	shalt  }
0x4f: {  	_ =	shalt  }
0x50: {  	_ =	shalt  }
0x51: {  	_ =	shalt  }
0x52: {  	_ =	shalt  }
0x53: {  	_ =	shalt  }
0x54: {  	_ =	shalt  }
0x55: {  	_ =	shalt  }
0x56: {  	_ =	shalt  }
0x57: {  	_ =	shalt  }
0x58: {  	_ =	shalt  }
0x59: {  	_ =	shalt  }
0x5a: {  	_ =	shalt  }
0x5b: {  	_ =	shalt  }
0x5c: {  	_ =	shalt  }
0x5d: {  	_ =	shalt  }
0x5e: {  	_ =	shalt  }
0x5f: {  	_ =	shalt  }
0x60: {  	_ =	shalt  }
0x61: {  	_ =	shalt  }
0x62: {  	_ =	shalt  }
0x63: {  	_ =	shalt  }
0x64: {  	_ =	shalt  }
0x65: {  	_ =	shalt  }
0x66: {  	_ =	shalt  }
0x67: {  	_ =	shalt  }
0x68: {  	_ =	shalt  }
0x69: {  	_ =	shalt  }
0x6a: {  	_ =	shalt  }
0x6b: {  	_ =	shalt  }
0x6c: {  	_ =	shalt  }
0x6d: {  	_ =	shalt  }
0x6e: {  	_ =	shalt  }
0x6f: {  	_ =	shalt  }
0x70: {  	_ =	shalt  }
0x71: {  	_ =	shalt  }
0x72: {  	_ =	shalt  }
0x73: {  	_ =	shalt  }
0x74: {  	_ =	shalt  }
0x75: {  	_ =	shalt  }
0x76: {  	_ =	shalt  }
0x77: {  	_ =	shalt  }
0x78: {  	_ =	shalt  }
0x79: {  	_ =	shalt  }
0x7a: {  	_ =	shalt  }
0x7b: {  	_ =	shalt  }
0x7c: {  	_ =	shalt  }
0x7d: {  	_ =	shalt  }
0x7e: {  	_ =	shalt  }
0x7f: {  	_ =	shalt  }
0x80: {  	_ =	shalt  }
0x81: {  	_ =	shalt  }
0x82: {  	_ =	shalt  }
0x83: {  	_ =	shalt  }
0x84: {  	_ =	shalt  }
0x85: {  	_ =	shalt  }
0x86: {  	_ =	shalt  }
0x87: {  	_ =	shalt  }
.Lfunc_end0:
.L_simem_size_0:
called_computation.1_lowered:
.L_overlay_start_0:
0x88: {  	s2 =	sld [smem:$0x3FD9]  }
0x89: {  	s3 =	sld [smem:$0x3FFE];
	_ =	sdelay $0x1  }
0x8a: {  	s1 =	srdreg.scid  }
0x8b: {  	s0 =	sand.u32 $0x1, s1  }
0x8c: {  	s16 =	sshll.u32 s0, $0xA;
	s2 =	sadd.s32 s3, s2  }
0x8d: {  	s2 =	sadd.s32 s2, s16  }
0x8e: {  	[smem:$0x3FBF] =	sst s2  }
0x8f: {  	_ = 	snop  }
0x90: {  	(tm) =	ssettm $0x1  }
0x91: {  	s17 =	sld [smem:$0x3FFB];
	_ =	sdelay $0x3  }
0x92: {  	_ =	strace s17  }
0x93: {  	s2 =	sld [smem:$0x3FFC];
	_ =	sdelay $0x3  }
0x94: {  	_ =	strace s2  }
0x95: {  	s2 =	sld [smem:$0x3FFD];
	_ =	sdelay $0x3  }
0x96: {  	_ =	strace s2  }
0x97: {  	_ =	strace $0x8FFFFFFF  }
0x98: {  	s18 =	sld [smem:$0x3FDB];
	_ =	sdelay $0x1  }
0x99: {  	s19 =	simm.s32 $_scs_section_size  }
0x9a: {  	s4 =	simm.s32 $_size__tile_overlayer_lowered;
	s5 =	simm.s32 $_tile_overlayer_lowered  }
0x9b: {  	s22 =	simm.s32 $0x1BFF;
	s21 =	sshll.u32 s5, $0x1;
	s2 =	sadd.s32 s19, s18  }
0x9c: {  	s6 =	simm.s32 $0x0;
	s20 =	sshll.u32 s4, $0x1;
	s4 =	sadd.s32 s21, s2  }
0x9d: {  	[timem:s6], [sflag:s22] =	dma.local [hbm:s4], s20  }
0x9e: {  	_ =	swait.ge [sflag:s22], s20  }
0x9f: {  	s3 =	ssub.s32 $0x0, s20;
	[sflag:s22] =	ssyncset.done $0x0  }
0xa0: {  	[sflag:s22] =	ssyncadd.s32 s3;
	_ =	sdelay $0x1  }
0xa1: {  	s23 =	simm.s32 $0x1B8B  }
0xa2: {  	_ =	swait.ge [sflag:s23], $0x1  }
0xa3: {  	[sflag:s23] =	ssyncset.done $0x0  }
0xa4: {  	s25 =	simm.s32 $0x1B8E;
	s24 =	sld [smem:$0x3FFE];
	[sflag:s23] =	ssyncadd.s32 $0xFFFFFFFF  }
0xa5: {  	s26 =	simm.s32 $execute0_lowered;
	[smem:$0x3FD2] =	sst s25  }
0xa6: {  	s4 =	sshll.u32 s26, $0x1;
	_ =	strace $0x80000049;
	[dreg:$0x1] =	wrdreg $0xFFFFFFFF  }
0xa7: {  	s28 =	simm.s32 $_size_execute0_lowered;
	s2 =	sadd.s32 s2, s4;
	[dreg:$0x0] =	wrdreg $0x0  }
0xa8: {  	s4 =	sshll.u32 s28, $0x1;
	[dreg:$0x2] =	wrdreg s2  }
0xa9: {  	[dreg:$0x3] =	wrdreg s4  }
0xaa: {  	[dreg:$0x4] =	wrdreg $0xC0  }
0xab: {  	_ =	task [dreg:s6], $0x5FFFF  }
0xac: {  	[dreg:$0x1] =	wrdreg $0xFFFFFFFF  }
0xad: {  	[dreg:$0x0] =	wrdreg $0x60  }
0xae: {  	[dreg:$0x2] =	wrdreg s24  }
0xaf: {  	[dreg:$0x3] =	wrdreg $0x15B800  }
0xb0: {  	[dreg:$0x4] =	wrdreg $0x9  }
0xb1: {  	_ =	task.clear_ibuf [dreg:s6], $0x5FFFF;
	_ =	strace $0x90000049  }
0xb2: {  	s29 =	simm.s32 $0x9;
	_ =	strace $0x8000004B  }
0xb3: {  	_ =	swait.ge [sflag:s29], $0x1  }
0xb4: {  	[sflag:s29] =	ssyncadd.s32 $0xFFFFFFFF  }
0xb5: {  	_ =	strace $0x9000004B  }
0xb6: {  	_ =	sfence  }
0xb7: {  	s30 =	sld [smem:$0x0];
	_ =	sdelay $0x2  }
0xb8: {  	s31 =	sshll.u32 s1, $0xD;
	s1 =	sshrl.u32 s1, $0x2  }
0xb9: {  	s3 =	sand.u32 $0x4000, s31;
	s1 =	sadd.s32 s1, s30  }
0xba: {  	s0 =	sor.u32 s3, s0;
	s1 =	sshll.u32 s1, $0x11  }
0xbb: {  	s0 =	sor.u32 s1, s0  }
0xbc: {  	s0 =	sadd.s32 $0x8F2B, s0  }
0xbd: {  	[sflag:s0] =	ssyncadd.remote.s32 $0x1  }
0xbe: {  	_ =	sfence.sel $0xFFFF  }
0xbf: {  	[dreg:$0x0] =	wrdreg $0xFFFFFFFF;
	(pc) =	sbr.abs _section_cstart, $3  }
0xc0: {  	[dreg:$0x1] =	wrdreg $0xFFFFFFFF  }
0xc1: {  	_ =	task.clear_ibuf [dreg:s6], $0x2FFFF;
	_ =	strace $0x9FFFFFFF  }
0xc2: {  	(tm) =	ssettm $0x7FFFFFFF  }
0xc3: {  	_ =	shalt  }
tec
execute0_lowered:
.L_overlay_start_1:
0x0: {  	(tag) =	ssettag $0x1  }
0x1: {  	s6 =	rddreg [dreg:$0x0]  }
0x2: {  	s2 =	rddreg [dreg:$0x1]  }
0x3: {  	s0 =	rddreg [dreg:$0x2]  }
0x4: {  	s1 =	stileid.u32;
	s5 =	srdreg.scid;
	s3 =	simm.s32 $0x0  }
0x5: {  	s15 =	simm.s32 $0x7D;
	s16 =	simm.s32 $0xA000;
	s17 =	simm.s32 $0x80  }
0x6: {  	s18 =	simm.s32 $0xBF40;
	s19 =	simm.s32 $0x100;
	s20 =	simm.s32 $0xDE80  }
0x7: {  	s21 =	simm.s32 $0x1;
	s22 =	simm.s32 $0x2;
	s4 =	smul.u32 $0xA00, s1  }
0x8: {  	s23 =	simm.s32 $0x0;
	s7 =	smul.u32 $0xA000, s1;
	s10 =	sand.u32 $0x1, s5  }
0x9: {  	[smem:$0x7FF] =	sst s3;
	s5 =	sadd.s32 $0x3EE00, s6;
	s31 =	sshll.u32 s1, $0x6  }
0xa: {  	s8 =	smul.u32 $0xA0000, s10;
	_ =	strace $0x8000004A;
	s11 =	ssub.s32 $0x2, s10  }
0xb: {  	p0 =	seq.s32 s10, $0x1;
	s9 =	sadd.s32 s4, s6;
	s4 =	sadd.s32 $0x2AE00, s6  }
0xc: {  	s12 =	sshrl.u32 s7, $0x3;
	s13 =	sshrl.u32 s11, $0x1;
	s30 =	sadd.s32 s7, s2  }
.Ltmp0:
0xd: {  	s8 =	sadd.s32 s7, s8;
	s12 =	sadd.s32 s12, s6;
	(pc) =	sbr.rel .LBB2_1-.Ltmp0, $4  }
0xe: {  	s11 =	ssub.s32 s11, s13;
	s7 =	sor.u32 $0x1C03, s31;
	s8 =	sshrl.u32 s8, $0x3  }
0xf: {  	s13 =	simm.s32 $0x3;
	s11 =	smax.u32 s11, $0x1;
	s14 =	sadd.s32 s8, s6  }
0x10: {  	s6 =	sadd.s32 $0x52E00, s12;
	s8 =	sadd.s32 $0x16E00, s9;
	s9 =	sadd.s32 $0x20E00, s9  }
0x11: {  	s12 =	sshrl.u32 s30, $0x3;
	s10 =	sadd.s32 $0x66E00, s14;
	s14 =	simm.s32 $0x5000  }
.LBB2_6:
0x12: {  	_ =	swait.ge [sflag:s22], $0x1F40  }
0x13: {  	[sflag:s22] =	ssyncset.done $0x0  }
0x14: {  	[sflag:s22] =	ssyncadd.s32 $0xFFFFE0C0  }
0x15: {  	_ =	swait.ge [sflag:s22], $0x1F40  }
0x16: {  	[sflag:s22] =	ssyncset.done $0x0  }
0x17: {  	[sflag:s22] =	ssyncadd.s32 $0xFFFFE0C0  }
0x18: {  	_ =	swait.ge [sflag:s22], $0x1F40  }
0x19: {  	s23 =	sadd.s32 $0x1, s23;
	[sflag:s22] =	ssyncset.done $0x0  }
0x1a: {  	p1 =	sne.s32 s23, s11;
	[sflag:s22] =	ssyncadd.s32 $0xFFFFE0C0  }
.Ltmp1:
0x1b: {  	[bflag:$0x0] =	sbarrier.arrive $0xFFFF;
	(pc) =	sbr.rel @!p1 .LBB2_7-.Ltmp1, $4  }
0x1c: {  	[hbm:s10], [sflag:s7] =	dma.local [spmem:s12], $0x1400  }
0x1d: {  	_ =	swait.ge [sflag:s13], $0x1400  }
0x1e: {  	[sflag:s13] =	ssyncset.done $0x0  }
0x1f: {  	[sflag:s13] =	ssyncadd.s32 $0xFFFFEC00  }
.LBB2_1:
0x20: {  	[spmem:s12], [sflag:s7] =	dma.local [hbm:s6], $0x1400  }
0x21: {  	_ =	swait.ge [sflag:s13], $0x1400  }
0x22: {  	[sflag:s13] =	ssyncset.done $0x0  }
0x23: {  	[sflag:s13] =	ssyncadd.s32 $0xFFFFEC00  }
0x24: {  	[tilespmem:s3], [sflag:$0x3] =	stream.linear.gather [hbm4b:s8+s3], $0x5000, $0x38;
	[tilespmem:$0x1FB80] =	vst v63  }
0x25: {  	_ =	swait.ge [sflag:s13], $0x5000  }
0x26: {  	[sflag:s13] =	ssyncset.done $0x0  }
0x27: {  	[sflag:s13] =	ssyncadd.s32 $0xFFFFB000  }
0x28: {  	[tilespmem:s14], [sflag:$0x3] =	stream.linear.gather [hbm4b:s9+s3], $0x5000, $0x38;
	[tilespmem:$0x1FB80] =	vst v63  }
.Ltmp2:
0x29: {  	_ =	swait.ge [sflag:s13], $0x5000;
	(pc) =	sbr.rel @!p0 .LBB2_2-.Ltmp2, $4  }
0x2a: {  	[sflag:s13] =	ssyncset.done $0x0  }
0x2b: {  	[sflag:s13] =	ssyncadd.s32 $0xFFFFB000  }
0x2c: {  	[bflag:$0x0] =	sbarrier.arrive $0xFFFF  }
0x2d: {  	s24 =	simm.s32 $0x0  }
0x2e: {  	[tilespmem:s16], [sflag:$0x1] =	stream.indirect.gather [hbm4b:s5+s15], $0x40, s24, s15, $0xb8;
	[tilespmem:$0x1FB80] =	vst v63  }
0x2f: {  	_ = 	snop  }
0x30: {  	[tilespmem:s18], [sflag:$0x1] =	stream.indirect.gather [hbm4b:s5+s15], $0x40, s17, s15, $0xb8;
	[tilespmem:$0x1FB80] =	vst v63  }
0x31: {  	s25 =	simm.s32 $0x5000;
	s26 =	simm.s32 $0x180  }
0x32: {  	[tilespmem:s20], [sflag:$0x1] =	stream.indirect.gather [hbm4b:s5+s15], $0x40, s19, s15, $0xb8;
	[tilespmem:$0x1FB80] =	vst v63  }
.LBB2_5:
0x33: {  	p1 =	slt.u32 s24, $0x3  }
0x34: {  	s28 =	simm.s32 @!p1 $0x2  }
0x35: {  	p2 =	sgt.u32 @!p1 s24, $0x9C;
	_ =	swait.ge @!p1 [sflag:s28], $0x1F40  }
0x36: {  	p2 =	por p1, !p2;
	[sflag:s28] =	ssyncset.done @!p1 $0x0  }
0x37: {  	[sflag:s28] =	ssyncadd.s32 @!p1 $0xFFFFE0C0;
	s28 =	sadd.s32 @p2 $0x3, s24  }
0x38: {  	s29 =	smul.u32 @p2 $0xAB, s28;
	_ =	sdelay $0x1  }
0x39: {  	s29 =	sshrl.u32 @p2 s29, $0xA  }
0x3a: {  	s29 =	sand.u32 @p2 $0x3F, s29  }
0x3b: {  	s29 =	smul.u32 @p2 $0x6, s29;
	_ =	sdelay $0x1  }
0x3c: {  	s28 =	ssub.s32 @p2 s28, s29  }
0x3d: {  	s28 =	sand.u32 @p2 $0xFF, s28  }
0x3e: {  	s28 =	smul.u32 @p2 $0x7D00, s28;
	_ =	sdelay $0x1  }
0x3f: {  	s28 =	sshrl.u32 @p2 s28, $0x2  }
0x40: {  	s31 =	smul.u32 $0xAB, s24;
	s28 =	sadd.s32 @p2 $0xA000, s28  }
0x41: {  	[tilespmem:s28], [sflag:$0x1] =	stream.indirect.gather @p2 [hbm4b:s5+s15], $0x40, s26, s15, $0xb8;
	[tilespmem:$0x1FB80] =	vst v63  }
0x42: {  	s28 =	sshrl.u32 s31, $0xA  }
0x43: {  	s28 =	sand.u32 $0x3F, s28  }
0x44: {  	s28 =	smul.u32 $0x6, s28;
	_ =	sdelay $0x1  }
0x45: {  	s28 =	ssub.s32 s24, s28  }
0x46: {  	s24 =	sadd.s32 $0x1, s24;
	s28 =	sand.u32 $0xFF, s28  }
0x47: {  	p1 =	sne.s32 s24, $0xA0;
	s28 =	smul.u32 $0x7D00, s28  }
.Ltmp3:
0x48: {  	_ =	swait.ge [sflag:s21], $0x1F40;
	(pc) =	sbr.rel @p1 .LBB2_5-.Ltmp3, $4  }
0x49: {  	[sflag:s21] =	ssyncset.done $0x0;
	s28 =	sshrl.u32 s28, $0x2  }
0x4a: {  	[sflag:s21] =	ssyncadd.s32 $0xFFFFE0C0;
	s28 =	sadd.s32 $0xA000, s28  }
0x4b: {  	[spmem:s2] =	stream.indirect.scatter.add.f32 [tilespmem:s28], [sflag:$0x2], $0x40, s25, s15, $0xb8;
	[tilespmem:$0x1FB80] =	vst v63  }
0x4c: {  	s26 =	sadd.s32 $0x80, s26;
	s25 =	sadd.s32 $0x80, s25  }
.Ltmp4:
0x4d: {  	_ = 	snop;
	(pc) =	sbr.rel .LBB2_6-.Ltmp4, $1  }
0x4e: {  	_ =	sdelay $0x3  }
.LBB2_2:
0x4f: {  	[tilespmem:s16], [sflag:$0x1] =	stream.indirect.gather [hbm4b:s4+s15], $0x40, s24, s15, $0xb8;
	[tilespmem:$0x1FB80] =	vst v63  }
0x50: {  	_ = 	snop  }
0x51: {  	[tilespmem:s18], [sflag:$0x1] =	stream.indirect.gather [hbm4b:s4+s15], $0x40, s17, s15, $0xb8;
	[tilespmem:$0x1FB80] =	vst v63  }
0x52: {  	s25 =	simm.s32 $0x5000;
	s26 =	simm.s32 $0x180  }
0x53: {  	[tilespmem:s20], [sflag:$0x1] =	stream.indirect.gather [hbm4b:s4+s15], $0x40, s19, s15, $0xb8;
	[tilespmem:$0x1FB80] =	vst v63  }
.LBB2_3:
0x54: {  	p1 =	slt.u32 s24, $0x3  }
0x55: {  	s28 =	simm.s32 @!p1 $0x2  }
0x56: {  	p2 =	sgt.u32 @!p1 s24, $0x9C;
	_ =	swait.ge @!p1 [sflag:s28], $0x1F40  }
0x57: {  	p2 =	por p1, !p2;
	[sflag:s28] =	ssyncset.done @!p1 $0x0  }
0x58: {  	[sflag:s28] =	ssyncadd.s32 @!p1 $0xFFFFE0C0;
	s28 =	sadd.s32 @p2 $0x3, s24  }
0x59: {  	s29 =	smul.u32 @p2 $0xAB, s28;
	_ =	sdelay $0x1  }
0x5a: {  	s29 =	sshrl.u32 @p2 s29, $0xA  }
0x5b: {  	s29 =	sand.u32 @p2 $0x3F, s29  }
0x5c: {  	s29 =	smul.u32 @p2 $0x6, s29;
	_ =	sdelay $0x1  }
0x5d: {  	s28 =	ssub.s32 @p2 s28, s29  }
0x5e: {  	s28 =	sand.u32 @p2 $0xFF, s28  }
0x5f: {  	s28 =	smul.u32 @p2 $0x7D00, s28;
	_ =	sdelay $0x1  }
0x60: {  	s28 =	sshrl.u32 @p2 s28, $0x2  }
0x61: {  	s31 =	smul.u32 $0xAB, s24;
	s28 =	sadd.s32 @p2 $0xA000, s28  }
0x62: {  	[tilespmem:s28], [sflag:$0x1] =	stream.indirect.gather @p2 [hbm4b:s4+s15], $0x40, s26, s15, $0xb8;
	[tilespmem:$0x1FB80] =	vst v63  }
0x63: {  	s28 =	sshrl.u32 s31, $0xA  }
0x64: {  	s28 =	sand.u32 $0x3F, s28  }
0x65: {  	s28 =	smul.u32 $0x6, s28;
	_ =	sdelay $0x1  }
0x66: {  	s28 =	ssub.s32 s24, s28  }
0x67: {  	s24 =	sadd.s32 $0x1, s24;
	s28 =	sand.u32 $0xFF, s28  }
0x68: {  	p1 =	seq.s32 s24, $0xA0;
	s28 =	smul.u32 $0x7D00, s28  }
.Ltmp5:
0x69: {  	_ =	swait.ge [sflag:s21], $0x1F40;
	(pc) =	sbr.rel @!p1 .LBB2_3-.Ltmp5, $4  }
0x6a: {  	[sflag:s21] =	ssyncset.done $0x0;
	s28 =	sshrl.u32 s28, $0x2  }
0x6b: {  	[sflag:s21] =	ssyncadd.s32 $0xFFFFE0C0;
	s28 =	sadd.s32 $0xA000, s28  }
0x6c: {  	[spmem:s2] =	stream.indirect.scatter.add.f32 [tilespmem:s28], [sflag:$0x2], $0x40, s25, s15, $0xb8;
	[tilespmem:$0x1FB80] =	vst v63  }
0x6d: {  	s26 =	sadd.s32 $0x80, s26;
	s25 =	sadd.s32 $0x80, s25  }
.Ltmp6:
0x6e: {  	_ = 	snop;
	(pc) =	sbr.rel .LBB2_6-.Ltmp6, $1  }
0x6f: {  	_ =	sdelay $0x3  }
.LBB2_7:
0x70: {  	_ =	sfence.sel $0x180000  }
0x71: {  	[bflag:$0x0] =	sbarrier.arrive $0xFFFF  }
0x72: {  	p0 =	sne.s32 s1, $0x0;
	_ =	strace $0x9000004A  }
0x73: {  	s0 =	sadd.s32 @!p0 $0x100000, s0;
	[bflag:$0x2] =	sbarrier.arrive $0xFFFF  }
0x74: {  	[sflag:s0] =	ssyncadd.tile.s32 @!p0 $0x1;
	_ =	shalt  }
.Lfunc_end2:
_tile_overlayer_lowered:
.L_overlay_start_2:
0x75: {  	(tag) =	ssettag $0x2  }
0x76: {  	s0 =	rddreg [dreg:$0x0];
	s2 =	stileid.u32  }
0x77: {  	s1 =	rddreg [dreg:$0x1];
	p0 =	sne.s32 s2, $0x0  }
0x78: {  	s3 =	rddreg [dreg:$0x2];
	[bflag:$0x3] =	sbarrier.arrive $0xFFFF;
	s2 =	simm.s32 @!p0 $0x1C03  }
0x79: {  	[timem:s3], [sflag:s2] =	dma.local @!p0 [hbm:s0], s1  }
0x7a: {  	s0 =	simm.s32 @!p0 $0x3  }
0x7b: {  	_ =	swait.ge @!p0 [sflag:s0], s1  }
0x7c: {  	s1 =	ssub.s32 @!p0 $0x0, s1;
	[sflag:s0] =	ssyncset.done @!p0 $0x0  }
0x7d: {  	[sflag:s0] =	ssyncadd.s32 @!p0 s1  }
0x7e: {  	[bflag:$0x3] =	sbarrier.arrive $0xFFFF  }
0x7f: {  	_ =	shalt  }

// kernel: kernel.13.cloned.1.call-start
scs
__scs_entry_jumppad:
0x0: {  	(pc) =	sbr.rel $0x88, $3  }
0x1: {  	(tag) =	ssettag $0x0;
	lr =	simm.s32 $0x1  }
0x2: {  	[smem:$0x3F98] =	sst lr;
	_ =	strace $0xD0000000  }
0x3: {  	_ = 	snop  }
0x4: {  	_ = 	snop  }
0x5: {  	_ = 	snop  }
0x6: {  	_ = 	snop  }
0x7: {  	_ = 	snop  }
__scs_overlays_trampoline_lowered:
0x8: {  	[smem:$0x3FA7] =	sst s0  }
0x9: {  	[smem:$0x3FA8] =	sst s1  }
0xa: {  	[smem:$0x3FA9] =	sst s2  }
0xb: {  	[smem:$0x3FAA] =	sst s3  }
0xc: {  	[smem:$0x3FAB] =	sst s4  }
0xd: {  	[smem:$0x3FAC] =	sst s5  }
0xe: {  	[smem:$0x3FAD] =	sst s6  }
0xf: {  	[smem:$0x3FAE] =	sst s7  }
0x10: {  	[smem:$0x3FAF] =	sst s8  }
0x11: {  	[smem:$0x3FB0] =	sst s9;
	s0 =	simm.s32 @!p0 $0x0  }
0x12: {  	s1 =	sld [smem:$0x3F96];
	s0 =	simm.s32 @p0 $0x1  }
0x13: {  	[smem:$0x3FB1] =	sst s0;
	s0 =	simm.s32 @!p1 $0x0  }
0x14: {  	s2 =	sld [smem:$0x3F95];
	s0 =	simm.s32 @p1 $0x1  }
0x15: {  	[smem:$0x3FB2] =	sst s0;
	s0 =	simm.s32 @!p2 $0x0  }
0x16: {  	s3 =	sld [smem:$0x3FDB];
	s0 =	simm.s32 @p2 $0x1  }
0x17: {  	s4 =	simm.s32 $0x1BF5;
	[smem:$0x3FB4] =	sst s0  }
0x18: {  	s0 =	sld [smem:$0x3F97];
	_ =	swait.ge [sflag:s4], $0x0  }
0x19: {  	s7 =	sld [smem:$0x3F98]  }
0x1a: {  	s8 =	sadd.s32 $0xFFFFE003, lr  }
0x1b: {  	s9 =	sadd.s32 $0xFFFFFEF7, lr;
	s5 =	simm.s32 $0xFFFFFFFF;
	p2 =	slt.u32 s8, $0xFFFFF086  }
0x1c: {  	p1 =	slt.u32 s9, $0xF7A;
	s5 =	simm.s32 @!p2 $0x0  }
0x1d: {  	s5 =	simm.s32 @p1 $0x1;
	p0 =	seq.s32 s7, s2  }
0x1e: {  	s7 =	smul.u32 @!p0 $0xF7A, s2;
	p2 =	seq.s32 @!p0 s5, $0x0  }
0x1f: {  	s9 =	smul.u32 $0xF7A, s1;
	s8 =	simm.s32 @!p0 $0x1BF5;
	p2 =	por !p2, p0  }
0x20: {  	[sflag:s8] =	ssyncset.s32 @!p0 $0xFFFFF086;
	s6 =	sadd.s32 @!p0 s3, s7;
	s7 =	simm.s32 @!p0 $0x108  }
0x21: {  	s3 =	sadd.s32 s3, s9;
	s6 =	sadd.s32 @!p0 $0x88, s6;
	s7 =	simm.s32 @p2 $0x1082  }
0x22: {  	[simem:s7], [sflag:s8] =	dma.local @!p0 [hbm:s6], $0xF7A  }
0x23: {  	s9 =	sor.u32 $0xD0000000, s2;
	s6 =	simm.s32 $0x108;
	_ =	swait.ge @!p0 [sflag:s8], $0x0  }
0x24: {  	s3 =	sadd.s32 $0x88, s3;
	s6 =	simm.s32 @!p1 $0x1082;
	[sflag:s4] =	ssyncset.s32 $0xFFFFF086  }
0x25: {  	[simem:s6], [sflag:s4] =	dma.local [hbm:s3], $0xF7A  }
0x26: {  	[smem:$0x3F98] =	sst s1;
	(tag) =	ssettag s2;
	_ =	strace s9  }
0x27: {  	s1 =	sld [smem:$0x3FA8]  }
0x28: {  	s2 =	sld [smem:$0x3FA9]  }
0x29: {  	s4 =	sld [smem:$0x3FAB]  }
0x2a: {  	p0 =	seq.s32 s5, $0x0;
	s5 =	sld [smem:$0x3FAC]  }
0x2b: {  	s6 =	sld [smem:$0x3FAD]  }
0x2c: {  	s7 =	sld [smem:$0x3FAE]  }
0x2d: {  	s3 =	simm.s32 $0x108;
	s8 =	sld [smem:$0x3FAF]  }
0x2e: {  	s3 =	simm.s32 @!p0 $0x1082;
	s9 =	sld [smem:$0x3FB0]  }
0x2f: {  	lr =	sadd.s32 s0, s3;
	s0 =	sld [smem:$0x3FA7]  }
0x30: {  	s3 =	sld [smem:$0x3FAA]  }
0x31: {  	[smem:$0x3FB3] =	sst s10  }
0x32: {  	s10 =	sld [smem:$0x3FB1];
	_ =	sdelay $0x3  }
0x33: {  	p0 =	seq.s32 s10, $0x1;
	s10 =	sld [smem:$0x3FB3];
	_ =	sdelay $0x3  }
0x34: {  	[smem:$0x3FB3] =	sst s10  }
0x35: {  	s10 =	sld [smem:$0x3FB2];
	_ =	sdelay $0x3  }
0x36: {  	p1 =	seq.s32 s10, $0x1;
	s10 =	sld [smem:$0x3FB3];
	_ =	sdelay $0x3  }
0x37: {  	[smem:$0x3FB3] =	sst s10  }
0x38: {  	s10 =	sld [smem:$0x3FB4]  }
0x39: {  	_ = 	snop;
	(pc) =	sbr.ind lr, $3  }
0x3a: {  	_ = 	snop  }
0x3b: {  	_ = 	snop  }
0x3c: {  	p2 =	seq.s32 s10, $0x1;
	s10 =	sld [smem:$0x3FB3]  }
0x3d: {  	_ =	shalt  }
0x3e: {  	_ =	shalt  }
0x3f: {  	_ =	shalt  }
0x40: {  	_ =	shalt  }
0x41: {  	_ =	shalt  }
0x42: {  	_ =	shalt  }
0x43: {  	_ =	shalt  }
0x44: {  	_ =	shalt  }
0x45: {  	_ =	shalt  }
0x46: {  	_ =	shalt  }
0x47: {  	_ =	shalt  }
0x48: {  	_ =	shalt  }
0x49: {  	_ =	shalt  }
0x4a: {  	_ =	shalt  }
0x4b: {  	_ =	shalt  }
0x4c: {  	_ =	shalt  }
0x4d: {  	_ =	shalt  }
0x4e: {  	_ =	shalt  }
0x4f: {  	_ =	shalt  }
0x50: {  	_ =	shalt  }
0x51: {  	_ =	shalt  }
0x52: {  	_ =	shalt  }
0x53: {  	_ =	shalt  }
0x54: {  	_ =	shalt  }
0x55: {  	_ =	shalt  }
0x56: {  	_ =	shalt  }
0x57: {  	_ =	shalt  }
0x58: {  	_ =	shalt  }
0x59: {  	_ =	shalt  }
0x5a: {  	_ =	shalt  }
0x5b: {  	_ =	shalt  }
0x5c: {  	_ =	shalt  }
0x5d: {  	_ =	shalt  }
0x5e: {  	_ =	shalt  }
0x5f: {  	_ =	shalt  }
0x60: {  	_ =	shalt  }
0x61: {  	_ =	shalt  }
0x62: {  	_ =	shalt  }
0x63: {  	_ =	shalt  }
0x64: {  	_ =	shalt  }
0x65: {  	_ =	shalt  }
0x66: {  	_ =	shalt  }
0x67: {  	_ =	shalt  }
0x68: {  	_ =	shalt  }
0x69: {  	_ =	shalt  }
0x6a: {  	_ =	shalt  }
0x6b: {  	_ =	shalt  }
0x6c: {  	_ =	shalt  }
0x6d: {  	_ =	shalt  }
0x6e: {  	_ =	shalt  }
0x6f: {  	_ =	shalt  }
0x70: {  	_ =	shalt  }
0x71: {  	_ =	shalt  }
0x72: {  	_ =	shalt  }
0x73: {  	_ =	shalt  }
0x74: {  	_ =	shalt  }
0x75: {  	_ =	shalt  }
0x76: {  	_ =	shalt  }
0x77: {  	_ =	shalt  }
0x78: {  	_ =	shalt  }
0x79: {  	_ =	shalt  }
0x7a: {  	_ =	shalt  }
0x7b: {  	_ =	shalt  }
0x7c: {  	_ =	shalt  }
0x7d: {  	_ =	shalt  }
0x7e: {  	_ =	shalt  }
0x7f: {  	_ =	shalt  }
0x80: {  	_ =	shalt  }
0x81: {  	_ =	shalt  }
0x82: {  	_ =	shalt  }
0x83: {  	_ =	shalt  }
0x84: {  	_ =	shalt  }
0x85: {  	_ =	shalt  }
0x86: {  	_ =	shalt  }
0x87: {  	_ =	shalt  }
.Lfunc_end0:
.L_simem_size_0:
called_computation.2_lowered:
.L_overlay_start_0:
0x88: {  	s2 =	sld [smem:$0x3FD9]  }
0x89: {  	s3 =	sld [smem:$0x3FFE];
	_ =	sdelay $0x1  }
0x8a: {  	s1 =	srdreg.scid  }
0x8b: {  	s0 =	sand.u32 $0x1, s1  }
0x8c: {  	s16 =	sshll.u32 s0, $0xA;
	s2 =	sadd.s32 s3, s2  }
0x8d: {  	s2 =	sadd.s32 s2, s16  }
0x8e: {  	[smem:$0x3FBF] =	sst s2  }
0x8f: {  	_ = 	snop  }
0x90: {  	(tm) =	ssettm $0x1  }
0x91: {  	s17 =	sld [smem:$0x3FFB];
	_ =	sdelay $0x3  }
0x92: {  	_ =	strace s17  }
0x93: {  	s2 =	sld [smem:$0x3FFC];
	_ =	sdelay $0x3  }
0x94: {  	_ =	strace s2  }
0x95: {  	s2 =	sld [smem:$0x3FFD];
	_ =	sdelay $0x3  }
0x96: {  	_ =	strace s2  }
0x97: {  	_ =	strace $0x8FFFFFFF  }
0x98: {  	s18 =	sld [smem:$0x3FDB];
	_ =	sdelay $0x1  }
0x99: {  	s19 =	simm.s32 $_scs_section_size  }
0x9a: {  	s4 =	simm.s32 $_size__tile_overlayer_lowered;
	s5 =	simm.s32 $_tile_overlayer_lowered  }
0x9b: {  	s22 =	simm.s32 $0x1BFF;
	s21 =	sshll.u32 s5, $0x1;
	s2 =	sadd.s32 s19, s18  }
0x9c: {  	s6 =	simm.s32 $0x0;
	s20 =	sshll.u32 s4, $0x1;
	s4 =	sadd.s32 s21, s2  }
0x9d: {  	[timem:s6], [sflag:s22] =	dma.local [hbm:s4], s20  }
0x9e: {  	_ =	swait.ge [sflag:s22], s20  }
0x9f: {  	s3 =	ssub.s32 $0x0, s20;
	[sflag:s22] =	ssyncset.done $0x0  }
0xa0: {  	[sflag:s22] =	ssyncadd.s32 s3;
	_ =	sdelay $0x1  }
0xa1: {  	s23 =	simm.s32 $0x1B8B  }
0xa2: {  	_ =	swait.ge [sflag:s23], $0x1  }
0xa3: {  	[sflag:s23] =	ssyncset.done $0x0  }
0xa4: {  	s25 =	simm.s32 $0x1B8E;
	s24 =	sld [smem:$0x3FFE];
	[sflag:s23] =	ssyncadd.s32 $0xFFFFFFFF  }
0xa5: {  	s26 =	simm.s32 $execute0_lowered;
	[smem:$0x3FD2] =	sst s25  }
0xa6: {  	s4 =	sshll.u32 s26, $0x1;
	_ =	strace $0x8000004C;
	[dreg:$0x1] =	wrdreg $0xFFFFFFFF  }
0xa7: {  	s28 =	simm.s32 $_size_execute0_lowered;
	s2 =	sadd.s32 s2, s4;
	[dreg:$0x0] =	wrdreg $0x0  }
0xa8: {  	s4 =	sshll.u32 s28, $0x1;
	[dreg:$0x2] =	wrdreg s2  }
0xa9: {  	[dreg:$0x3] =	wrdreg s4  }
0xaa: {  	[dreg:$0x4] =	wrdreg $0xC0  }
0xab: {  	_ =	task [dreg:s6], $0x5FFFF  }
0xac: {  	[dreg:$0x1] =	wrdreg $0xFFFFFFFF  }
0xad: {  	[dreg:$0x0] =	wrdreg $0x60  }
0xae: {  	[dreg:$0x2] =	wrdreg s24  }
0xaf: {  	[dreg:$0x3] =	wrdreg $0x82000  }
0xb0: {  	[dreg:$0x4] =	wrdreg $0x84800  }
0xb1: {  	[dreg:$0x5] =	wrdreg $0x9  }
0xb2: {  	_ =	task.clear_ibuf [dreg:s6], $0x6FFFF;
	_ =	strace $0x9000004C  }
0xb3: {  	s29 =	simm.s32 $0x9;
	_ =	strace $0x8000004E  }
0xb4: {  	_ =	swait.ge [sflag:s29], $0x1  }
0xb5: {  	[sflag:s29] =	ssyncadd.s32 $0xFFFFFFFF  }
0xb6: {  	_ =	strace $0x9000004E  }
0xb7: {  	_ =	sfence  }
0xb8: {  	s30 =	sld [smem:$0x0];
	_ =	sdelay $0x2  }
0xb9: {  	s31 =	sshll.u32 s1, $0xD;
	s1 =	sshrl.u32 s1, $0x2  }
0xba: {  	s3 =	sand.u32 $0x4000, s31;
	s1 =	sadd.s32 s1, s30  }
0xbb: {  	s0 =	sor.u32 s3, s0;
	s1 =	sshll.u32 s1, $0x11  }
0xbc: {  	s0 =	sor.u32 s1, s0  }
0xbd: {  	s0 =	sadd.s32 $0x8F2B, s0  }
0xbe: {  	[sflag:s0] =	ssyncadd.remote.s32 $0x1  }
0xbf: {  	_ =	sfence.sel $0xFFFF  }
0xc0: {  	[dreg:$0x0] =	wrdreg $0xFFFFFFFF;
	(pc) =	sbr.abs _section_cstart, $3  }
0xc1: {  	[dreg:$0x1] =	wrdreg $0xFFFFFFFF  }
0xc2: {  	_ =	task.clear_ibuf [dreg:s6], $0x2FFFF;
	_ =	strace $0x9FFFFFFF  }
0xc3: {  	(tm) =	ssettm $0x7FFFFFFF  }
tec
execute0_lowered:
.L_overlay_start_1:
0x0: {  	(tag) =	ssettag $0x1  }
0x1: {  	s0 =	srdreg.scid;
	s7 =	rddreg [dreg:$0x0]  }
0x2: {  	s1 =	rddreg [dreg:$0x1];
	s16 =	stileid.u32  }
0x3: {  	s2 =	rddreg [dreg:$0x2];
	s3 =	simm.s32 $0x0;
	s17 =	simm.s32 $0x2  }
0x4: {  	s20 =	simm.s32 $0x7620;
	s22 =	simm.s32 $0x50;
	s23 =	simm.s32 $0x1  }
0x5: {  	s28 =	simm.s32 $0x8160;
	s29 =	simm.s32 $0x7850;
	s30 =	simm.s32 $0x81B0  }
0x6: {  	s31 =	simm.s32 $0x0;
	s0 =	sand.u32 $0x1, s0;
	[smem:$0x7FF] =	sst s3  }
0x7: {  	s6 =	sadd.s32 $0x15C00, s7;
	s26 =	sshll.u32 s16, $0x6;
	s8 =	sshll.u32 s0, $0x4  }
0x8: {  	p0 =	sne.s32 s16, $0x0;
	_ =	strace $0x8000004D;
	s4 =	sor.u32 s16, s8  }
0x9: {  	s10 =	ssub.s32 $0x2, s0;
	s18 =	sshrl.u32 @!p0 s2, $0x3;
	s5 =	smul.u32 $0x4E2, s4  }
0xa: {  	s12 =	sshrl.u32 s10, $0x1;
	s14 =	sadd.s32 s8, s7;
	s4 =	smul.u32 $0x280, s16  }
0xb: {  	p1 =	sne.s32 s0, $0x0;
	s15 =	ssub.s32 s10, s12;
	s14 =	sadd.s32 $0x17400, s14  }
.Ltmp0:
0xc: {  	s15 =	smax.u32 s15, $0x1;
	s9 =	sshrl.u32 s4, $0x3;
	(pc) =	sbr.rel .LBB2_1-.Ltmp0, $4  }
0xd: {  	s11 =	sadd.s32 s5, s7;
	s5 =	sadd.s32 $0x16E00, s7;
	s13 =	sadd.s32 s9, s7  }
0xe: {  	s7 =	sadd.s32 s4, s1;
	s8 =	sadd.s32 s6, s9;
	s9 =	sor.u32 $0x1C02, s26  }
0xf: {  	s10 =	sadd.s32 $0xB800, s11;
	s11 =	sadd.s32 $0x1A00, s11;
	s26 =	simm.s32 $0x7800  }
0x10: {  	s12 =	sadd.s32 $0x15600, s13;
	s13 =	sadd.s32 $0x16400, s13;
	s16 =	sshrl.u32 s7, $0x3  }
.LBB2_5:
0x11: {  	v0 =	vld [tilespmem:$0x7D00]  }
0x12: {  	v1 =	vld [tilespmem:$0x7A80]  }
0x13: {  	v2 =	vld [tilespmem:$0x7D10]  }
0x14: {  	v3 =	vld [tilespmem:$0x7A90]  }
0x15: {  	v4 =	vld [tilespmem:$0x7D20]  }
0x16: {  	v5 =	vld [tilespmem:$0x7AA0]  }
0x17: {  	v6 =	vld [tilespmem:$0x7D30]  }
0x18: {  	v7 =	vld [tilespmem:$0x7AB0]  }
0x19: {  	v8 =	vld [tilespmem:$0x7D40]  }
0x1a: {  	v9 =	vld [tilespmem:$0x7AC0]  }
0x1b: {  	v10 =	vld [tilespmem:$0x7D50]  }
0x1c: {  	v11 =	vld [tilespmem:$0x7AD0]  }
0x1d: {  	v12 =	vld [tilespmem:$0x7D60]  }
0x1e: {  	v13 =	vld [tilespmem:$0x7AE0]  }
0x1f: {  	v14 =	vld [tilespmem:$0x7D70]  }
0x20: {  	v15 =	vld [tilespmem:$0x7AF0]  }
0x21: {  	v16 =	vld [tilespmem:$0x7D80]  }
0x22: {  	v17 =	vld [tilespmem:$0x7B00]  }
0x23: {  	v18 =	vld [tilespmem:$0x7D90]  }
0x24: {  	v19 =	vld [tilespmem:$0x7B10]  }
0x25: {  	v20 =	vld [tilespmem:$0x7DA0]  }
0x26: {  	v21 =	vld [tilespmem:$0x7B20]  }
0x27: {  	v22 =	vld [tilespmem:$0x7DB0]  }
0x28: {  	v23 =	vld [tilespmem:$0x7B30]  }
0x29: {  	v24 =	vld [tilespmem:$0x7DC0]  }
0x2a: {  	v25 =	vld [tilespmem:$0x7B40]  }
0x2b: {  	v26 =	vld [tilespmem:$0x7DD0]  }
0x2c: {  	v27 =	vld [tilespmem:$0x7B50]  }
0x2d: {  	v28 =	vld [tilespmem:$0x7DE0]  }
0x2e: {  	v29 =	vld [tilespmem:$0x7B60]  }
0x2f: {  	v30 =	vld [tilespmem:$0x7DF0]  }
0x30: {  	v31 =	vld [tilespmem:$0x7B70]  }
0x31: {  	v32 =	vld [tilespmem:$0x7E00]  }
0x32: {  	v33 =	vld [tilespmem:$0x7B80]  }
0x33: {  	v34 =	vld [tilespmem:$0x7E10]  }
0x34: {  	v35 =	vld [tilespmem:$0x7B90]  }
0x35: {  	v36 =	vld [tilespmem:$0x7E20]  }
0x36: {  	v37 =	vld [tilespmem:$0x7BA0]  }
0x37: {  	v38 =	vld [tilespmem:$0x7E30]  }
0x38: {  	v39 =	vld [tilespmem:$0x7BB0]  }
0x39: {  	v40 =	vld [tilespmem:$0x7E40]  }
0x3a: {  	v41 =	vld [tilespmem:$0x7BC0]  }
0x3b: {  	v42 =	vld [tilespmem:$0x7E50]  }
0x3c: {  	v43 =	vld [tilespmem:$0x7BD0]  }
0x3d: {  	v44 =	vld [tilespmem:$0x7E60]  }
0x3e: {  	v45 =	vld [tilespmem:$0x7EA0];
	v0 =	vmul.f32 v1, v0  }
0x3f: {  	v47 =	vld [tilespmem:$0x7C20];
	v2 =	vmul.f32 v3, v2  }
0x40: {  	v49 =	vld [tilespmem:$0x7EB0];
	v60 =	vmul.f32 v5, v4;
	[tilespmem:$0x7F80] =	vst v0  }
0x41: {  	v51 =	vld [tilespmem:$0x7C30];
	v61 =	vmul.f32 v7, v6;
	[tilespmem:$0x7F90] =	vst v2  }
0x42: {  	v53 =	vld [tilespmem:$0x7EC0];
	v62 =	vmul.f32 v9, v8;
	[tilespmem:$0x7FA0] =	vst v60  }
0x43: {  	v55 =	vld [tilespmem:$0x7C40];
	v63 =	vmul.f32 v11, v10;
	[tilespmem:$0x7FB0] =	vst v61  }
0x44: {  	v57 =	vld [tilespmem:$0x7ED0];
	v13 =	vmul.f32 v13, v12;
	[tilespmem:$0x7FC0] =	vst v62  }
0x45: {  	v59 =	vld [tilespmem:$0x7C50];
	v15 =	vmul.f32 v15, v14;
	[tilespmem:$0x7FD0] =	vst v63  }
0x46: {  	v1 =	vld [tilespmem:$0x7BE0];
	v46 =	vmul.f32 v17, v16;
	[tilespmem:$0x7FE0] =	vst v13  }
0x47: {  	v3 =	vld [tilespmem:$0x7E70];
	v48 =	vmul.f32 v19, v18;
	[tilespmem:$0x7FF0] =	vst v15  }
0x48: {  	v4 =	vld [tilespmem:$0x7BF0];
	v50 =	vmul.f32 v21, v20;
	[tilespmem:$0x8000] =	vst v46  }
0x49: {  	v5 =	vld [tilespmem:$0x7E80];
	v52 =	vmul.f32 v23, v22;
	[tilespmem:$0x8010] =	vst v48  }
0x4a: {  	v6 =	vld [tilespmem:$0x7C00];
	v54 =	vmul.f32 v25, v24;
	[tilespmem:$0x8020] =	vst v50  }
0x4b: {  	v7 =	vld [tilespmem:$0x7E90];
	v56 =	vmul.f32 v27, v26;
	[tilespmem:$0x8030] =	vst v52  }
0x4c: {  	v8 =	vld [tilespmem:$0x7C10];
	v58 =	vmul.f32 v29, v28;
	[tilespmem:$0x8040] =	vst v54  }
0x4d: {  	v24 =	vmul.f32 v35, v34;
	v25 =	vld [tilespmem:$0x7EF0];
	[tilespmem:$0x8050] =	vst v56  }
0x4e: {  	v26 =	vmul.f32 v37, v36;
	v27 =	vld [tilespmem:$0x7C70];
	[tilespmem:$0x8060] =	vst v58  }
0x4f: {  	v28 =	vmul.f32 v39, v38;
	v29 =	vld [tilespmem:$0x7F00];
	[tilespmem:$0x8090] =	vst v24  }
0x50: {  	v35 =	vld [tilespmem:$0x7C90];
	v60 =	vmul.f32 v31, v30;
	[tilespmem:$0x80A0] =	vst v26  }
0x51: {  	v37 =	vld [tilespmem:$0x7F20];
	v62 =	vmul.f32 v33, v32;
	[tilespmem:$0x80B0] =	vst v28  }
0x52: {  	v39 =	vld [tilespmem:$0x7CA0];
	v30 =	vmul.f32 v41, v40;
	[tilespmem:$0x8070] =	vst v60  }
0x53: {  	v61 =	vld [tilespmem:$0x7EE0];
	v32 =	vmul.f32 v43, v42;
	[tilespmem:$0x8080] =	vst v62  }
0x54: {  	v63 =	vld [tilespmem:$0x7C60];
	v42 =	vmul.f32 v47, v45;
	[tilespmem:$0x80C0] =	vst v30  }
0x55: {  	v31 =	vld [tilespmem:$0x7C80];
	v46 =	vmul.f32 v55, v53;
	[tilespmem:$0x80D0] =	vst v32  }
0x56: {  	v33 =	vld [tilespmem:$0x7F10];
	v48 =	vmul.f32 v59, v57;
	[tilespmem:$0x8120] =	vst v42  }
0x57: {  	v41 =	vld [tilespmem:$0x7F30];
	[tilespmem:$0x8140] =	vst v46;
	v34 =	vmul.f32 v1, v44  }
0x58: {  	v43 =	vld [tilespmem:$0x7CB0];
	[tilespmem:$0x8150] =	vst v48;
	v36 =	vmul.f32 v4, v3  }
0x59: {  	v45 =	vld [tilespmem:$0x7F40];
	v38 =	vmul.f32 v6, v5;
	[tilespmem:$0x80E0] =	vst v34  }
0x5a: {  	v47 =	vld [tilespmem:$0x7CC0];
	v40 =	vmul.f32 v8, v7;
	[tilespmem:$0x80F0] =	vst v36  }
0x5b: {  	v53 =	vld [tilespmem:$0x7F60];
	v44 =	vmul.f32 v51, v49;
	[tilespmem:$0x8100] =	vst v38  }
0x5c: {  	v55 =	vld [tilespmem:$0x7CE0];
	v52 =	vmul.f32 v27, v25;
	[tilespmem:$0x8110] =	vst v40  }
0x5d: {  	v56 =	vld [tilespmem:$0x7F70];
	v57 =	vmul.f32 v39, v37;
	[tilespmem:$0x8130] =	vst v44  }
0x5e: {  	v58 =	vld [tilespmem:$0x7CF0];
	v50 =	vmul.f32 v63, v61;
	[tilespmem:$0x8170] =	vst v52  }
0x5f: {  	v49 =	vld [tilespmem:$0x7F50];
	v54 =	vmul.f32 v31, v29;
	[tilespmem:$0x81A0] =	vst v57  }
0x60: {  	v51 =	vld [tilespmem:$0x7CD0];
	v1 =	vmul.f32 v35, v33;
	[tilespmem:$0x8160] =	vst v50  }
0x61: {  	v59 =	vmul.f32 v43, v41;
	[tilespmem:$0x8180] =	vst v54  }
0x62: {  	v60 =	vmul.f32 v47, v45;
	[tilespmem:$0x8190] =	vst v1  }
0x63: {  	v62 =	vmul.f32 v55, v53;
	[tilespmem:$0x81B0] =	vst v59  }
0x64: {  	v63 =	vmul.f32 v58, v56;
	[tilespmem:$0x81C0] =	vst v60  }
0x65: {  	[tilespmem:$0x81E0] =	vst v62;
	v61 =	vmul.f32 v51, v49  }
0x66: {  	[tilespmem:$0x81F0] =	vst v63  }
0x67: {  	s0 =	simm.s32 $0x7F80;
	[tilespmem:$0x81D0] =	vst v61  }
0x68: {  	[spmem:s2] =	stream.indirect.scatter.add.f32 [tilespmem:s0], [sflag:$0x1], $0x1, s20, s22, $0xb8;
	[tilespmem:$0x8488] =	vst v63  }
0x69: {  	s25 =	simm.s32 $0x7670;
	s19 =	simm.s32 $0x7FD0  }
0x6a: {  	[spmem:s2] =	stream.indirect.scatter.add.f32 [tilespmem:s19], [sflag:$0x1], $0x1, s25, s22, $0xb8;
	[tilespmem:$0x8488] =	vst v63  }
0x6b: {  	s21 =	simm.s32 $0x8020;
	s19 =	simm.s32 $0x76C0  }
0x6c: {  	[spmem:s2] =	stream.indirect.scatter.add.f32 [tilespmem:s21], [sflag:$0x1], $0x1, s19, s22, $0xb8;
	[tilespmem:$0x8488] =	vst v63  }
0x6d: {  	s24 =	simm.s32 $0x7710;
	s25 =	simm.s32 $0x8070  }
0x6e: {  	[spmem:s2] =	stream.indirect.scatter.add.f32 [tilespmem:s25], [sflag:$0x1], $0x1, s24, s22, $0xb8;
	[tilespmem:$0x8488] =	vst v63  }
0x6f: {  	s19 =	simm.s32 $0x7760;
	s21 =	simm.s32 $0x80C0  }
0x70: {  	[spmem:s2] =	stream.indirect.scatter.add.f32 [tilespmem:s21], [sflag:$0x1], $0x1, s19, s22, $0xb8;
	[tilespmem:$0x8488] =	vst v63  }
0x71: {  	s24 =	simm.s32 $0x77B0;
	s25 =	simm.s32 $0x8110  }
0x72: {  	[spmem:s2] =	stream.indirect.scatter.add.f32 [tilespmem:s25], [sflag:$0x1], $0x1, s24, s22, $0xb8;
	[tilespmem:$0x8488] =	vst v63  }
0x73: {  	_ = 	snop  }
0x74: {  	[spmem:s2] =	stream.indirect.scatter.add.f32 [tilespmem:s28], [sflag:$0x1], $0x1, s26, s22, $0xb8;
	[tilespmem:$0x8488] =	vst v63  }
0x75: {  	_ = 	snop  }
0x76: {  	[spmem:s2] =	stream.indirect.scatter.add.f32 [tilespmem:s30], [sflag:$0x1], $0x1, s29, s22, $0xb8;
	[tilespmem:$0x8488] =	vst v63  }
0x77: {  	_ =	swait.ge [sflag:s23], $0x50  }
0x78: {  	[sflag:s23] =	ssyncset.done $0x0  }
0x79: {  	[sflag:s23] =	ssyncadd.s32 $0xFFFFFFB0  }
0x7a: {  	_ =	swait.ge [sflag:s23], $0x50  }
0x7b: {  	[sflag:s23] =	ssyncset.done $0x0  }
0x7c: {  	[sflag:s23] =	ssyncadd.s32 $0xFFFFFFB0  }
0x7d: {  	_ =	swait.ge [sflag:s23], $0x50  }
0x7e: {  	[sflag:s23] =	ssyncset.done $0x0  }
0x7f: {  	[sflag:s23] =	ssyncadd.s32 $0xFFFFFFB0  }
0x80: {  	_ =	swait.ge [sflag:s23], $0x50  }
0x81: {  	[sflag:s23] =	ssyncset.done $0x0  }
0x82: {  	[sflag:s23] =	ssyncadd.s32 $0xFFFFFFB0  }
0x83: {  	_ =	swait.ge [sflag:s23], $0x50  }
0x84: {  	[sflag:s23] =	ssyncset.done $0x0  }
0x85: {  	[sflag:s23] =	ssyncadd.s32 $0xFFFFFFB0  }
0x86: {  	_ =	swait.ge [sflag:s23], $0x50  }
0x87: {  	[sflag:s23] =	ssyncset.done $0x0  }
0x88: {  	[sflag:s23] =	ssyncadd.s32 $0xFFFFFFB0  }
0x89: {  	_ =	swait.ge [sflag:s23], $0x50  }
0x8a: {  	[sflag:s23] =	ssyncset.done $0x0  }
0x8b: {  	[sflag:s23] =	ssyncadd.s32 $0xFFFFFFB0  }
0x8c: {  	_ =	swait.ge [sflag:s23], $0x50  }
0x8d: {  	s31 =	sadd.s32 $0x1, s31;
	[sflag:s23] =	ssyncset.done $0x0  }
0x8e: {  	p2 =	sne.s32 s31, s15;
	[sflag:s23] =	ssyncadd.s32 $0xFFFFFFB0  }
.Ltmp1:
0x8f: {  	s0 =	simm.s32 @!p0 $0x2;
	[bflag:$0x0] =	sbarrier.arrive $0xFFFF;
	(pc) =	sbr.rel @!p2 .LBB2_6-.Ltmp1, $4  }
0x90: {  	[hbm:s14], [sflag:s9] =	dma.local @!p0 [spmem:s18], $0x10  }
0x91: {  	_ =	swait.ge @!p0 [sflag:s0], $0x10  }
0x92: {  	[sflag:s0] =	ssyncset.done @!p0 $0x0  }
0x93: {  	[sflag:s0] =	ssyncadd.s32 @!p0 $0xFFFFFFF0  }
.LBB2_1:
0x94: {  	[spmem:s16], [sflag:s9] =	dma.local [hbm:s8], $0x50  }
0x95: {  	_ =	swait.ge [sflag:s17], $0x50  }
0x96: {  	[sflag:s17] =	ssyncset.done $0x0  }
0x97: {  	s0 =	simm.s32 @!p0 $0x2;
	[sflag:s17] =	ssyncadd.s32 $0xFFFFFFB0  }
0x98: {  	[spmem:s18], [sflag:s9] =	dma.local @!p0 [hbm:s6], $0x10  }
0x99: {  	_ =	swait.ge @!p0 [sflag:s0], $0x10  }
0x9a: {  	[sflag:s0] =	ssyncset.done @!p0 $0x0  }
0x9b: {  	[sflag:s0] =	ssyncadd.s32 @!p0 $0xFFFFFFF0  }
0x9c: {  	[tilespmem:s3], [sflag:$0x2] =	stream.linear.gather [hbm4b:s5+s3], $0x2800, $0x38;
	[tilespmem:$0x8488] =	vst v63  }
0x9d: {  	_ =	swait.ge [sflag:s17], $0x2800  }
0x9e: {  	[sflag:s17] =	ssyncset.done $0x0  }
0x9f: {  	s25 =	simm.s32 $0x2800;
	[sflag:s17] =	ssyncadd.s32 $0xFFFFD800  }
0xa0: {  	[tilespmem:s25], [sflag:$0x2] =	stream.linear.gather [hbm4b:s10+s3], $0x2710, $0x38;
	[tilespmem:$0x8488] =	vst v63  }
0xa1: {  	_ =	swait.ge [sflag:s17], $0x2710  }
0xa2: {  	[sflag:s17] =	ssyncset.done $0x0  }
0xa3: {  	s0 =	simm.s32 $0x4F10;
	[sflag:s17] =	ssyncadd.s32 $0xFFFFD8F0  }
0xa4: {  	[tilespmem:s0], [sflag:$0x2] =	stream.linear.gather [hbm4b:s11+s3], $0x2710, $0x38;
	[tilespmem:$0x8488] =	vst v63  }
0xa5: {  	_ =	swait.ge [sflag:s17], $0x2710  }
0xa6: {  	[sflag:s17] =	ssyncset.done $0x0  }
0xa7: {  	[sflag:s17] =	ssyncadd.s32 $0xFFFFD8F0  }
0xa8: {  	[tilespmem:s20], [sflag:$0x2] =	stream.linear.gather [hbm4b:s12+s3], $0x280, $0x38;
	[tilespmem:$0x8488] =	vst v63  }
0xa9: {  	_ =	swait.ge [sflag:s17], $0x280  }
0xaa: {  	[sflag:s17] =	ssyncset.done $0x0  }
0xab: {  	s19 =	simm.s32 $0x7D00;
	[sflag:s17] =	ssyncadd.s32 $0xFFFFFD80  }
0xac: {  	[tilespmem:s19], [sflag:$0x2] =	stream.linear.gather [hbm4b:s13+s3], $0x280, $0x38;
	[tilespmem:$0x8488] =	vst v63  }
0xad: {  	_ =	swait.ge [sflag:s17], $0x280  }
0xae: {  	[sflag:s17] =	ssyncset.done $0x0  }
0xaf: {  	[sflag:s17] =	ssyncadd.s32 $0xFFFFFD80  }
0xb0: {  	s21 =	simm.s32 $0x0;
	s19 =	simm.s32 $0x2820;
	[bflag:$0x0] =	sbarrier.arrive $0xFFFF  }
.LBB2_2:
0xb1: {  	p2 =	slt.u32 s21, $0x6  }
0xb2: {  	s24 =	simm.s32 @!p2 $0x1  }
0xb3: {  	_ =	swait.ge @!p2 [sflag:s24], $0x50  }
0xb4: {  	[sflag:s24] =	ssyncset.done @!p2 $0x0  }
0xb5: {  	[sflag:s24] =	ssyncadd.s32 @!p2 $0xFFFFFFB0  }
0xb6: {  	v0 =	vld [tilespmem:s19+$0xFFFFFFE0];
	_ =	sdelay $0x1  }
0xb7: {  	s25 =	smul.u32 $0xAB, s21;
	_ =	sdelay $0x1  }
0xb8: {  	s24 =	sshrl.u32 s25, $0xA  }
0xb9: {  	s24 =	sand.u32 $0x3F, s24  }
0xba: {  	s24 =	smul.u32 $0x6, s24;
	_ =	sdelay $0x1  }
0xbb: {  	s24 =	ssub.s32 s21, s24;
	v0 =	vld.idx.msk [tilespmem:v0+s3+$0x0], $0xffff  }
0xbc: {  	s24 =	sand.u32 $0xFF, s24  }
0xbd: {  	s24 =	smul.u32 $0x140, s24;
	_ =	sdelay $0x1  }
0xbe: {  	s24 =	sshrl.u32 s24, $0x2  }
0xbf: {  	[tilespmem:s24+$0x78A0] =	vst v0  }
0xc0: {  	v0 =	vld [tilespmem:s19+$0xFFFFFFF0];
	_ =	sdelay $0x7  }
0xc1: {  	v0 =	vld.idx.msk [tilespmem:v0+s3+$0x0], $0xffff;
	_ =	sdelay $0x4  }
0xc2: {  	[tilespmem:s24+$0x78B0] =	vst v0  }
0xc3: {  	v0 =	vld [tilespmem:s19+$0x0];
	_ =	sdelay $0x7  }
0xc4: {  	v0 =	vld.idx.msk [tilespmem:v0+s3+$0x0], $0xffff;
	_ =	sdelay $0x4  }
0xc5: {  	[tilespmem:s24+$0x78C0] =	vst v0  }
0xc6: {  	v0 =	vld [tilespmem:s19+$0x10];
	_ =	sdelay $0x7  }
0xc7: {  	v0 =	vld.idx.msk [tilespmem:v0+s3+$0x0], $0xffff;
	_ =	sdelay $0x4  }
0xc8: {  	[tilespmem:s24+$0x78D0] =	vst v0  }
0xc9: {  	v0 =	vld [tilespmem:s19+$0x20];
	_ =	sdelay $0x7  }
0xca: {  	v0 =	vld.idx.msk [tilespmem:v0+s3+$0x0], $0xffff  }
0xcb: {  	s21 =	sadd.s32 $0x1, s21  }
0xcc: {  	p2 =	sne.s32 s21, $0x7D  }
.Ltmp2:
0xcd: {  	_ = 	snop;
	(pc) =	sbr.rel @p2 .LBB2_2-.Ltmp2, $4  }
0xce: {  	_ = 	snop  }
0xcf: {  	s25 =	sadd.s32 $0x78A0, s24;
	[tilespmem:s24+$0x78E0] =	vst v0  }
0xd0: {  	[spmem:s1] =	stream.indirect.scatter.add.f32 [tilespmem:s25], [sflag:$0x1], $0x1, s0, s22, $0xb8;
	[tilespmem:$0x8488] =	vst v63  }
0xd1: {  	s19 =	sadd.s32 $0x50, s19;
	s0 =	sadd.s32 $0x50, s0  }
0xd2: {  	_ =	swait.ge [sflag:s23], $0x50  }
0xd3: {  	[sflag:s23] =	ssyncset.done $0x0  }
0xd4: {  	[sflag:s23] =	ssyncadd.s32 $0xFFFFFFB0  }
0xd5: {  	_ =	swait.ge [sflag:s23], $0x50  }
0xd6: {  	[sflag:s23] =	ssyncset.done $0x0  }
0xd7: {  	[sflag:s23] =	ssyncadd.s32 $0xFFFFFFB0  }
0xd8: {  	_ =	swait.ge [sflag:s23], $0x50  }
0xd9: {  	[sflag:s23] =	ssyncset.done $0x0  }
0xda: {  	[sflag:s23] =	ssyncadd.s32 $0xFFFFFFB0  }
0xdb: {  	_ =	swait.ge [sflag:s23], $0x50  }
0xdc: {  	[sflag:s23] =	ssyncset.done $0x0  }
0xdd: {  	[sflag:s23] =	ssyncadd.s32 $0xFFFFFFB0  }
0xde: {  	_ =	swait.ge [sflag:s23], $0x50  }
0xdf: {  	[sflag:s23] =	ssyncset.done $0x0  }
0xe0: {  	[sflag:s23] =	ssyncadd.s32 $0xFFFFFFB0  }
0xe1: {  	_ =	swait.ge [sflag:s23], $0x50  }
0xe2: {  	[sflag:s23] =	ssyncset.done $0x0  }
0xe3: {  	[sflag:s23] =	ssyncadd.s32 $0xFFFFFFB0  }
.Ltmp3:
0xe4: {  	s0 =	simm.s32 $0x7A80;
	[bflag:$0x0] =	sbarrier.arrive $0xFFFF;
	(pc) =	sbr.rel @p1 .LBB2_5-.Ltmp3, $4  }
0xe5: {  	[tilespmem:s0], [sflag:$0x2] =	stream.linear.gather [spmem:s7], $0x280, $0x38;
	[tilespmem:$0x8488] =	vst v63  }
0xe6: {  	_ =	swait.ge [sflag:s17], $0x280  }
0xe7: {  	[sflag:s17] =	ssyncset.done $0x0  }
0xe8: {  	[sflag:s17] =	ssyncadd.s32 $0xFFFFFD80  }
0xe9: {  	v0 =	vld [tilespmem:$0x7A80]  }
0xea: {  	v1 =	vld [tilespmem:s4+$0x0];
	_ =	sdelay $0x4  }
0xeb: {  	v0 =	vadd.f32 v1, v0;
	_ =	sdelay $0x1  }
0xec: {  	v46 =	vld [tilespmem:$0x7A90];
	[tilespmem:$0x7A80] =	vst v0  }
0xed: {  	v47 =	vld [tilespmem:s4+$0x10];
	_ =	sdelay $0x4  }
0xee: {  	v0 =	vadd.f32 v47, v46;
	_ =	sdelay $0x1  }
0xef: {  	v48 =	vld [tilespmem:$0x7AA0];
	[tilespmem:$0x7A90] =	vst v0  }
0xf0: {  	v49 =	vld [tilespmem:s4+$0x20];
	_ =	sdelay $0x4  }
0xf1: {  	v0 =	vadd.f32 v49, v48;
	_ =	sdelay $0x1  }
0xf2: {  	v50 =	vld [tilespmem:$0x7AB0];
	[tilespmem:$0x7AA0] =	vst v0  }
0xf3: {  	v51 =	vld [tilespmem:s4+$0x30];
	_ =	sdelay $0x4  }
0xf4: {  	v0 =	vadd.f32 v51, v50;
	_ =	sdelay $0x1  }
0xf5: {  	v52 =	vld [tilespmem:$0x7AC0];
	[tilespmem:$0x7AB0] =	vst v0  }
0xf6: {  	v53 =	vld [tilespmem:s4+$0x40];
	_ =	sdelay $0x4  }
0xf7: {  	v0 =	vadd.f32 v53, v52;
	_ =	sdelay $0x1  }
0xf8: {  	v54 =	vld [tilespmem:$0x7AD0];
	[tilespmem:$0x7AC0] =	vst v0  }
0xf9: {  	v55 =	vld [tilespmem:s4+$0x50];
	_ =	sdelay $0x4  }
0xfa: {  	v0 =	vadd.f32 v55, v54;
	_ =	sdelay $0x1  }
0xfb: {  	v56 =	vld [tilespmem:$0x7AE0];
	[tilespmem:$0x7AD0] =	vst v0  }
0xfc: {  	v57 =	vld [tilespmem:s4+$0x60];
	_ =	sdelay $0x4  }
0xfd: {  	v0 =	vadd.f32 v57, v56;
	_ =	sdelay $0x1  }
0xfe: {  	v58 =	vld [tilespmem:$0x7AF0];
	[tilespmem:$0x7AE0] =	vst v0  }
0xff: {  	v59 =	vld [tilespmem:s4+$0x70];
	_ =	sdelay $0x4  }
0x100: {  	v0 =	vadd.f32 v59, v58;
	_ =	sdelay $0x1  }
0x101: {  	v60 =	vld [tilespmem:$0x7B00];
	[tilespmem:$0x7AF0] =	vst v0  }
0x102: {  	v61 =	vld [tilespmem:s4+$0x80];
	_ =	sdelay $0x4  }
0x103: {  	v0 =	vadd.f32 v61, v60;
	_ =	sdelay $0x1  }
0x104: {  	v62 =	vld [tilespmem:$0x7B10];
	[tilespmem:$0x7B00] =	vst v0  }
0x105: {  	v63 =	vld [tilespmem:s4+$0x90];
	_ =	sdelay $0x4  }
0x106: {  	v0 =	vadd.f32 v63, v62;
	_ =	sdelay $0x1  }
0x107: {  	v4 =	vld [tilespmem:$0x7B20];
	[tilespmem:$0x7B10] =	vst v0  }
0x108: {  	v5 =	vld [tilespmem:s4+$0xA0];
	_ =	sdelay $0x4  }
0x109: {  	v0 =	vadd.f32 v5, v4;
	_ =	sdelay $0x1  }
0x10a: {  	v6 =	vld [tilespmem:$0x7B30];
	[tilespmem:$0x7B20] =	vst v0  }
0x10b: {  	v7 =	vld [tilespmem:s4+$0xB0];
	_ =	sdelay $0x4  }
0x10c: {  	v0 =	vadd.f32 v7, v6;
	_ =	sdelay $0x1  }
0x10d: {  	v8 =	vld [tilespmem:$0x7B40];
	[tilespmem:$0x7B30] =	vst v0  }
0x10e: {  	v9 =	vld [tilespmem:s4+$0xC0];
	_ =	sdelay $0x4  }
0x10f: {  	v0 =	vadd.f32 v9, v8;
	_ =	sdelay $0x1  }
0x110: {  	v10 =	vld [tilespmem:$0x7B50];
	[tilespmem:$0x7B40] =	vst v0  }
0x111: {  	v11 =	vld [tilespmem:s4+$0xD0];
	_ =	sdelay $0x4  }
0x112: {  	v0 =	vadd.f32 v11, v10;
	_ =	sdelay $0x1  }
0x113: {  	v12 =	vld [tilespmem:$0x7B60];
	[tilespmem:$0x7B50] =	vst v0  }
0x114: {  	v13 =	vld [tilespmem:s4+$0xE0];
	_ =	sdelay $0x4  }
0x115: {  	v0 =	vadd.f32 v13, v12;
	_ =	sdelay $0x1  }
0x116: {  	v14 =	vld [tilespmem:$0x7B70];
	[tilespmem:$0x7B60] =	vst v0  }
0x117: {  	v15 =	vld [tilespmem:s4+$0xF0];
	_ =	sdelay $0x4  }
0x118: {  	v0 =	vadd.f32 v15, v14;
	_ =	sdelay $0x1  }
0x119: {  	v16 =	vld [tilespmem:$0x7B80];
	[tilespmem:$0x7B70] =	vst v0  }
0x11a: {  	v17 =	vld [tilespmem:s4+$0x100];
	_ =	sdelay $0x4  }
0x11b: {  	v0 =	vadd.f32 v17, v16;
	_ =	sdelay $0x1  }
0x11c: {  	v18 =	vld [tilespmem:$0x7B90];
	[tilespmem:$0x7B80] =	vst v0  }
0x11d: {  	v19 =	vld [tilespmem:s4+$0x110];
	_ =	sdelay $0x4  }
0x11e: {  	v0 =	vadd.f32 v19, v18;
	_ =	sdelay $0x1  }
0x11f: {  	v20 =	vld [tilespmem:$0x7BA0];
	[tilespmem:$0x7B90] =	vst v0  }
0x120: {  	v21 =	vld [tilespmem:s4+$0x120];
	_ =	sdelay $0x4  }
0x121: {  	v0 =	vadd.f32 v21, v20;
	_ =	sdelay $0x1  }
0x122: {  	v22 =	vld [tilespmem:$0x7BB0];
	[tilespmem:$0x7BA0] =	vst v0  }
0x123: {  	v23 =	vld [tilespmem:s4+$0x130];
	_ =	sdelay $0x4  }
0x124: {  	v0 =	vadd.f32 v23, v22;
	_ =	sdelay $0x1  }
0x125: {  	v24 =	vld [tilespmem:$0x7BC0];
	[tilespmem:$0x7BB0] =	vst v0  }
0x126: {  	v25 =	vld [tilespmem:s4+$0x140];
	_ =	sdelay $0x4  }
0x127: {  	v0 =	vadd.f32 v25, v24;
	_ =	sdelay $0x1  }
0x128: {  	v26 =	vld [tilespmem:$0x7BD0];
	[tilespmem:$0x7BC0] =	vst v0  }
0x129: {  	v27 =	vld [tilespmem:s4+$0x150];
	_ =	sdelay $0x4  }
0x12a: {  	v0 =	vadd.f32 v27, v26;
	_ =	sdelay $0x1  }
0x12b: {  	v28 =	vld [tilespmem:$0x7BE0];
	[tilespmem:$0x7BD0] =	vst v0  }
0x12c: {  	v29 =	vld [tilespmem:s4+$0x160];
	_ =	sdelay $0x4  }
0x12d: {  	v0 =	vadd.f32 v29, v28;
	_ =	sdelay $0x1  }
0x12e: {  	v30 =	vld [tilespmem:$0x7BF0];
	[tilespmem:$0x7BE0] =	vst v0  }
0x12f: {  	v31 =	vld [tilespmem:s4+$0x170];
	_ =	sdelay $0x4  }
0x130: {  	v0 =	vadd.f32 v31, v30;
	_ =	sdelay $0x1  }
0x131: {  	v32 =	vld [tilespmem:$0x7C00];
	[tilespmem:$0x7BF0] =	vst v0  }
0x132: {  	v33 =	vld [tilespmem:s4+$0x180];
	_ =	sdelay $0x4  }
0x133: {  	v0 =	vadd.f32 v33, v32;
	_ =	sdelay $0x1  }
0x134: {  	v34 =	vld [tilespmem:$0x7C10];
	[tilespmem:$0x7C00] =	vst v0  }
0x135: {  	v35 =	vld [tilespmem:s4+$0x190];
	_ =	sdelay $0x4  }
0x136: {  	v0 =	vadd.f32 v35, v34;
	_ =	sdelay $0x1  }
0x137: {  	v36 =	vld [tilespmem:$0x7C20];
	[tilespmem:$0x7C10] =	vst v0  }
0x138: {  	v37 =	vld [tilespmem:s4+$0x1A0];
	_ =	sdelay $0x4  }
0x139: {  	v0 =	vadd.f32 v37, v36;
	_ =	sdelay $0x1  }
0x13a: {  	v38 =	vld [tilespmem:$0x7C30];
	[tilespmem:$0x7C20] =	vst v0  }
0x13b: {  	v39 =	vld [tilespmem:s4+$0x1B0];
	_ =	sdelay $0x4  }
0x13c: {  	v0 =	vadd.f32 v39, v38;
	_ =	sdelay $0x1  }
0x13d: {  	v40 =	vld [tilespmem:$0x7C40];
	[tilespmem:$0x7C30] =	vst v0  }
0x13e: {  	v41 =	vld [tilespmem:s4+$0x1C0];
	_ =	sdelay $0x4  }
0x13f: {  	v0 =	vadd.f32 v41, v40;
	_ =	sdelay $0x1  }
0x140: {  	v42 =	vld [tilespmem:$0x7C50];
	[tilespmem:$0x7C40] =	vst v0  }
0x141: {  	v43 =	vld [tilespmem:s4+$0x1D0];
	_ =	sdelay $0x4  }
0x142: {  	v0 =	vadd.f32 v43, v42;
	_ =	sdelay $0x1  }
0x143: {  	v44 =	vld [tilespmem:$0x7C60];
	[tilespmem:$0x7C50] =	vst v0  }
0x144: {  	v45 =	vld [tilespmem:s4+$0x1E0];
	_ =	sdelay $0x4  }
0x145: {  	v0 =	vadd.f32 v45, v44;
	_ =	sdelay $0x1  }
0x146: {  	v46 =	vld [tilespmem:$0x7C70];
	[tilespmem:$0x7C60] =	vst v0  }
0x147: {  	v47 =	vld [tilespmem:s4+$0x1F0];
	_ =	sdelay $0x4  }
0x148: {  	v0 =	vadd.f32 v47, v46;
	_ =	sdelay $0x1  }
0x149: {  	v48 =	vld [tilespmem:$0x7C80];
	[tilespmem:$0x7C70] =	vst v0  }
0x14a: {  	v49 =	vld [tilespmem:s4+$0x200];
	_ =	sdelay $0x4  }
0x14b: {  	v0 =	vadd.f32 v49, v48;
	_ =	sdelay $0x1  }
0x14c: {  	v50 =	vld [tilespmem:$0x7C90];
	[tilespmem:$0x7C80] =	vst v0  }
0x14d: {  	v51 =	vld [tilespmem:s4+$0x210];
	_ =	sdelay $0x4  }
0x14e: {  	v0 =	vadd.f32 v51, v50;
	_ =	sdelay $0x1  }
0x14f: {  	v52 =	vld [tilespmem:$0x7CA0];
	[tilespmem:$0x7C90] =	vst v0  }
0x150: {  	v53 =	vld [tilespmem:s4+$0x220];
	_ =	sdelay $0x4  }
0x151: {  	v0 =	vadd.f32 v53, v52;
	_ =	sdelay $0x1  }
0x152: {  	v54 =	vld [tilespmem:$0x7CB0];
	[tilespmem:$0x7CA0] =	vst v0  }
0x153: {  	v55 =	vld [tilespmem:s4+$0x230];
	_ =	sdelay $0x4  }
0x154: {  	v0 =	vadd.f32 v55, v54;
	_ =	sdelay $0x1  }
0x155: {  	v56 =	vld [tilespmem:$0x7CC0];
	[tilespmem:$0x7CB0] =	vst v0  }
0x156: {  	v57 =	vld [tilespmem:s4+$0x240];
	_ =	sdelay $0x4  }
0x157: {  	v0 =	vadd.f32 v57, v56;
	_ =	sdelay $0x1  }
0x158: {  	v58 =	vld [tilespmem:$0x7CD0];
	[tilespmem:$0x7CC0] =	vst v0  }
0x159: {  	v59 =	vld [tilespmem:s4+$0x250];
	_ =	sdelay $0x4  }
0x15a: {  	v0 =	vadd.f32 v59, v58;
	_ =	sdelay $0x1  }
0x15b: {  	v60 =	vld [tilespmem:$0x7CE0];
	[tilespmem:$0x7CD0] =	vst v0  }
0x15c: {  	v61 =	vld [tilespmem:s4+$0x260];
	_ =	sdelay $0x4  }
0x15d: {  	v0 =	vadd.f32 v61, v60;
	_ =	sdelay $0x1  }
0x15e: {  	v62 =	vld [tilespmem:$0x7CF0];
	[tilespmem:$0x7CE0] =	vst v0  }
0x15f: {  	v63 =	vld [tilespmem:s4+$0x270];
	_ =	sdelay $0x2  }
.Ltmp4:
0x160: {  	_ = 	snop;
	(pc) =	sbr.rel .LBB2_5-.Ltmp4, $3  }
0x161: {  	_ = 	snop  }
0x162: {  	v0 =	vadd.f32 v63, v62;
	_ =	sdelay $0x1  }
0x163: {  	[tilespmem:$0x7CF0] =	vst v0  }
.LBB2_6:
0x164: {  	_ =	sfence.sel $0x180000  }
0x165: {  	[bflag:$0x0] =	sbarrier.arrive $0xFFFF  }
0x166: {  	_ =	strace $0x9000004D  }
0x167: {  	[bflag:$0x2] =	sbarrier.arrive $0xFFFF  }
0x168: {  	s0 =	rddreg [dreg:$0x3]  }
0x169: {  	s0 =	sadd.s32 @!p0 $0x100000, s0  }
0x16a: {  	[sflag:s0] =	ssyncadd.tile.s32 @!p0 $0x1;
	_ =	shalt  }
.Lfunc_end2:
_tile_overlayer_lowered:
.L_overlay_start_2:
0x16b: {  	(tag) =	ssettag $0x2  }
0x16c: {  	s0 =	rddreg [dreg:$0x0];
	s2 =	stileid.u32  }
0x16d: {  	s1 =	rddreg [dreg:$0x1];
	p0 =	sne.s32 s2, $0x0  }
0x16e: {  	s3 =	rddreg [dreg:$0x2];
	[bflag:$0x3] =	sbarrier.arrive $0xFFFF;
	s2 =	simm.s32 @!p0 $0x1C02  }
0x16f: {  	[timem:s3], [sflag:s2] =	dma.local @!p0 [hbm:s0], s1  }
0x170: {  	s0 =	simm.s32 @!p0 $0x2  }
0x171: {  	_ =	swait.ge @!p0 [sflag:s0], s1  }
0x172: {  	s1 =	ssub.s32 @!p0 $0x0, s1;
	[sflag:s0] =	ssyncset.done @!p0 $0x0  }
0x173: {  	[sflag:s0] =	ssyncadd.s32 @!p0 s1  }
0x174: {  	[bflag:$0x3] =	sbarrier.arrive $0xFFFF  }
0x175: {  	_ =	shalt  }

// kernel: kernel.7.cloned.1.call-start
scs
__scs_entry_jumppad:
0x0: {  	(pc) =	sbr.rel $0x88, $3  }
0x1: {  	(tag) =	ssettag $0x0;
	lr =	simm.s32 $0x1  }
0x2: {  	[smem:$0x3F98] =	sst lr;
	_ =	strace $0xD0000000  }
0x3: {  	_ = 	snop  }
0x4: {  	_ = 	snop  }
0x5: {  	_ = 	snop  }
0x6: {  	_ = 	snop  }
0x7: {  	_ = 	snop  }
__scs_overlays_trampoline_lowered:
0x8: {  	[smem:$0x3FA7] =	sst s0  }
0x9: {  	[smem:$0x3FA8] =	sst s1  }
0xa: {  	[smem:$0x3FA9] =	sst s2  }
0xb: {  	[smem:$0x3FAA] =	sst s3  }
0xc: {  	[smem:$0x3FAB] =	sst s4  }
0xd: {  	[smem:$0x3FAC] =	sst s5  }
0xe: {  	[smem:$0x3FAD] =	sst s6  }
0xf: {  	[smem:$0x3FAE] =	sst s7  }
0x10: {  	[smem:$0x3FAF] =	sst s8  }
0x11: {  	[smem:$0x3FB0] =	sst s9;
	s0 =	simm.s32 @!p0 $0x0  }
0x12: {  	s1 =	sld [smem:$0x3F96];
	s0 =	simm.s32 @p0 $0x1  }
0x13: {  	[smem:$0x3FB1] =	sst s0;
	s0 =	simm.s32 @!p1 $0x0  }
0x14: {  	s2 =	sld [smem:$0x3F95];
	s0 =	simm.s32 @p1 $0x1  }
0x15: {  	[smem:$0x3FB2] =	sst s0;
	s0 =	simm.s32 @!p2 $0x0  }
0x16: {  	s3 =	sld [smem:$0x3FDB];
	s0 =	simm.s32 @p2 $0x1  }
0x17: {  	s4 =	simm.s32 $0x1BF5;
	[smem:$0x3FB4] =	sst s0  }
0x18: {  	s0 =	sld [smem:$0x3F97];
	_ =	swait.ge [sflag:s4], $0x0  }
0x19: {  	s7 =	sld [smem:$0x3F98]  }
0x1a: {  	s8 =	sadd.s32 $0xFFFFE003, lr  }
0x1b: {  	s9 =	sadd.s32 $0xFFFFFEF7, lr;
	s5 =	simm.s32 $0xFFFFFFFF;
	p2 =	slt.u32 s8, $0xFFFFF086  }
0x1c: {  	p1 =	slt.u32 s9, $0xF7A;
	s5 =	simm.s32 @!p2 $0x0  }
0x1d: {  	s5 =	simm.s32 @p1 $0x1;
	p0 =	seq.s32 s7, s2  }
0x1e: {  	s7 =	smul.u32 @!p0 $0xF7A, s2;
	p2 =	seq.s32 @!p0 s5, $0x0  }
0x1f: {  	s9 =	smul.u32 $0xF7A, s1;
	s8 =	simm.s32 @!p0 $0x1BF5;
	p2 =	por !p2, p0  }
0x20: {  	[sflag:s8] =	ssyncset.s32 @!p0 $0xFFFFF086;
	s6 =	sadd.s32 @!p0 s3, s7;
	s7 =	simm.s32 @!p0 $0x108  }
0x21: {  	s3 =	sadd.s32 s3, s9;
	s6 =	sadd.s32 @!p0 $0x88, s6;
	s7 =	simm.s32 @p2 $0x1082  }
0x22: {  	[simem:s7], [sflag:s8] =	dma.local @!p0 [hbm:s6], $0xF7A  }
0x23: {  	s9 =	sor.u32 $0xD0000000, s2;
	s6 =	simm.s32 $0x108;
	_ =	swait.ge @!p0 [sflag:s8], $0x0  }
0x24: {  	s3 =	sadd.s32 $0x88, s3;
	s6 =	simm.s32 @!p1 $0x1082;
	[sflag:s4] =	ssyncset.s32 $0xFFFFF086  }
0x25: {  	[simem:s6], [sflag:s4] =	dma.local [hbm:s3], $0xF7A  }
0x26: {  	[smem:$0x3F98] =	sst s1;
	(tag) =	ssettag s2;
	_ =	strace s9  }
0x27: {  	s1 =	sld [smem:$0x3FA8]  }
0x28: {  	s2 =	sld [smem:$0x3FA9]  }
0x29: {  	s4 =	sld [smem:$0x3FAB]  }
0x2a: {  	p0 =	seq.s32 s5, $0x0;
	s5 =	sld [smem:$0x3FAC]  }
0x2b: {  	s6 =	sld [smem:$0x3FAD]  }
0x2c: {  	s7 =	sld [smem:$0x3FAE]  }
0x2d: {  	s3 =	simm.s32 $0x108;
	s8 =	sld [smem:$0x3FAF]  }
0x2e: {  	s3 =	simm.s32 @!p0 $0x1082;
	s9 =	sld [smem:$0x3FB0]  }
0x2f: {  	lr =	sadd.s32 s0, s3;
	s0 =	sld [smem:$0x3FA7]  }
0x30: {  	s3 =	sld [smem:$0x3FAA]  }
0x31: {  	[smem:$0x3FB3] =	sst s10  }
0x32: {  	s10 =	sld [smem:$0x3FB1];
	_ =	sdelay $0x3  }
0x33: {  	p0 =	seq.s32 s10, $0x1;
	s10 =	sld [smem:$0x3FB3];
	_ =	sdelay $0x3  }
0x34: {  	[smem:$0x3FB3] =	sst s10  }
0x35: {  	s10 =	sld [smem:$0x3FB2];
	_ =	sdelay $0x3  }
0x36: {  	p1 =	seq.s32 s10, $0x1;
	s10 =	sld [smem:$0x3FB3];
	_ =	sdelay $0x3  }
0x37: {  	[smem:$0x3FB3] =	sst s10  }
0x38: {  	s10 =	sld [smem:$0x3FB4]  }
0x39: {  	_ = 	snop;
	(pc) =	sbr.ind lr, $3  }
0x3a: {  	_ = 	snop  }
0x3b: {  	_ = 	snop  }
0x3c: {  	p2 =	seq.s32 s10, $0x1;
	s10 =	sld [smem:$0x3FB3]  }
0x3d: {  	_ =	shalt  }
0x3e: {  	_ =	shalt  }
0x3f: {  	_ =	shalt  }
0x40: {  	_ =	shalt  }
0x41: {  	_ =	shalt  }
0x42: {  	_ =	shalt  }
0x43: {  	_ =	shalt  }
0x44: {  	_ =	shalt  }
0x45: {  	_ =	shalt  }
0x46: {  	_ =	shalt  }
0x47: {  	_ =	shalt  }
0x48: {  	_ =	shalt  }
0x49: {  	_ =	shalt  }
0x4a: {  	_ =	shalt  }
0x4b: {  	_ =	shalt  }
0x4c: {  	_ =	shalt  }
0x4d: {  	_ =	shalt  }
0x4e: {  	_ =	shalt  }
0x4f: {  	_ =	shalt  }
0x50: {  	_ =	shalt  }
0x51: {  	_ =	shalt  }
0x52: {  	_ =	shalt  }
0x53: {  	_ =	shalt  }
0x54: {  	_ =	shalt  }
0x55: {  	_ =	shalt  }
0x56: {  	_ =	shalt  }
0x57: {  	_ =	shalt  }
0x58: {  	_ =	shalt  }
0x59: {  	_ =	shalt  }
0x5a: {  	_ =	shalt  }
0x5b: {  	_ =	shalt  }
0x5c: {  	_ =	shalt  }
0x5d: {  	_ =	shalt  }
0x5e: {  	_ =	shalt  }
0x5f: {  	_ =	shalt  }
0x60: {  	_ =	shalt  }
0x61: {  	_ =	shalt  }
0x62: {  	_ =	shalt  }
0x63: {  	_ =	shalt  }
0x64: {  	_ =	shalt  }
0x65: {  	_ =	shalt  }
0x66: {  	_ =	shalt  }
0x67: {  	_ =	shalt  }
0x68: {  	_ =	shalt  }
0x69: {  	_ =	shalt  }
0x6a: {  	_ =	shalt  }
0x6b: {  	_ =	shalt  }
0x6c: {  	_ =	shalt  }
0x6d: {  	_ =	shalt  }
0x6e: {  	_ =	shalt  }
0x6f: {  	_ =	shalt  }
0x70: {  	_ =	shalt  }
0x71: {  	_ =	shalt  }
0x72: {  	_ =	shalt  }
0x73: {  	_ =	shalt  }
0x74: {  	_ =	shalt  }
0x75: {  	_ =	shalt  }
0x76: {  	_ =	shalt  }
0x77: {  	_ =	shalt  }
0x78: {  	_ =	shalt  }
0x79: {  	_ =	shalt  }
0x7a: {  	_ =	shalt  }
0x7b: {  	_ =	shalt  }
0x7c: {  	_ =	shalt  }
0x7d: {  	_ =	shalt  }
0x7e: {  	_ =	shalt  }
0x7f: {  	_ =	shalt  }
0x80: {  	_ =	shalt  }
0x81: {  	_ =	shalt  }
0x82: {  	_ =	shalt  }
0x83: {  	_ =	shalt  }
0x84: {  	_ =	shalt  }
0x85: {  	_ =	shalt  }
0x86: {  	_ =	shalt  }
0x87: {  	_ =	shalt  }
.Lfunc_end0:
.L_simem_size_0:
called_computation_lowered:
.L_overlay_start_0:
0x88: {  	s2 =	sld [smem:$0x3FD9]  }
0x89: {  	s3 =	sld [smem:$0x3FFE];
	_ =	sdelay $0x1  }
0x8a: {  	s1 =	srdreg.scid  }
0x8b: {  	s0 =	sand.u32 $0x1, s1  }
0x8c: {  	s17 =	sshll.u32 s0, $0xA;
	s2 =	sadd.s32 s3, s2  }
0x8d: {  	s2 =	sadd.s32 s2, s17  }
0x8e: {  	[smem:$0x3FBF] =	sst s2  }
0x8f: {  	_ = 	snop  }
0x90: {  	s2 =	sld [smem:$0x3FD0];
	(tm) =	ssettm $0x1  }
0x91: {  	s18 =	sld [smem:$0x3FFB];
	_ =	sdelay $0x3  }
0x92: {  	_ =	strace s18  }
0x93: {  	s3 =	sld [smem:$0x3FFC];
	_ =	sdelay $0x3  }
0x94: {  	_ =	strace s3  }
0x95: {  	s3 =	sld [smem:$0x3FFD];
	_ =	sdelay $0x3  }
0x96: {  	_ =	strace s3  }
0x97: {  	_ =	strace $0x8FFFFFFF  }
0x98: {  	s19 =	sld [smem:$0x3FDB];
	_ =	sdelay $0x1  }
0x99: {  	s4 =	simm.s32 $_scs_section_size  }
0x9a: {  	s5 =	simm.s32 $_size__tile_overlayer_lowered;
	s6 =	simm.s32 $_tile_overlayer_lowered  }
0x9b: {  	s22 =	simm.s32 $0x1BFF;
	s21 =	sshll.u32 s6, $0x1;
	s3 =	sadd.s32 s4, s19  }
0x9c: {  	s7 =	simm.s32 $0x0;
	s20 =	sshll.u32 s5, $0x1;
	s5 =	sadd.s32 s21, s3  }
0x9d: {  	[timem:s7], [sflag:s22] =	dma.local [hbm:s5], s20  }
0x9e: {  	_ =	swait.ge [sflag:s22], s20  }
0x9f: {  	s4 =	ssub.s32 $0x0, s20;
	[sflag:s22] =	ssyncset.done $0x0  }
0xa0: {  	[sflag:s22] =	ssyncadd.s32 s4;
	_ =	sdelay $0x1  }
0xa1: {  	s23 =	simm.s32 $0x1B8B  }
0xa2: {  	_ =	swait.ge [sflag:s23], $0x1  }
0xa3: {  	[sflag:s23] =	ssyncset.done $0x0  }
0xa4: {  	s25 =	simm.s32 $0x1B8E;
	s24 =	sld [smem:$0x3FFE];
	[sflag:s23] =	ssyncadd.s32 $0xFFFFFFFF  }
0xa5: {  	s26 =	simm.s32 $execute0_lowered;
	[smem:$0x3FD2] =	sst s25  }
0xa6: {  	s5 =	sshll.u32 s26, $0x1;
	_ =	strace $0x80000046;
	[dreg:$0x1] =	wrdreg $0xFFFFFFFF  }
0xa7: {  	s28 =	simm.s32 $_size_execute0_lowered;
	s3 =	sadd.s32 s3, s5;
	[dreg:$0x0] =	wrdreg $0x0  }
0xa8: {  	s5 =	sshll.u32 s28, $0x1;
	[dreg:$0x2] =	wrdreg s3  }
0xa9: {  	[dreg:$0x3] =	wrdreg s5  }
0xaa: {  	[dreg:$0x4] =	wrdreg $0xC0  }
0xab: {  	_ =	task [dreg:s7], $0x5FFFF  }
0xac: {  	[dreg:$0x1] =	wrdreg $0xFFFFFFFF  }
0xad: {  	[dreg:$0x0] =	wrdreg $0x60  }
0xae: {  	[dreg:$0x2] =	wrdreg s24  }
0xaf: {  	[dreg:$0x3] =	wrdreg s2  }
0xb0: {  	[dreg:$0x4] =	wrdreg $0x29E00  }
0xb1: {  	[dreg:$0x5] =	wrdreg $0x2C600  }
0xb2: {  	[dreg:$0x6] =	wrdreg $0x9  }
0xb3: {  	_ =	task.clear_ibuf [dreg:s7], $0x7FFFF;
	_ =	strace $0x90000046  }
0xb4: {  	s29 =	simm.s32 $0x9;
	_ =	strace $0x80000048  }
0xb5: {  	_ =	swait.ge [sflag:s29], $0x1  }
0xb6: {  	[sflag:s29] =	ssyncadd.s32 $0xFFFFFFFF  }
0xb7: {  	_ =	strace $0x90000048  }
0xb8: {  	_ =	sfence  }
0xb9: {  	s30 =	sld [smem:$0x0];
	_ =	sdelay $0x2  }
0xba: {  	s31 =	sshll.u32 s1, $0xD;
	s1 =	sshrl.u32 s1, $0x2  }
0xbb: {  	s3 =	sand.u32 $0x4000, s31;
	s1 =	sadd.s32 s1, s30  }
0xbc: {  	s0 =	sor.u32 s3, s0;
	s1 =	sshll.u32 s1, $0x11  }
0xbd: {  	s0 =	sor.u32 s1, s0  }
0xbe: {  	s0 =	sadd.s32 $0x8F2B, s0  }
0xbf: {  	[sflag:s0] =	ssyncadd.remote.s32 $0x1  }
0xc0: {  	_ =	sfence.sel $0xFFFF  }
0xc1: {  	[dreg:$0x0] =	wrdreg $0xFFFFFFFF;
	(pc) =	sbr.abs _section_cstart, $3  }
0xc2: {  	[dreg:$0x1] =	wrdreg $0xFFFFFFFF  }
0xc3: {  	_ =	task.clear_ibuf [dreg:s7], $0x2FFFF;
	_ =	strace $0x9FFFFFFF  }
0xc4: {  	(tm) =	ssettm $0x7FFFFFFF  }
0xc5: {  	_ =	shalt  }
tec
execute0_lowered:
.L_overlay_start_1:
0x0: {  	(tag) =	ssettag $0x1  }
0x1: {  	s6 =	rddreg [dreg:$0x0]  }
0x2: {  	s0 =	srdreg.scid;
	s2 =	rddreg [dreg:$0x2]  }
0x3: {  	s13 =	stileid.u32;
	s3 =	rddreg [dreg:$0x3]  }
0x4: {  	s4 =	simm.s32 $0x0;
	s18 =	simm.s32 $0x50;
	s19 =	simm.s32 $0xA0  }
0x5: {  	s20 =	simm.s32 $0x1;
	s21 =	sand.u32 $0x1, s0;
	s0 =	rddreg [dreg:$0x1]  }
0x6: {  	s8 =	smul.u32 $0x280, s13;
	[smem:$0x7FF] =	sst s4;
	s31 =	sshll.u32 s13, $0x6  }
0x7: {  	p0 =	sne.s32 s13, $0x0;
	s7 =	sshll.u32 s21, $0x4;
	s9 =	smul.u32 $0x2800, s21  }
0x8: {  	s14 =	ssub.s32 $0x2, s21;
	p1 =	sne.s32 s21, $0x0;
	s21 =	simm.s32 $0x0  }
0x9: {  	s1 =	sor.u32 s13, s7;
	s10 =	sshrl.u32 s8, $0x3;
	s16 =	sadd.s32 s7, s6  }
0xa: {  	s30 =	sshrl.u32 s14, $0x1;
	s17 =	sadd.s32 s8, s2;
	s7 =	sor.u32 $0x1C02, s31  }
0xb: {  	s5 =	smul.u32 $0x4E2, s1;
	s1 =	rddreg [dreg:$0x4];
	_ =	strace $0x80000047  }
0xc: {  	s12 =	sadd.s32 s10, s6;
	s9 =	sadd.s32 s8, s9;
	s14 =	ssub.s32 s14, s30  }
0xd: {  	s13 =	sshrl.u32 s17, $0x3;
	s17 =	simm.s32 $0x2710;
	s9 =	sshrl.u32 s9, $0x3  }
0xe: {  	s11 =	sadd.s32 s5, s6;
	s5 =	sadd.s32 $0x15C00, s6;
	s15 =	sadd.s32 s9, s6  }
0xf: {  	s9 =	sadd.s32 $0x15600, s12;
	s12 =	smax.u32 s14, $0x1;
	s14 =	simm.s32 $0x2  }
0x10: {  	s6 =	sadd.s32 s5, s10;
	s8 =	sadd.s32 $0x1A00, s11;
	s10 =	sadd.s32 $0x16200, s15  }
0x11: {  	s11 =	sadd.s32 $0x16C00, s16;
	s15 =	sshrl.u32 @!p0 s3, $0x3;
	s16 =	simm.s32 $0x2990  }
.LBB2_1:
0x12: {  	[spmem:s13], [sflag:s7] =	dma.local [hbm:s6], $0x50  }
0x13: {  	_ =	swait.ge [sflag:s14], $0x50  }
0x14: {  	[sflag:s14] =	ssyncset.done $0x0  }
0x15: {  	s22 =	simm.s32 @!p0 $0x2;
	[sflag:s14] =	ssyncadd.s32 $0xFFFFFFB0  }
0x16: {  	[spmem:s15], [sflag:s7] =	dma.local @!p0 [hbm:s5], $0x10  }
0x17: {  	_ =	swait.ge @!p0 [sflag:s22], $0x10  }
0x18: {  	[sflag:s22] =	ssyncset.done @!p0 $0x0  }
0x19: {  	[sflag:s22] =	ssyncadd.s32 @!p0 $0xFFFFFFF0  }
0x1a: {  	[tilespmem:s16], [sflag:$0x2] =	stream.linear.gather [hbm4b:s0+s4], $0x50, $0x38;
	[tilespmem:$0x2C68] =	vst v63  }
0x1b: {  	_ =	swait.ge [sflag:s14], $0x50  }
0x1c: {  	[sflag:s14] =	ssyncset.done $0x0  }
0x1d: {  	[sflag:s14] =	ssyncadd.s32 $0xFFFFFFB0  }
0x1e: {  	[tilespmem:s4], [sflag:$0x2] =	stream.linear.gather [hbm4b:s8+s4], $0x2710, $0x38;
	[tilespmem:$0x2C68] =	vst v63  }
0x1f: {  	_ =	swait.ge [sflag:s14], $0x2710  }
0x20: {  	[sflag:s14] =	ssyncset.done $0x0  }
0x21: {  	[sflag:s14] =	ssyncadd.s32 $0xFFFFD8F0  }
0x22: {  	[tilespmem:s17], [sflag:$0x2] =	stream.linear.gather [hbm4b:s9+s4], $0x280, $0x38;
	[tilespmem:$0x2C68] =	vst v63  }
0x23: {  	_ =	swait.ge [sflag:s14], $0x280  }
0x24: {  	[sflag:s14] =	ssyncset.done $0x0  }
0x25: {  	[sflag:s14] =	ssyncadd.s32 $0xFFFFFD80  }
0x26: {  	[bflag:$0x0] =	sbarrier.arrive $0xFFFF  }
0x27: {  	[spmem:s2] =	stream.indirect.scatter.add.f32 [tilespmem:s16], [sflag:$0x1], $0x1, s4, s18, $0xb8;
	[tilespmem:$0x2C68] =	vst v63  }
0x28: {  	_ = 	snop  }
0x29: {  	[spmem:s2] =	stream.indirect.scatter.add.f32 [tilespmem:s16], [sflag:$0x1], $0x1, s18, s18, $0xb8;
	[tilespmem:$0x2C68] =	vst v63  }
0x2a: {  	_ = 	snop  }
0x2b: {  	[spmem:s2] =	stream.indirect.scatter.add.f32 [tilespmem:s16], [sflag:$0x1], $0x1, s19, s18, $0xb8;
	[tilespmem:$0x2C68] =	vst v63  }
0x2c: {  	s31 =	simm.s32 $0xF0  }
0x2d: {  	[spmem:s2] =	stream.indirect.scatter.add.f32 [tilespmem:s16], [sflag:$0x1], $0x1, s31, s18, $0xb8;
	[tilespmem:$0x2C68] =	vst v63  }
0x2e: {  	_ =	swait.ge [sflag:s20], $0x50  }
0x2f: {  	s22 =	simm.s32 $0x500;
	[sflag:s20] =	ssyncset.done $0x0  }
.LBB2_2:
0x30: {  	s23 =	sshra.s32 s22, $0x2;
	[sflag:s20] =	ssyncadd.s32 $0xFFFFFFB0;
	p2 =	sne.s32 s22, $0x9B00  }
0x31: {  	[spmem:s2] =	stream.indirect.scatter.add.f32 [tilespmem:s16], [sflag:$0x1], $0x1, s23, s18, $0xb8;
	[tilespmem:$0x2C68] =	vst v63  }
.Ltmp0:
0x32: {  	_ = 	snop;
	(pc) =	sbr.rel @p2 .LBB2_2-.Ltmp0, $4  }
0x33: {  	_ = 	snop  }
0x34: {  	s22 =	sadd.s32 $0x140, s22  }
0x35: {  	_ =	swait.ge [sflag:s20], $0x50  }
0x36: {  	[sflag:s20] =	ssyncset.done $0x0  }
0x37: {  	[sflag:s20] =	ssyncadd.s32 $0xFFFFFFB0  }
0x38: {  	_ =	swait.ge [sflag:s20], $0x50  }
0x39: {  	[sflag:s20] =	ssyncset.done $0x0  }
0x3a: {  	[sflag:s20] =	ssyncadd.s32 $0xFFFFFFB0  }
0x3b: {  	_ =	swait.ge [sflag:s20], $0x50  }
0x3c: {  	[sflag:s20] =	ssyncset.done $0x0  }
0x3d: {  	[sflag:s20] =	ssyncadd.s32 $0xFFFFFFB0  }
0x3e: {  	_ =	swait.ge [sflag:s20], $0x50  }
0x3f: {  	s22 =	simm.s32 @!p1 $0x50;
	[sflag:s20] =	ssyncset.done $0x0  }
0x40: {  	s23 =	simm.s32 @!p1 $0x2710;
	s24 =	simm.s32 @!p1 $0x2990;
	[sflag:s20] =	ssyncadd.s32 $0xFFFFFFB0  }
0x41: {  	[spmem:s3] =	stream.indirect.scatter.add.f32 @!p1 [tilespmem:s24], [sflag:$0x1], $0x1, s23, s22, $0xb8;
	[tilespmem:$0x2C68] =	vst v63  }
0x42: {  	s23 =	simm.s32 @!p1 $0x2760  }
0x43: {  	[spmem:s3] =	stream.indirect.scatter.add.f32 @!p1 [tilespmem:s24], [sflag:$0x1], $0x1, s23, s22, $0xb8;
	[tilespmem:$0x2C68] =	vst v63  }
0x44: {  	s23 =	simm.s32 @!p1 $0x27B0  }
0x45: {  	[spmem:s3] =	stream.indirect.scatter.add.f32 @!p1 [tilespmem:s24], [sflag:$0x1], $0x1, s23, s22, $0xb8;
	[tilespmem:$0x2C68] =	vst v63  }
0x46: {  	s23 =	simm.s32 @!p1 $0x2800  }
0x47: {  	[spmem:s3] =	stream.indirect.scatter.add.f32 @!p1 [tilespmem:s24], [sflag:$0x1], $0x1, s23, s22, $0xb8;
	[tilespmem:$0x2C68] =	vst v63  }
0x48: {  	s23 =	simm.s32 @!p1 $0x2850  }
0x49: {  	[spmem:s3] =	stream.indirect.scatter.add.f32 @!p1 [tilespmem:s24], [sflag:$0x1], $0x1, s23, s22, $0xb8;
	[tilespmem:$0x2C68] =	vst v63  }
0x4a: {  	s23 =	simm.s32 @!p1 $0x28A0  }
0x4b: {  	[spmem:s3] =	stream.indirect.scatter.add.f32 @!p1 [tilespmem:s24], [sflag:$0x1], $0x1, s23, s22, $0xb8;
	[tilespmem:$0x2C68] =	vst v63  }
0x4c: {  	s23 =	simm.s32 @!p1 $0x28F0  }
0x4d: {  	[spmem:s3] =	stream.indirect.scatter.add.f32 @!p1 [tilespmem:s24], [sflag:$0x1], $0x1, s23, s22, $0xb8;
	[tilespmem:$0x2C68] =	vst v63  }
0x4e: {  	s23 =	simm.s32 @!p1 $0x2940  }
0x4f: {  	[spmem:s3] =	stream.indirect.scatter.add.f32 @!p1 [tilespmem:s24], [sflag:$0x1], $0x1, s23, s22, $0xb8;
	[tilespmem:$0x2C68] =	vst v63  }
0x50: {  	s22 =	simm.s32 @!p1 $0x1  }
0x51: {  	_ =	swait.ge @!p1 [sflag:s22], $0x50  }
0x52: {  	[sflag:s22] =	ssyncset.done @!p1 $0x0  }
0x53: {  	[sflag:s22] =	ssyncadd.s32 @!p1 $0xFFFFFFB0  }
0x54: {  	_ =	swait.ge @!p1 [sflag:s22], $0x50  }
0x55: {  	[sflag:s22] =	ssyncset.done @!p1 $0x0  }
0x56: {  	[sflag:s22] =	ssyncadd.s32 @!p1 $0xFFFFFFB0  }
0x57: {  	_ =	swait.ge @!p1 [sflag:s22], $0x50  }
0x58: {  	[sflag:s22] =	ssyncset.done @!p1 $0x0  }
0x59: {  	[sflag:s22] =	ssyncadd.s32 @!p1 $0xFFFFFFB0  }
0x5a: {  	_ =	swait.ge @!p1 [sflag:s22], $0x50  }
0x5b: {  	[sflag:s22] =	ssyncset.done @!p1 $0x0  }
0x5c: {  	[sflag:s22] =	ssyncadd.s32 @!p1 $0xFFFFFFB0  }
0x5d: {  	_ =	swait.ge @!p1 [sflag:s22], $0x50  }
0x5e: {  	[sflag:s22] =	ssyncset.done @!p1 $0x0  }
0x5f: {  	[sflag:s22] =	ssyncadd.s32 @!p1 $0xFFFFFFB0  }
0x60: {  	_ =	swait.ge @!p1 [sflag:s22], $0x50  }
0x61: {  	[sflag:s22] =	ssyncset.done @!p1 $0x0  }
0x62: {  	[sflag:s22] =	ssyncadd.s32 @!p1 $0xFFFFFFB0  }
0x63: {  	_ =	swait.ge @!p1 [sflag:s22], $0x50  }
0x64: {  	[sflag:s22] =	ssyncset.done @!p1 $0x0  }
0x65: {  	[sflag:s22] =	ssyncadd.s32 @!p1 $0xFFFFFFB0  }
0x66: {  	_ =	swait.ge @!p1 [sflag:s22], $0x50  }
0x67: {  	[sflag:s22] =	ssyncset.done @!p1 $0x0  }
0x68: {  	[sflag:s22] =	ssyncadd.s32 @!p1 $0xFFFFFFB0  }
0x69: {  	[bflag:$0x0] =	sbarrier.arrive $0xFFFF  }
0x6a: {  	[hbm:s10], [sflag:s7] =	dma.local [spmem:s13], $0x50  }
0x6b: {  	s21 =	sadd.s32 $0x1, s21;
	_ =	swait.ge [sflag:s14], $0x50  }
0x6c: {  	p2 =	sne.s32 s21, s12;
	[sflag:s14] =	ssyncset.done $0x0  }
.Ltmp1:
0x6d: {  	s22 =	simm.s32 @!p0 $0x2;
	[sflag:s14] =	ssyncadd.s32 $0xFFFFFFB0;
	(pc) =	sbr.rel @p2 .LBB2_1-.Ltmp1, $4  }
0x6e: {  	[hbm:s11], [sflag:s7] =	dma.local @!p0 [spmem:s15], $0x10  }
0x6f: {  	_ =	swait.ge @!p0 [sflag:s22], $0x10  }
0x70: {  	[sflag:s22] =	ssyncset.done @!p0 $0x0  }
0x71: {  	[sflag:s22] =	ssyncadd.s32 @!p0 $0xFFFFFFF0  }
0x72: {  	_ =	sfence.sel $0x180000  }
0x73: {  	[bflag:$0x0] =	sbarrier.arrive $0xFFFF  }
0x74: {  	_ =	strace $0x90000047  }
0x75: {  	s0 =	sadd.s32 @!p0 $0x100000, s1;
	[bflag:$0x2] =	sbarrier.arrive $0xFFFF  }
0x76: {  	[sflag:s0] =	ssyncadd.tile.s32 @!p0 $0x1;
	_ =	shalt  }
.Lfunc_end2:
_tile_overlayer_lowered:
.L_overlay_start_2:
0x77: {  	(tag) =	ssettag $0x2  }
0x78: {  	s0 =	rddreg [dreg:$0x0];
	s2 =	stileid.u32  }
0x79: {  	s1 =	rddreg [dreg:$0x1];
	p0 =	sne.s32 s2, $0x0  }
0x7a: {  	s3 =	rddreg [dreg:$0x2];
	[bflag:$0x3] =	sbarrier.arrive $0xFFFF;
	s2 =	simm.s32 @!p0 $0x1C02  }
0x7b: {  	[timem:s3], [sflag:s2] =	dma.local @!p0 [hbm:s0], s1  }
0x7c: {  	s0 =	simm.s32 @!p0 $0x2  }
0x7d: {  	_ =	swait.ge @!p0 [sflag:s0], s1  }
0x7e: {  	s1 =	ssub.s32 @!p0 $0x0, s1;
	[sflag:s0] =	ssyncset.done @!p0 $0x0  }
0x7f: {  	[sflag:s0] =	ssyncadd.s32 @!p0 s1  }
0x80: {  	[bflag:$0x3] =	sbarrier.arrive $0xFFFF  }
0x81: {  	_ =	shalt  }

</sc_bundles>
